<compile_context>
chip_gen: v7x
topology: tpu7x:2x2x1
jax: 0.10.2.dev20260603
libtpu: 0.0.44.dev20260713+nightly
codegen_flags: <defaults>
</compile_context>

<pallas_src>
import functools

import jax
import jax.numpy as jnp
from jax import lax
from jax.experimental import pallas as pl
from jax.experimental.pallas import tpu as pltpu
from jax.experimental.pallas import tpu_sc as plsc

N_NODES = 10000
N_EDGES = 320000
D = 128

NC, NS = 2, 16
NW = NC * NS
E_PER_W = N_EDGES // NW
K = 40
NB = E_PER_W // K
NBUF = 5
KD = 125
NBD = E_PER_W // KD
RPT = N_NODES // NS

@functools.cache
def _sc_kernels():
    mesh = plsc.VectorSubcoreMesh(core_axis_name="c", subcore_axis_name="s",
                                  num_cores=NC, num_subcores=NS)
    sc_params = pltpu.CompilerParams(use_tc_tiling_on_sc=False)

    @functools.partial(
        pl.kernel,
        out_type=jax.ShapeDtypeStruct((NC, N_NODES, 16), jnp.float32),
        mesh=mesh,
        scratch_types=[
            pltpu.VMEM_SHARED((N_NODES, 16), jnp.float32),
            pltpu.VMEM((NBD, KD), jnp.int32),
            pltpu.VMEM((KD, 16), jnp.float32),
            pltpu.SemaphoreType.DMA,
        ],
        compiler_params=sc_params,
    )
    def sc_degree(dst_hbm, ones_hbm, zeros_hbm, out_hbm, acc, didx, ones_v,
                  sem):
        c = lax.axis_index("c")
        s = lax.axis_index("s")
        wid = c * NS + s
        row0 = s * RPT
        pltpu.sync_copy(zeros_hbm, acc.at[pl.ds(row0, RPT)])
        pltpu.sync_copy(ones_hbm, ones_v)
        pltpu.sync_copy(dst_hbm.at[wid], didx)
        plsc.subcore_barrier()

        @pl.loop(0, NBD)
        def _(b):
            pltpu.async_copy(ones_v, acc.at[didx.at[b]], sem, add=True)

        @pl.loop(0, NBD)
        def _(b):
            pltpu.make_async_copy(ones_v, acc.at[didx.at[b]], sem).wait()

        plsc.subcore_barrier()
        pltpu.sync_copy(acc.at[pl.ds(row0, RPT)],
                        out_hbm.at[c, pl.ds(row0, RPT)])

    @functools.partial(
        pl.kernel,
        out_type=jax.ShapeDtypeStruct((NC, N_NODES, D), jnp.float32),
        mesh=mesh,
        scratch_types=[
            pltpu.VMEM_SHARED((N_NODES, D), jnp.float32),
            pltpu.VMEM((NB, K), jnp.int32),
            pltpu.VMEM((NB, K), jnp.int32),
            pltpu.VMEM((NBUF, K, D), jnp.float32),
            [pltpu.SemaphoreType.DMA] * NBUF,
            [pltpu.SemaphoreType.DMA] * NBUF,
        ],
        compiler_params=sc_params,
    )
    def sc_aggregate(y_hbm, src_hbm, dst_hbm, zeros_hbm, out_hbm,
                     acc, sidx, didx, rows, gsems, ssems):
        c = lax.axis_index("c")
        s = lax.axis_index("s")
        wid = c * NS + s
        row0 = s * RPT
        pltpu.sync_copy(zeros_hbm, acc.at[pl.ds(row0, RPT)])
        pltpu.sync_copy(src_hbm.at[wid], sidx)
        pltpu.sync_copy(dst_hbm.at[wid], didx)
        plsc.subcore_barrier()

        def fire_gather(b, j):
            pltpu.async_copy(y_hbm.at[sidx.at[b]], rows.at[j], gsems[j])

        def wait_gather(b, j):
            pltpu.make_async_copy(y_hbm.at[sidx.at[b]], rows.at[j],
                                  gsems[j]).wait()

        def fire_scatter(b, j):
            pltpu.async_copy(rows.at[j], acc.at[didx.at[b]], ssems[j],
                             add=True)

        def wait_scatter(b, j):
            pltpu.make_async_copy(rows.at[j], acc.at[didx.at[b]],
                                  ssems[j]).wait()

        for j in range(NBUF):
            fire_gather(j, j)

        @pl.loop(0, NB // NBUF - 1)
        def _(g):
            b0 = g * NBUF
            for j in range(NBUF):
                wait_gather(b0 + j, j)
                fire_scatter(b0 + j, j)
                wait_scatter(b0 + j, j)
                fire_gather(b0 + j + NBUF, j)

        b0 = NB - NBUF
        for j in range(NBUF):
            wait_gather(b0 + j, j)
            fire_scatter(b0 + j, j)
            wait_scatter(b0 + j, j)

        plsc.subcore_barrier()
        pltpu.sync_copy(acc.at[pl.ds(row0, RPT)],
                        out_hbm.at[c, pl.ds(row0, RPT)])

    return sc_degree, sc_aggregate


def _dis_block(degp):
    return lax.rsqrt(degp[0, :, 0] + degp[1, :, 0] + 1.0)


def _tc_first_body(degp_ref, x_ref, w_ref, y_ref):
    dis = _dis_block(degp_ref[...])
    y = jnp.dot(x_ref[...], w_ref[...], preferred_element_type=jnp.float32)
    y_ref[...] = y * dis[:, None]


def _tc_mid_body(degp_ref, agg_ref, y_ref, b_ref, w_ref, out_ref):
    dis = _dis_block(degp_ref[...])
    agg = agg_ref[0] + agg_ref[1] + y_ref[...]
    h = jnp.maximum(agg * dis[:, None] + b_ref[...], 0.0)
    out_ref[...] = jnp.dot(h, w_ref[...],
                           preferred_element_type=jnp.float32) * dis[:, None]


def _tc_last_body(degp_ref, agg_ref, y_ref, b_ref, out_ref):
    dis = _dis_block(degp_ref[...])
    agg = agg_ref[0] + agg_ref[1] + y_ref[...]
    out_ref[...] = jnp.maximum(agg * dis[:, None] + b_ref[...], 0.0)


_tc_first = pl.pallas_call(
    _tc_first_body,
    out_shape=jax.ShapeDtypeStruct((N_NODES, D), jnp.float32),
)

_tc_mid = pl.pallas_call(
    _tc_mid_body,
    out_shape=jax.ShapeDtypeStruct((N_NODES, D), jnp.float32),
)

_tc_last = pl.pallas_call(
    _tc_last_body,
    out_shape=jax.ShapeDtypeStruct((N_NODES, D), jnp.float32),
)


def kernel(x, edge_index, W1, b1, W2, b2):
    src = edge_index[0].astype(jnp.int32).reshape(NW, NB, K)
    dst = edge_index[1].astype(jnp.int32).reshape(NW, NB, K)
    dst_d = edge_index[1].astype(jnp.int32).reshape(NW, NBD, KD)
    ones16 = jnp.ones((KD, 16), jnp.float32)
    zeros16 = jnp.zeros((RPT, 16), jnp.float32)
    zerosD = jnp.zeros((RPT, D), jnp.float32)
    b1r = b1.reshape(1, D)
    b2r = b2.reshape(1, D)

    sc_degree, sc_aggregate = _sc_kernels()
    degp = sc_degree(dst_d, ones16, zeros16)
    y1 = _tc_first(degp, x, W1)
    agg1 = sc_aggregate(y1, src, dst, zerosD)
    y2 = _tc_mid(degp, agg1, y1, b1r, W2)
    agg2 = sc_aggregate(y2, src, dst, zerosD)
    out = _tc_last(degp, agg2, y2, b2r)
    return out

# --- scband reference (transcript-rebuilt; emitter-appended) ---
"""Pipeline reference for scband-territory-gnn-8813272891625 (READ-ONLY COPY).

The authoritative reference and input builder live on the scoring server;
editing this copy changes nothing except your own understanding.
"""

import jax, jax.numpy as jnp
import numpy as np

N_NODES = 10000
N_EDGES = 320000
D_IN = 128
D_HID = 128


def setup_inputs(seed: int = 0) -> dict:
    key = jax.random.key(seed)
    k1, k2, k3, k4, k5, k6 = jax.random.split(key, 6)
    x = jax.random.normal(k1, (N_NODES, D_IN), dtype=jnp.float32)
    edge_index = jax.random.randint(k2, (2, N_EDGES), 0, N_NODES, dtype=jnp.int64)
    # GCNConv linear weights (glorot-like init) and zero biases, per torch_geometric defaults
    W1 = jax.random.normal(k3, (D_IN, D_HID), dtype=jnp.float32) * (1.0 / np.sqrt(D_IN))
    b1 = jnp.zeros((D_HID,), dtype=jnp.float32)
    W2 = jax.random.normal(k4, (D_HID, D_HID), dtype=jnp.float32) * (1.0 / np.sqrt(D_HID))
    b2 = jnp.zeros((D_HID,), dtype=jnp.float32)
    return {"x": x, "edge_index": edge_index, "W1": W1, "b1": b1, "W2": W2, "b2": b2}


def _gcn_conv(x, edge_index, W, b, num_nodes):
    # Linear transform first (as in torch_geometric GCNConv)
    x = x @ W
    # Add self-loops
    loop = jnp.arange(num_nodes, dtype=edge_index.dtype)
    src = jnp.concatenate([edge_index[0], loop])
    dst = jnp.concatenate([edge_index[1], loop])
    # Symmetric normalization: deg computed on destination (col) with unit edge weights
    ones = jnp.ones_like(dst, dtype=x.dtype)
    deg = jax.ops.segment_sum(ones, dst, num_segments=num_nodes)
    deg_inv_sqrt = jnp.where(deg > 0, jax.lax.rsqrt(deg), 0.0)
    norm = deg_inv_sqrt[src] * deg_inv_sqrt[dst]
    # Message passing: gather source features, scale, scatter-add to destinations
    msgs = x[src] * norm[:, None]
    out = jax.ops.segment_sum(msgs, dst, num_segments=num_nodes)
    return out + b


def reference(x, edge_index, W1, b1, W2, b2):
    num_nodes = x.shape[0]
    h = _gcn_conv(x, edge_index, W1, b1, num_nodes)
    h = jax.nn.relu(h)
    h = _gcn_conv(h, edge_index, W2, b2, num_nodes)
    h = jax.nn.relu(h)
    return h

if __name__ == "__main__":
    import jax
    _d = setup_inputs()
    print(jax.jit(kernel)(*tuple(_d.values())))

</pallas_src>

<mosaic_0001>
#map = affine_map<(d0, d1) -> (0, 0)>
#map1 = affine_map<(d0, d1) -> (0, 0, 0)>
module attributes {stable_mosaic.version = 14 : i64} {
  func.func @sc_aggregate(%arg0: i32, %arg1: i32, %arg2: memref<10000x128xf32, #tpu.memory_space<hbm>>, %arg3: memref<32x250x40xi32, #tpu.memory_space<hbm>>, %arg4: memref<32x250x40xi32, #tpu.memory_space<hbm>>, %arg5: memref<625x128xf32, #tpu.memory_space<hbm>>, %arg6: memref<2x10000x128xf32, #tpu.memory_space<hbm>>, %arg7: memref<10000x128xf32, #tpu.memory_space<vmem_shared>>, %arg8: memref<250x40xi32, #tpu.memory_space<vmem>>, %arg9: memref<250x40xi32, #tpu.memory_space<vmem>>, %arg10: memref<5x40x128xf32, #tpu.memory_space<vmem>>, %arg11: memref<!tpu.dma_semaphore, #tpu.memory_space<semaphore_mem>>, %arg12: memref<!tpu.dma_semaphore, #tpu.memory_space<semaphore_mem>>, %arg13: memref<!tpu.dma_semaphore, #tpu.memory_space<semaphore_mem>>, %arg14: memref<!tpu.dma_semaphore, #tpu.memory_space<semaphore_mem>>, %arg15: memref<!tpu.dma_semaphore, #tpu.memory_space<semaphore_mem>>, %arg16: memref<!tpu.dma_semaphore, #tpu.memory_space<semaphore_mem>>, %arg17: memref<!tpu.dma_semaphore, #tpu.memory_space<semaphore_mem>>, %arg18: memref<!tpu.dma_semaphore, #tpu.memory_space<semaphore_mem>>, %arg19: memref<!tpu.dma_semaphore, #tpu.memory_space<semaphore_mem>>, %arg20: memref<!tpu.dma_semaphore, #tpu.memory_space<semaphore_mem>>) attributes {dimension_semantics = [#tpu.dimension_semantics<core_parallel>, #tpu.dimension_semantics<subcore_parallel>], iteration_bounds = array<i64: 2, 16>, scalar_prefetch = 0 : i64, scratch_operands = 14 : i64, tpu.core_type = #tpu.core_type<sc_vector_subcore>, window_params = [{transform_indices = #map}, {transform_indices = #map1}, {transform_indices = #map1}, {transform_indices = #map}, {transform_indices = #map1}]} {
    %mul3A = arith.constant 16 : i32
    %mul3A_0 = arith.muli %arg0, %mul3A : i32
    %add3A = arith.addi %mul3A_0, %arg1 : i32
    %mul3A_1 = arith.constant 625 : i32
    %mul3A_2 = arith.muli %arg1, %mul3A_1 : i32
    "tpu.region"() ({
      %run_scoped3A = tpu.sem_alloc : memref<!tpu.dma_semaphore, #tpu.memory_space<semaphore_mem>>
      %dma_start3A_246 = arith.constant 0 : i32
      %dma_start3A_247 = tpu.memref_slice %arg7[%mul3A_2, %dma_start3A_246] : memref<10000x128xf32, #tpu.memory_space<vmem_shared>> -> memref<625x128xf32, #tpu.memory_space<vmem_shared>>
      tpu.enqueue_dma source(%arg5 : memref<625x128xf32, #tpu.memory_space<hbm>>) target(%dma_start3A_247 : memref<625x128xf32, #tpu.memory_space<vmem_shared>>) target_semaphore(%run_scoped3A : memref<!tpu.dma_semaphore, #tpu.memory_space<semaphore_mem>>)
      %dma_wait3A_248 = arith.constant 0 : i32
      %dma_wait3A_249 = tpu.memref_slice %arg7[%mul3A_2, %dma_wait3A_248] : memref<10000x128xf32, #tpu.memory_space<vmem_shared>> -> memref<625x128xf32, #tpu.memory_space<vmem_shared>>
      tpu.wait_dma2 semaphore(%run_scoped3A : memref<!tpu.dma_semaphore, #tpu.memory_space<semaphore_mem>>) src(%arg5 : memref<625x128xf32, #tpu.memory_space<hbm>>) dst(%dma_wait3A_249 : memref<625x128xf32, #tpu.memory_space<vmem_shared>>)
      tpu.yield
    }) : () -> ()
    "tpu.region"() ({
      %run_scoped3A = tpu.sem_alloc : memref<!tpu.dma_semaphore, #tpu.memory_space<semaphore_mem>>
      %dma_start3A_246 = arith.constant 0 : i32
      %dma_start3A_247 = arith.constant 0 : i32
      %dma_start3A_248 = tpu.memref_slice %arg3[%add3A, %dma_start3A_246, %dma_start3A_247] : memref<32x250x40xi32, #tpu.memory_space<hbm>> -> memref<1x250x40xi32, #tpu.memory_space<hbm>>
      %dma_start3A_249 = tpu.memref_squeeze %dma_start3A_248 : memref<1x250x40xi32, #tpu.memory_space<hbm>> -> memref<250x40xi32, #tpu.memory_space<hbm>>
      %dma_start3A_250 = arith.constant 0 : i32
      %dma_start3A_251 = arith.constant 0 : i32
      %dma_start3A_252 = tpu.memref_slice %arg3[%add3A, %dma_start3A_250, %dma_start3A_251] : memref<32x250x40xi32, #tpu.memory_space<hbm>> -> memref<1x250x40xi32, #tpu.memory_space<hbm>>
      %dma_start3A_253 = tpu.memref_squeeze %dma_start3A_252 : memref<1x250x40xi32, #tpu.memory_space<hbm>> -> memref<250x40xi32, #tpu.memory_space<hbm>>
      tpu.enqueue_dma source(%dma_start3A_253 : memref<250x40xi32, #tpu.memory_space<hbm>>) target(%arg8 : memref<250x40xi32, #tpu.memory_space<vmem>>) target_semaphore(%run_scoped3A : memref<!tpu.dma_semaphore, #tpu.memory_space<semaphore_mem>>)
      %dma_wait3A_254 = arith.constant 0 : i32
      %dma_wait3A_255 = arith.constant 0 : i32
      %dma_wait3A_256 = tpu.memref_slice %arg3[%add3A, %dma_wait3A_254, %dma_wait3A_255] : memref<32x250x40xi32, #tpu.memory_space<hbm>> -> memref<1x250x40xi32, #tpu.memory_space<hbm>>
      %dma_wait3A_257 = tpu.memref_squeeze %dma_wait3A_256 : memref<1x250x40xi32, #tpu.memory_space<hbm>> -> memref<250x40xi32, #tpu.memory_space<hbm>>
      %dma_wait3A_258 = arith.constant 0 : i32
      %dma_wait3A_259 = arith.constant 0 : i32
      %dma_wait3A_260 = tpu.memref_slice %arg3[%add3A, %dma_wait3A_258, %dma_wait3A_259] : memref<32x250x40xi32, #tpu.memory_space<hbm>> -> memref<1x250x40xi32, #tpu.memory_space<hbm>>
      %dma_wait3A_261 = tpu.memref_squeeze %dma_wait3A_260 : memref<1x250x40xi32, #tpu.memory_space<hbm>> -> memref<250x40xi32, #tpu.memory_space<hbm>>
      tpu.wait_dma2 semaphore(%run_scoped3A : memref<!tpu.dma_semaphore, #tpu.memory_space<semaphore_mem>>) src(%dma_wait3A_261 : memref<250x40xi32, #tpu.memory_space<hbm>>) dst(%arg8 : memref<250x40xi32, #tpu.memory_space<vmem>>)
      tpu.yield
    }) : () -> ()
    "tpu.region"() ({
      %run_scoped3A = tpu.sem_alloc : memref<!tpu.dma_semaphore, #tpu.memory_space<semaphore_mem>>
      %dma_start3A_246 = arith.constant 0 : i32
      %dma_start3A_247 = arith.constant 0 : i32
      %dma_start3A_248 = tpu.memref_slice %arg4[%add3A, %dma_start3A_246, %dma_start3A_247] : memref<32x250x40xi32, #tpu.memory_space<hbm>> -> memref<1x250x40xi32, #tpu.memory_space<hbm>>
      %dma_start3A_249 = tpu.memref_squeeze %dma_start3A_248 : memref<1x250x40xi32, #tpu.memory_space<hbm>> -> memref<250x40xi32, #tpu.memory_space<hbm>>
      %dma_start3A_250 = arith.constant 0 : i32
      %dma_start3A_251 = arith.constant 0 : i32
      %dma_start3A_252 = tpu.memref_slice %arg4[%add3A, %dma_start3A_250, %dma_start3A_251] : memref<32x250x40xi32, #tpu.memory_space<hbm>> -> memref<1x250x40xi32, #tpu.memory_space<hbm>>
      %dma_start3A_253 = tpu.memref_squeeze %dma_start3A_252 : memref<1x250x40xi32, #tpu.memory_space<hbm>> -> memref<250x40xi32, #tpu.memory_space<hbm>>
      tpu.enqueue_dma source(%dma_start3A_253 : memref<250x40xi32, #tpu.memory_space<hbm>>) target(%arg9 : memref<250x40xi32, #tpu.memory_space<vmem>>) target_semaphore(%run_scoped3A : memref<!tpu.dma_semaphore, #tpu.memory_space<semaphore_mem>>)
      %dma_wait3A_254 = arith.constant 0 : i32
      %dma_wait3A_255 = arith.constant 0 : i32
      %dma_wait3A_256 = tpu.memref_slice %arg4[%add3A, %dma_wait3A_254, %dma_wait3A_255] : memref<32x250x40xi32, #tpu.memory_space<hbm>> -> memref<1x250x40xi32, #tpu.memory_space<hbm>>
      %dma_wait3A_257 = tpu.memref_squeeze %dma_wait3A_256 : memref<1x250x40xi32, #tpu.memory_space<hbm>> -> memref<250x40xi32, #tpu.memory_space<hbm>>
      %dma_wait3A_258 = arith.constant 0 : i32
      %dma_wait3A_259 = arith.constant 0 : i32
      %dma_wait3A_260 = tpu.memref_slice %arg4[%add3A, %dma_wait3A_258, %dma_wait3A_259] : memref<32x250x40xi32, #tpu.memory_space<hbm>> -> memref<1x250x40xi32, #tpu.memory_space<hbm>>
      %dma_wait3A_261 = tpu.memref_squeeze %dma_wait3A_260 : memref<1x250x40xi32, #tpu.memory_space<hbm>> -> memref<250x40xi32, #tpu.memory_space<hbm>>
      tpu.wait_dma2 semaphore(%run_scoped3A : memref<!tpu.dma_semaphore, #tpu.memory_space<semaphore_mem>>) src(%dma_wait3A_261 : memref<250x40xi32, #tpu.memory_space<hbm>>) dst(%arg9 : memref<250x40xi32, #tpu.memory_space<vmem>>)
      tpu.yield
    }) : () -> ()
    %barrier3A = arith.constant 0 : index
    tpu.barrier barrier_id(%barrier3A)
    %dma_start3A = arith.constant 0 : i32
    %dma_start3A_3 = arith.constant 0 : i32
    %dma_start3A_4 = arith.constant 0 : i32
    %dma_start3A_5 = arith.constant 0 : i32
    %dma_start3A_6 = tpu.memref_slice %arg10[%dma_start3A_3, %dma_start3A_4, %dma_start3A_5] : memref<5x40x128xf32, #tpu.memory_space<vmem>> -> memref<1x40x128xf32, #tpu.memory_space<vmem>>
    %dma_start3A_7 = tpu.memref_squeeze %dma_start3A_6 : memref<1x40x128xf32, #tpu.memory_space<vmem>> -> memref<40x128xf32, #tpu.memory_space<vmem>>
    %dma_start3A_8 = arith.constant 0 : i32
    %dma_start3A_9 = tpu.memref_slice %arg8[%dma_start3A, %dma_start3A_8] : memref<250x40xi32, #tpu.memory_space<vmem>> -> memref<1x40xi32, #tpu.memory_space<vmem>>
    %dma_start3A_10 = tpu.memref_squeeze %dma_start3A_9 : memref<1x40xi32, #tpu.memory_space<vmem>> -> memref<40xi32, #tpu.memory_space<vmem>>
    %dma_start3A_11 = arith.constant 0 : i32
    %dma_start3A_12 = arith.constant 0 : i32
    %dma_start3A_13 = tpu.memref_slice %arg2[%dma_start3A_11, %dma_start3A_12] : memref<10000x128xf32, #tpu.memory_space<hbm>> -> memref<10000x128xf32, #tpu.memory_space<hbm>>
    tpu.enqueue_indirect_dma source(%dma_start3A_13 : memref<10000x128xf32, #tpu.memory_space<hbm>>) target(%dma_start3A_7 : memref<40x128xf32, #tpu.memory_space<vmem>>) offsets(%dma_start3A_10 : memref<40xi32, #tpu.memory_space<vmem>>) semaphore(%arg11 : memref<!tpu.dma_semaphore, #tpu.memory_space<semaphore_mem>>)
    %dma_start3A_14 = arith.constant 1 : i32
    %dma_start3A_15 = arith.constant 1 : i32
    %dma_start3A_16 = arith.constant 0 : i32
    %dma_start3A_17 = arith.constant 0 : i32
    %dma_start3A_18 = tpu.memref_slice %arg10[%dma_start3A_15, %dma_start3A_16, %dma_start3A_17] : memref<5x40x128xf32, #tpu.memory_space<vmem>> -> memref<1x40x128xf32, #tpu.memory_space<vmem>>
    %dma_start3A_19 = tpu.memref_squeeze %dma_start3A_18 : memref<1x40x128xf32, #tpu.memory_space<vmem>> -> memref<40x128xf32, #tpu.memory_space<vmem>>
    %dma_start3A_20 = arith.constant 0 : i32
    %dma_start3A_21 = tpu.memref_slice %arg8[%dma_start3A_14, %dma_start3A_20] : memref<250x40xi32, #tpu.memory_space<vmem>> -> memref<1x40xi32, #tpu.memory_space<vmem>>
    %dma_start3A_22 = tpu.memref_squeeze %dma_start3A_21 : memref<1x40xi32, #tpu.memory_space<vmem>> -> memref<40xi32, #tpu.memory_space<vmem>>
    %dma_start3A_23 = arith.constant 0 : i32
    %dma_start3A_24 = arith.constant 0 : i32
    %dma_start3A_25 = tpu.memref_slice %arg2[%dma_start3A_23, %dma_start3A_24] : memref<10000x128xf32, #tpu.memory_space<hbm>> -> memref<10000x128xf32, #tpu.memory_space<hbm>>
    tpu.enqueue_indirect_dma source(%dma_start3A_25 : memref<10000x128xf32, #tpu.memory_space<hbm>>) target(%dma_start3A_19 : memref<40x128xf32, #tpu.memory_space<vmem>>) offsets(%dma_start3A_22 : memref<40xi32, #tpu.memory_space<vmem>>) semaphore(%arg12 : memref<!tpu.dma_semaphore, #tpu.memory_space<semaphore_mem>>)
    %dma_start3A_26 = arith.constant 2 : i32
    %dma_start3A_27 = arith.constant 2 : i32
    %dma_start3A_28 = arith.constant 0 : i32
    %dma_start3A_29 = arith.constant 0 : i32
    %dma_start3A_30 = tpu.memref_slice %arg10[%dma_start3A_27, %dma_start3A_28, %dma_start3A_29] : memref<5x40x128xf32, #tpu.memory_space<vmem>> -> memref<1x40x128xf32, #tpu.memory_space<vmem>>
    %dma_start3A_31 = tpu.memref_squeeze %dma_start3A_30 : memref<1x40x128xf32, #tpu.memory_space<vmem>> -> memref<40x128xf32, #tpu.memory_space<vmem>>
    %dma_start3A_32 = arith.constant 0 : i32
    %dma_start3A_33 = tpu.memref_slice %arg8[%dma_start3A_26, %dma_start3A_32] : memref<250x40xi32, #tpu.memory_space<vmem>> -> memref<1x40xi32, #tpu.memory_space<vmem>>
    %dma_start3A_34 = tpu.memref_squeeze %dma_start3A_33 : memref<1x40xi32, #tpu.memory_space<vmem>> -> memref<40xi32, #tpu.memory_space<vmem>>
    %dma_start3A_35 = arith.constant 0 : i32
    %dma_start3A_36 = arith.constant 0 : i32
    %dma_start3A_37 = tpu.memref_slice %arg2[%dma_start3A_35, %dma_start3A_36] : memref<10000x128xf32, #tpu.memory_space<hbm>> -> memref<10000x128xf32, #tpu.memory_space<hbm>>
    tpu.enqueue_indirect_dma source(%dma_start3A_37 : memref<10000x128xf32, #tpu.memory_space<hbm>>) target(%dma_start3A_31 : memref<40x128xf32, #tpu.memory_space<vmem>>) offsets(%dma_start3A_34 : memref<40xi32, #tpu.memory_space<vmem>>) semaphore(%arg13 : memref<!tpu.dma_semaphore, #tpu.memory_space<semaphore_mem>>)
    %dma_start3A_38 = arith.constant 3 : i32
    %dma_start3A_39 = arith.constant 3 : i32
    %dma_start3A_40 = arith.constant 0 : i32
    %dma_start3A_41 = arith.constant 0 : i32
    %dma_start3A_42 = tpu.memref_slice %arg10[%dma_start3A_39, %dma_start3A_40, %dma_start3A_41] : memref<5x40x128xf32, #tpu.memory_space<vmem>> -> memref<1x40x128xf32, #tpu.memory_space<vmem>>
    %dma_start3A_43 = tpu.memref_squeeze %dma_start3A_42 : memref<1x40x128xf32, #tpu.memory_space<vmem>> -> memref<40x128xf32, #tpu.memory_space<vmem>>
    %dma_start3A_44 = arith.constant 0 : i32
    %dma_start3A_45 = tpu.memref_slice %arg8[%dma_start3A_38, %dma_start3A_44] : memref<250x40xi32, #tpu.memory_space<vmem>> -> memref<1x40xi32, #tpu.memory_space<vmem>>
    %dma_start3A_46 = tpu.memref_squeeze %dma_start3A_45 : memref<1x40xi32, #tpu.memory_space<vmem>> -> memref<40xi32, #tpu.memory_space<vmem>>
    %dma_start3A_47 = arith.constant 0 : i32
    %dma_start3A_48 = arith.constant 0 : i32
    %dma_start3A_49 = tpu.memref_slice %arg2[%dma_start3A_47, %dma_start3A_48] : memref<10000x128xf32, #tpu.memory_space<hbm>> -> memref<10000x128xf32, #tpu.memory_space<hbm>>
    tpu.enqueue_indirect_dma source(%dma_start3A_49 : memref<10000x128xf32, #tpu.memory_space<hbm>>) target(%dma_start3A_43 : memref<40x128xf32, #tpu.memory_space<vmem>>) offsets(%dma_start3A_46 : memref<40xi32, #tpu.memory_space<vmem>>) semaphore(%arg14 : memref<!tpu.dma_semaphore, #tpu.memory_space<semaphore_mem>>)
    %dma_start3A_50 = arith.constant 4 : i32
    %dma_start3A_51 = arith.constant 4 : i32
    %dma_start3A_52 = arith.constant 0 : i32
    %dma_start3A_53 = arith.constant 0 : i32
    %dma_start3A_54 = tpu.memref_slice %arg10[%dma_start3A_51, %dma_start3A_52, %dma_start3A_53] : memref<5x40x128xf32, #tpu.memory_space<vmem>> -> memref<1x40x128xf32, #tpu.memory_space<vmem>>
    %dma_start3A_55 = tpu.memref_squeeze %dma_start3A_54 : memref<1x40x128xf32, #tpu.memory_space<vmem>> -> memref<40x128xf32, #tpu.memory_space<vmem>>
    %dma_start3A_56 = arith.constant 0 : i32
    %dma_start3A_57 = tpu.memref_slice %arg8[%dma_start3A_50, %dma_start3A_56] : memref<250x40xi32, #tpu.memory_space<vmem>> -> memref<1x40xi32, #tpu.memory_space<vmem>>
    %dma_start3A_58 = tpu.memref_squeeze %dma_start3A_57 : memref<1x40xi32, #tpu.memory_space<vmem>> -> memref<40xi32, #tpu.memory_space<vmem>>
    %dma_start3A_59 = arith.constant 0 : i32
    %dma_start3A_60 = arith.constant 0 : i32
    %dma_start3A_61 = tpu.memref_slice %arg2[%dma_start3A_59, %dma_start3A_60] : memref<10000x128xf32, #tpu.memory_space<hbm>> -> memref<10000x128xf32, #tpu.memory_space<hbm>>
    tpu.enqueue_indirect_dma source(%dma_start3A_61 : memref<10000x128xf32, #tpu.memory_space<hbm>>) target(%dma_start3A_55 : memref<40x128xf32, #tpu.memory_space<vmem>>) offsets(%dma_start3A_58 : memref<40xi32, #tpu.memory_space<vmem>>) semaphore(%arg15 : memref<!tpu.dma_semaphore, #tpu.memory_space<semaphore_mem>>)
    %scan3A = arith.constant 0 : i32
    %scan3A_62 = arith.constant 49 : i32
    %scan3A_63 = arith.addi %scan3A, %scan3A_62 : i32
    %scan3A_64 = arith.constant 1 : i32
    scf.for %scan3A_246 = %scan3A to %scan3A_63 step %scan3A_64  : i32 {
      %mul3A_247 = arith.constant 1 : i32
      %mul3A_248 = arith.muli %scan3A_246, %mul3A_247 : i32
      %add3A_249 = arith.constant 0 : i32
      %add3A_250 = arith.addi %add3A_249, %mul3A_248 : i32
      %mul3A_251 = arith.constant 5 : i32
      %mul3A_252 = arith.muli %add3A_250, %mul3A_251 : i32
      %add3A_253 = arith.constant 0 : i32
      %add3A_254 = arith.addi %mul3A_252, %add3A_253 : i32
      %dma_wait3A_255 = arith.constant 0 : i32
      %dma_wait3A_256 = arith.constant 0 : i32
      %dma_wait3A_257 = arith.constant 0 : i32
      %dma_wait3A_258 = tpu.memref_slice %arg10[%dma_wait3A_255, %dma_wait3A_256, %dma_wait3A_257] : memref<5x40x128xf32, #tpu.memory_space<vmem>> -> memref<1x40x128xf32, #tpu.memory_space<vmem>>
      %dma_wait3A_259 = tpu.memref_squeeze %dma_wait3A_258 : memref<1x40x128xf32, #tpu.memory_space<vmem>> -> memref<40x128xf32, #tpu.memory_space<vmem>>
      %dma_wait3A_260 = arith.constant 0 : i32
      %dma_wait3A_261 = tpu.memref_slice %arg8[%add3A_254, %dma_wait3A_260] : memref<250x40xi32, #tpu.memory_space<vmem>> -> memref<1x40xi32, #tpu.memory_space<vmem>>
      %dma_wait3A_262 = tpu.memref_squeeze %dma_wait3A_261 : memref<1x40xi32, #tpu.memory_space<vmem>> -> memref<40xi32, #tpu.memory_space<vmem>>
      %dma_wait3A_263 = arith.constant 0 : i32
      %dma_wait3A_264 = arith.constant 0 : i32
      %dma_wait3A_265 = tpu.memref_slice %arg2[%dma_wait3A_263, %dma_wait3A_264] : memref<10000x128xf32, #tpu.memory_space<hbm>> -> memref<10000x128xf32, #tpu.memory_space<hbm>>
      tpu.wait_indirect_dma semaphore(%arg11 : memref<!tpu.dma_semaphore, #tpu.memory_space<semaphore_mem>>) src(%dma_wait3A_265 : memref<10000x128xf32, #tpu.memory_space<hbm>>) dst(%dma_wait3A_259 : memref<40x128xf32, #tpu.memory_space<vmem>>)
      %add3A_266 = arith.constant 0 : i32
      %add3A_267 = arith.addi %mul3A_252, %add3A_266 : i32
      %dma_start3A_268 = arith.constant 0 : i32
      %dma_start3A_269 = arith.constant 0 : i32
      %dma_start3A_270 = arith.constant 0 : i32
      %dma_start3A_271 = tpu.memref_slice %arg10[%dma_start3A_268, %dma_start3A_269, %dma_start3A_270] : memref<5x40x128xf32, #tpu.memory_space<vmem>> -> memref<1x40x128xf32, #tpu.memory_space<vmem>>
      %dma_start3A_272 = tpu.memref_squeeze %dma_start3A_271 : memref<1x40x128xf32, #tpu.memory_space<vmem>> -> memref<40x128xf32, #tpu.memory_space<vmem>>
      %dma_start3A_273 = arith.constant 0 : i32
      %dma_start3A_274 = tpu.memref_slice %arg9[%add3A_267, %dma_start3A_273] : memref<250x40xi32, #tpu.memory_space<vmem>> -> memref<1x40xi32, #tpu.memory_space<vmem>>
      %dma_start3A_275 = tpu.memref_squeeze %dma_start3A_274 : memref<1x40xi32, #tpu.memory_space<vmem>> -> memref<40xi32, #tpu.memory_space<vmem>>
      %dma_start3A_276 = arith.constant 0 : i32
      %dma_start3A_277 = arith.constant 0 : i32
      %dma_start3A_278 = tpu.memref_slice %arg7[%dma_start3A_276, %dma_start3A_277] : memref<10000x128xf32, #tpu.memory_space<vmem_shared>> -> memref<10000x128xf32, #tpu.memory_space<vmem_shared>>
      tpu.enqueue_indirect_dma source(%dma_start3A_272 : memref<40x128xf32, #tpu.memory_space<vmem>>) target(%dma_start3A_278 : memref<10000x128xf32, #tpu.memory_space<vmem_shared>>) offsets(%dma_start3A_275 : memref<40xi32, #tpu.memory_space<vmem>>) semaphore(%arg16 : memref<!tpu.dma_semaphore, #tpu.memory_space<semaphore_mem>>) {add = true}
      %add3A_279 = arith.constant 0 : i32
      %add3A_280 = arith.addi %mul3A_252, %add3A_279 : i32
      %dma_wait3A_281 = arith.constant 0 : i32
      %dma_wait3A_282 = arith.constant 0 : i32
      %dma_wait3A_283 = arith.constant 0 : i32
      %dma_wait3A_284 = tpu.memref_slice %arg10[%dma_wait3A_281, %dma_wait3A_282, %dma_wait3A_283] : memref<5x40x128xf32, #tpu.memory_space<vmem>> -> memref<1x40x128xf32, #tpu.memory_space<vmem>>
      %dma_wait3A_285 = tpu.memref_squeeze %dma_wait3A_284 : memref<1x40x128xf32, #tpu.memory_space<vmem>> -> memref<40x128xf32, #tpu.memory_space<vmem>>
      %dma_wait3A_286 = arith.constant 0 : i32
      %dma_wait3A_287 = tpu.memref_slice %arg9[%add3A_280, %dma_wait3A_286] : memref<250x40xi32, #tpu.memory_space<vmem>> -> memref<1x40xi32, #tpu.memory_space<vmem>>
      %dma_wait3A_288 = tpu.memref_squeeze %dma_wait3A_287 : memref<1x40xi32, #tpu.memory_space<vmem>> -> memref<40xi32, #tpu.memory_space<vmem>>
      %dma_wait3A_289 = arith.constant 0 : i32
      %dma_wait3A_290 = arith.constant 0 : i32
      %dma_wait3A_291 = tpu.memref_slice %arg7[%dma_wait3A_289, %dma_wait3A_290] : memref<10000x128xf32, #tpu.memory_space<vmem_shared>> -> memref<10000x128xf32, #tpu.memory_space<vmem_shared>>
      tpu.wait_indirect_dma semaphore(%arg16 : memref<!tpu.dma_semaphore, #tpu.memory_space<semaphore_mem>>) src(%dma_wait3A_285 : memref<40x128xf32, #tpu.memory_space<vmem>>) dst(%dma_wait3A_291 : memref<10000x128xf32, #tpu.memory_space<vmem_shared>>)
      %add3A_292 = arith.constant 0 : i32
      %add3A_293 = arith.addi %mul3A_252, %add3A_292 : i32
      %add3A_294 = arith.constant 5 : i32
      %add3A_295 = arith.addi %add3A_293, %add3A_294 : i32
      %dma_start3A_296 = arith.constant 0 : i32
      %dma_start3A_297 = arith.constant 0 : i32
      %dma_start3A_298 = arith.constant 0 : i32
      %dma_start3A_299 = tpu.memref_slice %arg10[%dma_start3A_296, %dma_start3A_297, %dma_start3A_298] : memref<5x40x128xf32, #tpu.memory_space<vmem>> -> memref<1x40x128xf32, #tpu.memory_space<vmem>>
      %dma_start3A_300 = tpu.memref_squeeze %dma_start3A_299 : memref<1x40x128xf32, #tpu.memory_space<vmem>> -> memref<40x128xf32, #tpu.memory_space<vmem>>
      %dma_start3A_301 = arith.constant 0 : i32
      %dma_start3A_302 = tpu.memref_slice %arg8[%add3A_295, %dma_start3A_301] : memref<250x40xi32, #tpu.memory_space<vmem>> -> memref<1x40xi32, #tpu.memory_space<vmem>>
      %dma_start3A_303 = tpu.memref_squeeze %dma_start3A_302 : memref<1x40xi32, #tpu.memory_space<vmem>> -> memref<40xi32, #tpu.memory_space<vmem>>
      %dma_start3A_304 = arith.constant 0 : i32
      %dma_start3A_305 = arith.constant 0 : i32
      %dma_start3A_306 = tpu.memref_slice %arg2[%dma_start3A_304, %dma_start3A_305] : memref<10000x128xf32, #tpu.memory_space<hbm>> -> memref<10000x128xf32, #tpu.memory_space<hbm>>
      tpu.enqueue_indirect_dma source(%dma_start3A_306 : memref<10000x128xf32, #tpu.memory_space<hbm>>) target(%dma_start3A_300 : memref<40x128xf32, #tpu.memory_space<vmem>>) offsets(%dma_start3A_303 : memref<40xi32, #tpu.memory_space<vmem>>) semaphore(%arg11 : memref<!tpu.dma_semaphore, #tpu.memory_space<semaphore_mem>>)
      %add3A_307 = arith.constant 1 : i32
      %add3A_308 = arith.addi %mul3A_252, %add3A_307 : i32
      %dma_wait3A_309 = arith.constant 1 : i32
      %dma_wait3A_310 = arith.constant 0 : i32
      %dma_wait3A_311 = arith.constant 0 : i32
      %dma_wait3A_312 = tpu.memref_slice %arg10[%dma_wait3A_309, %dma_wait3A_310, %dma_wait3A_311] : memref<5x40x128xf32, #tpu.memory_space<vmem>> -> memref<1x40x128xf32, #tpu.memory_space<vmem>>
      %dma_wait3A_313 = tpu.memref_squeeze %dma_wait3A_312 : memref<1x40x128xf32, #tpu.memory_space<vmem>> -> memref<40x128xf32, #tpu.memory_space<vmem>>
      %dma_wait3A_314 = arith.constant 0 : i32
      %dma_wait3A_315 = tpu.memref_slice %arg8[%add3A_308, %dma_wait3A_314] : memref<250x40xi32, #tpu.memory_space<vmem>> -> memref<1x40xi32, #tpu.memory_space<vmem>>
      %dma_wait3A_316 = tpu.memref_squeeze %dma_wait3A_315 : memref<1x40xi32, #tpu.memory_space<vmem>> -> memref<40xi32, #tpu.memory_space<vmem>>
      %dma_wait3A_317 = arith.constant 0 : i32
      %dma_wait3A_318 = arith.constant 0 : i32
      %dma_wait3A_319 = tpu.memref_slice %arg2[%dma_wait3A_317, %dma_wait3A_318] : memref<10000x128xf32, #tpu.memory_space<hbm>> -> memref<10000x128xf32, #tpu.memory_space<hbm>>
      tpu.wait_indirect_dma semaphore(%arg12 : memref<!tpu.dma_semaphore, #tpu.memory_space<semaphore_mem>>) src(%dma_wait3A_319 : memref<10000x128xf32, #tpu.memory_space<hbm>>) dst(%dma_wait3A_313 : memref<40x128xf32, #tpu.memory_space<vmem>>)
      %add3A_320 = arith.constant 1 : i32
      %add3A_321 = arith.addi %mul3A_252, %add3A_320 : i32
      %dma_start3A_322 = arith.constant 1 : i32
      %dma_start3A_323 = arith.constant 0 : i32
      %dma_start3A_324 = arith.constant 0 : i32
      %dma_start3A_325 = tpu.memref_slice %arg10[%dma_start3A_322, %dma_start3A_323, %dma_start3A_324] : memref<5x40x128xf32, #tpu.memory_space<vmem>> -> memref<1x40x128xf32, #tpu.memory_space<vmem>>
      %dma_start3A_326 = tpu.memref_squeeze %dma_start3A_325 : memref<1x40x128xf32, #tpu.memory_space<vmem>> -> memref<40x128xf32, #tpu.memory_space<vmem>>
      %dma_start3A_327 = arith.constant 0 : i32
      %dma_start3A_328 = tpu.memref_slice %arg9[%add3A_321, %dma_start3A_327] : memref<250x40xi32, #tpu.memory_space<vmem>> -> memref<1x40xi32, #tpu.memory_space<vmem>>
      %dma_start3A_329 = tpu.memref_squeeze %dma_start3A_328 : memref<1x40xi32, #tpu.memory_space<vmem>> -> memref<40xi32, #tpu.memory_space<vmem>>
      %dma_start3A_330 = arith.constant 0 : i32
      %dma_start3A_331 = arith.constant 0 : i32
      %dma_start3A_332 = tpu.memref_slice %arg7[%dma_start3A_330, %dma_start3A_331] : memref<10000x128xf32, #tpu.memory_space<vmem_shared>> -> memref<10000x128xf32, #tpu.memory_space<vmem_shared>>
      tpu.enqueue_indirect_dma source(%dma_start3A_326 : memref<40x128xf32, #tpu.memory_space<vmem>>) target(%dma_start3A_332 : memref<10000x128xf32, #tpu.memory_space<vmem_shared>>) offsets(%dma_start3A_329 : memref<40xi32, #tpu.memory_space<vmem>>) semaphore(%arg17 : memref<!tpu.dma_semaphore, #tpu.memory_space<semaphore_mem>>) {add = true}
      %add3A_333 = arith.constant 1 : i32
      %add3A_334 = arith.addi %mul3A_252, %add3A_333 : i32
      %dma_wait3A_335 = arith.constant 1 : i32
      %dma_wait3A_336 = arith.constant 0 : i32
      %dma_wait3A_337 = arith.constant 0 : i32
      %dma_wait3A_338 = tpu.memref_slice %arg10[%dma_wait3A_335, %dma_wait3A_336, %dma_wait3A_337] : memref<5x40x128xf32, #tpu.memory_space<vmem>> -> memref<1x40x128xf32, #tpu.memory_space<vmem>>
      %dma_wait3A_339 = tpu.memref_squeeze %dma_wait3A_338 : memref<1x40x128xf32, #tpu.memory_space<vmem>> -> memref<40x128xf32, #tpu.memory_space<vmem>>
      %dma_wait3A_340 = arith.constant 0 : i32
      %dma_wait3A_341 = tpu.memref_slice %arg9[%add3A_334, %dma_wait3A_340] : memref<250x40xi32, #tpu.memory_space<vmem>> -> memref<1x40xi32, #tpu.memory_space<vmem>>
      %dma_wait3A_342 = tpu.memref_squeeze %dma_wait3A_341 : memref<1x40xi32, #tpu.memory_space<vmem>> -> memref<40xi32, #tpu.memory_space<vmem>>
      %dma_wait3A_343 = arith.constant 0 : i32
      %dma_wait3A_344 = arith.constant 0 : i32
      %dma_wait3A_345 = tpu.memref_slice %arg7[%dma_wait3A_343, %dma_wait3A_344] : memref<10000x128xf32, #tpu.memory_space<vmem_shared>> -> memref<10000x128xf32, #tpu.memory_space<vmem_shared>>
      tpu.wait_indirect_dma semaphore(%arg17 : memref<!tpu.dma_semaphore, #tpu.memory_space<semaphore_mem>>) src(%dma_wait3A_339 : memref<40x128xf32, #tpu.memory_space<vmem>>) dst(%dma_wait3A_345 : memref<10000x128xf32, #tpu.memory_space<vmem_shared>>)
      %add3A_346 = arith.constant 1 : i32
      %add3A_347 = arith.addi %mul3A_252, %add3A_346 : i32
      %add3A_348 = arith.constant 5 : i32
      %add3A_349 = arith.addi %add3A_347, %add3A_348 : i32
      %dma_start3A_350 = arith.constant 1 : i32
      %dma_start3A_351 = arith.constant 0 : i32
      %dma_start3A_352 = arith.constant 0 : i32
      %dma_start3A_353 = tpu.memref_slice %arg10[%dma_start3A_350, %dma_start3A_351, %dma_start3A_352] : memref<5x40x128xf32, #tpu.memory_space<vmem>> -> memref<1x40x128xf32, #tpu.memory_space<vmem>>
      %dma_start3A_354 = tpu.memref_squeeze %dma_start3A_353 : memref<1x40x128xf32, #tpu.memory_space<vmem>> -> memref<40x128xf32, #tpu.memory_space<vmem>>
      %dma_start3A_355 = arith.constant 0 : i32
      %dma_start3A_356 = tpu.memref_slice %arg8[%add3A_349, %dma_start3A_355] : memref<250x40xi32, #tpu.memory_space<vmem>> -> memref<1x40xi32, #tpu.memory_space<vmem>>
      %dma_start3A_357 = tpu.memref_squeeze %dma_start3A_356 : memref<1x40xi32, #tpu.memory_space<vmem>> -> memref<40xi32, #tpu.memory_space<vmem>>
      %dma_start3A_358 = arith.constant 0 : i32
      %dma_start3A_359 = arith.constant 0 : i32
      %dma_start3A_360 = tpu.memref_slice %arg2[%dma_start3A_358, %dma_start3A_359] : memref<10000x128xf32, #tpu.memory_space<hbm>> -> memref<10000x128xf32, #tpu.memory_space<hbm>>
      tpu.enqueue_indirect_dma source(%dma_start3A_360 : memref<10000x128xf32, #tpu.memory_space<hbm>>) target(%dma_start3A_354 : memref<40x128xf32, #tpu.memory_space<vmem>>) offsets(%dma_start3A_357 : memref<40xi32, #tpu.memory_space<vmem>>) semaphore(%arg12 : memref<!tpu.dma_semaphore, #tpu.memory_space<semaphore_mem>>)
      %add3A_361 = arith.constant 2 : i32
      %add3A_362 = arith.addi %mul3A_252, %add3A_361 : i32
      %dma_wait3A_363 = arith.constant 2 : i32
      %dma_wait3A_364 = arith.constant 0 : i32
      %dma_wait3A_365 = arith.constant 0 : i32
      %dma_wait3A_366 = tpu.memref_slice %arg10[%dma_wait3A_363, %dma_wait3A_364, %dma_wait3A_365] : memref<5x40x128xf32, #tpu.memory_space<vmem>> -> memref<1x40x128xf32, #tpu.memory_space<vmem>>
      %dma_wait3A_367 = tpu.memref_squeeze %dma_wait3A_366 : memref<1x40x128xf32, #tpu.memory_space<vmem>> -> memref<40x128xf32, #tpu.memory_space<vmem>>
      %dma_wait3A_368 = arith.constant 0 : i32
      %dma_wait3A_369 = tpu.memref_slice %arg8[%add3A_362, %dma_wait3A_368] : memref<250x40xi32, #tpu.memory_space<vmem>> -> memref<1x40xi32, #tpu.memory_space<vmem>>
      %dma_wait3A_370 = tpu.memref_squeeze %dma_wait3A_369 : memref<1x40xi32, #tpu.memory_space<vmem>> -> memref<40xi32, #tpu.memory_space<vmem>>
      %dma_wait3A_371 = arith.constant 0 : i32
      %dma_wait3A_372 = arith.constant 0 : i32
      %dma_wait3A_373 = tpu.memref_slice %arg2[%dma_wait3A_371, %dma_wait3A_372] : memref<10000x128xf32, #tpu.memory_space<hbm>> -> memref<10000x128xf32, #tpu.memory_space<hbm>>
      tpu.wait_indirect_dma semaphore(%arg13 : memref<!tpu.dma_semaphore, #tpu.memory_space<semaphore_mem>>) src(%dma_wait3A_373 : memref<10000x128xf32, #tpu.memory_space<hbm>>) dst(%dma_wait3A_367 : memref<40x128xf32, #tpu.memory_space<vmem>>)
      %add3A_374 = arith.constant 2 : i32
      %add3A_375 = arith.addi %mul3A_252, %add3A_374 : i32
      %dma_start3A_376 = arith.constant 2 : i32
      %dma_start3A_377 = arith.constant 0 : i32
      %dma_start3A_378 = arith.constant 0 : i32
      %dma_start3A_379 = tpu.memref_slice %arg10[%dma_start3A_376, %dma_start3A_377, %dma_start3A_378] : memref<5x40x128xf32, #tpu.memory_space<vmem>> -> memref<1x40x128xf32, #tpu.memory_space<vmem>>
      %dma_start3A_380 = tpu.memref_squeeze %dma_start3A_379 : memref<1x40x128xf32, #tpu.memory_space<vmem>> -> memref<40x128xf32, #tpu.memory_space<vmem>>
      %dma_start3A_381 = arith.constant 0 : i32
      %dma_start3A_382 = tpu.memref_slice %arg9[%add3A_375, %dma_start3A_381] : memref<250x40xi32, #tpu.memory_space<vmem>> -> memref<1x40xi32, #tpu.memory_space<vmem>>
      %dma_start3A_383 = tpu.memref_squeeze %dma_start3A_382 : memref<1x40xi32, #tpu.memory_space<vmem>> -> memref<40xi32, #tpu.memory_space<vmem>>
      %dma_start3A_384 = arith.constant 0 : i32
      %dma_start3A_385 = arith.constant 0 : i32
      %dma_start3A_386 = tpu.memref_slice %arg7[%dma_start3A_384, %dma_start3A_385] : memref<10000x128xf32, #tpu.memory_space<vmem_shared>> -> memref<10000x128xf32, #tpu.memory_space<vmem_shared>>
      tpu.enqueue_indirect_dma source(%dma_start3A_380 : memref<40x128xf32, #tpu.memory_space<vmem>>) target(%dma_start3A_386 : memref<10000x128xf32, #tpu.memory_space<vmem_shared>>) offsets(%dma_start3A_383 : memref<40xi32, #tpu.memory_space<vmem>>) semaphore(%arg18 : memref<!tpu.dma_semaphore, #tpu.memory_space<semaphore_mem>>) {add = true}
      %add3A_387 = arith.constant 2 : i32
      %add3A_388 = arith.addi %mul3A_252, %add3A_387 : i32
      %dma_wait3A_389 = arith.constant 2 : i32
      %dma_wait3A_390 = arith.constant 0 : i32
      %dma_wait3A_391 = arith.constant 0 : i32
      %dma_wait3A_392 = tpu.memref_slice %arg10[%dma_wait3A_389, %dma_wait3A_390, %dma_wait3A_391] : memref<5x40x128xf32, #tpu.memory_space<vmem>> -> memref<1x40x128xf32, #tpu.memory_space<vmem>>
      %dma_wait3A_393 = tpu.memref_squeeze %dma_wait3A_392 : memref<1x40x128xf32, #tpu.memory_space<vmem>> -> memref<40x128xf32, #tpu.memory_space<vmem>>
      %dma_wait3A_394 = arith.constant 0 : i32
      %dma_wait3A_395 = tpu.memref_slice %arg9[%add3A_388, %dma_wait3A_394] : memref<250x40xi32, #tpu.memory_space<vmem>> -> memref<1x40xi32, #tpu.memory_space<vmem>>
      %dma_wait3A_396 = tpu.memref_squeeze %dma_wait3A_395 : memref<1x40xi32, #tpu.memory_space<vmem>> -> memref<40xi32, #tpu.memory_space<vmem>>
      %dma_wait3A_397 = arith.constant 0 : i32
      %dma_wait3A_398 = arith.constant 0 : i32
      %dma_wait3A_399 = tpu.memref_slice %arg7[%dma_wait3A_397, %dma_wait3A_398] : memref<10000x128xf32, #tpu.memory_space<vmem_shared>> -> memref<10000x128xf32, #tpu.memory_space<vmem_shared>>
      tpu.wait_indirect_dma semaphore(%arg18 : memref<!tpu.dma_semaphore, #tpu.memory_space<semaphore_mem>>) src(%dma_wait3A_393 : memref<40x128xf32, #tpu.memory_space<vmem>>) dst(%dma_wait3A_399 : memref<10000x128xf32, #tpu.memory_space<vmem_shared>>)
      %add3A_400 = arith.constant 2 : i32
      %add3A_401 = arith.addi %mul3A_252, %add3A_400 : i32
      %add3A_402 = arith.constant 5 : i32
      %add3A_403 = arith.addi %add3A_401, %add3A_402 : i32
      %dma_start3A_404 = arith.constant 2 : i32
      %dma_start3A_405 = arith.constant 0 : i32
      %dma_start3A_406 = arith.constant 0 : i32
      %dma_start3A_407 = tpu.memref_slice %arg10[%dma_start3A_404, %dma_start3A_405, %dma_start3A_406] : memref<5x40x128xf32, #tpu.memory_space<vmem>> -> memref<1x40x128xf32, #tpu.memory_space<vmem>>
      %dma_start3A_408 = tpu.memref_squeeze %dma_start3A_407 : memref<1x40x128xf32, #tpu.memory_space<vmem>> -> memref<40x128xf32, #tpu.memory_space<vmem>>
      %dma_start3A_409 = arith.constant 0 : i32
      %dma_start3A_410 = tpu.memref_slice %arg8[%add3A_403, %dma_start3A_409] : memref<250x40xi32, #tpu.memory_space<vmem>> -> memref<1x40xi32, #tpu.memory_space<vmem>>
      %dma_start3A_411 = tpu.memref_squeeze %dma_start3A_410 : memref<1x40xi32, #tpu.memory_space<vmem>> -> memref<40xi32, #tpu.memory_space<vmem>>
      %dma_start3A_412 = arith.constant 0 : i32
      %dma_start3A_413 = arith.constant 0 : i32
      %dma_start3A_414 = tpu.memref_slice %arg2[%dma_start3A_412, %dma_start3A_413] : memref<10000x128xf32, #tpu.memory_space<hbm>> -> memref<10000x128xf32, #tpu.memory_space<hbm>>
      tpu.enqueue_indirect_dma source(%dma_start3A_414 : memref<10000x128xf32, #tpu.memory_space<hbm>>) target(%dma_start3A_408 : memref<40x128xf32, #tpu.memory_space<vmem>>) offsets(%dma_start3A_411 : memref<40xi32, #tpu.memory_space<vmem>>) semaphore(%arg13 : memref<!tpu.dma_semaphore, #tpu.memory_space<semaphore_mem>>)
      %add3A_415 = arith.constant 3 : i32
      %add3A_416 = arith.addi %mul3A_252, %add3A_415 : i32
      %dma_wait3A_417 = arith.constant 3 : i32
      %dma_wait3A_418 = arith.constant 0 : i32
      %dma_wait3A_419 = arith.constant 0 : i32
      %dma_wait3A_420 = tpu.memref_slice %arg10[%dma_wait3A_417, %dma_wait3A_418, %dma_wait3A_419] : memref<5x40x128xf32, #tpu.memory_space<vmem>> -> memref<1x40x128xf32, #tpu.memory_space<vmem>>
      %dma_wait3A_421 = tpu.memref_squeeze %dma_wait3A_420 : memref<1x40x128xf32, #tpu.memory_space<vmem>> -> memref<40x128xf32, #tpu.memory_space<vmem>>
      %dma_wait3A_422 = arith.constant 0 : i32
      %dma_wait3A_423 = tpu.memref_slice %arg8[%add3A_416, %dma_wait3A_422] : memref<250x40xi32, #tpu.memory_space<vmem>> -> memref<1x40xi32, #tpu.memory_space<vmem>>
      %dma_wait3A_424 = tpu.memref_squeeze %dma_wait3A_423 : memref<1x40xi32, #tpu.memory_space<vmem>> -> memref<40xi32, #tpu.memory_space<vmem>>
      %dma_wait3A_425 = arith.constant 0 : i32
      %dma_wait3A_426 = arith.constant 0 : i32
      %dma_wait3A_427 = tpu.memref_slice %arg2[%dma_wait3A_425, %dma_wait3A_426] : memref<10000x128xf32, #tpu.memory_space<hbm>> -> memref<10000x128xf32, #tpu.memory_space<hbm>>
      tpu.wait_indirect_dma semaphore(%arg14 : memref<!tpu.dma_semaphore, #tpu.memory_space<semaphore_mem>>) src(%dma_wait3A_427 : memref<10000x128xf32, #tpu.memory_space<hbm>>) dst(%dma_wait3A_421 : memref<40x128xf32, #tpu.memory_space<vmem>>)
      %add3A_428 = arith.constant 3 : i32
      %add3A_429 = arith.addi %mul3A_252, %add3A_428 : i32
      %dma_start3A_430 = arith.constant 3 : i32
      %dma_start3A_431 = arith.constant 0 : i32
      %dma_start3A_432 = arith.constant 0 : i32
      %dma_start3A_433 = tpu.memref_slice %arg10[%dma_start3A_430, %dma_start3A_431, %dma_start3A_432] : memref<5x40x128xf32, #tpu.memory_space<vmem>> -> memref<1x40x128xf32, #tpu.memory_space<vmem>>
      %dma_start3A_434 = tpu.memref_squeeze %dma_start3A_433 : memref<1x40x128xf32, #tpu.memory_space<vmem>> -> memref<40x128xf32, #tpu.memory_space<vmem>>
      %dma_start3A_435 = arith.constant 0 : i32
      %dma_start3A_436 = tpu.memref_slice %arg9[%add3A_429, %dma_start3A_435] : memref<250x40xi32, #tpu.memory_space<vmem>> -> memref<1x40xi32, #tpu.memory_space<vmem>>
      %dma_start3A_437 = tpu.memref_squeeze %dma_start3A_436 : memref<1x40xi32, #tpu.memory_space<vmem>> -> memref<40xi32, #tpu.memory_space<vmem>>
      %dma_start3A_438 = arith.constant 0 : i32
      %dma_start3A_439 = arith.constant 0 : i32
      %dma_start3A_440 = tpu.memref_slice %arg7[%dma_start3A_438, %dma_start3A_439] : memref<10000x128xf32, #tpu.memory_space<vmem_shared>> -> memref<10000x128xf32, #tpu.memory_space<vmem_shared>>
      tpu.enqueue_indirect_dma source(%dma_start3A_434 : memref<40x128xf32, #tpu.memory_space<vmem>>) target(%dma_start3A_440 : memref<10000x128xf32, #tpu.memory_space<vmem_shared>>) offsets(%dma_start3A_437 : memref<40xi32, #tpu.memory_space<vmem>>) semaphore(%arg19 : memref<!tpu.dma_semaphore, #tpu.memory_space<semaphore_mem>>) {add = true}
      %add3A_441 = arith.constant 3 : i32
      %add3A_442 = arith.addi %mul3A_252, %add3A_441 : i32
      %dma_wait3A_443 = arith.constant 3 : i32
      %dma_wait3A_444 = arith.constant 0 : i32
      %dma_wait3A_445 = arith.constant 0 : i32
      %dma_wait3A_446 = tpu.memref_slice %arg10[%dma_wait3A_443, %dma_wait3A_444, %dma_wait3A_445] : memref<5x40x128xf32, #tpu.memory_space<vmem>> -> memref<1x40x128xf32, #tpu.memory_space<vmem>>
      %dma_wait3A_447 = tpu.memref_squeeze %dma_wait3A_446 : memref<1x40x128xf32, #tpu.memory_space<vmem>> -> memref<40x128xf32, #tpu.memory_space<vmem>>
      %dma_wait3A_448 = arith.constant 0 : i32
      %dma_wait3A_449 = tpu.memref_slice %arg9[%add3A_442, %dma_wait3A_448] : memref<250x40xi32, #tpu.memory_space<vmem>> -> memref<1x40xi32, #tpu.memory_space<vmem>>
      %dma_wait3A_450 = tpu.memref_squeeze %dma_wait3A_449 : memref<1x40xi32, #tpu.memory_space<vmem>> -> memref<40xi32, #tpu.memory_space<vmem>>
      %dma_wait3A_451 = arith.constant 0 : i32
      %dma_wait3A_452 = arith.constant 0 : i32
      %dma_wait3A_453 = tpu.memref_slice %arg7[%dma_wait3A_451, %dma_wait3A_452] : memref<10000x128xf32, #tpu.memory_space<vmem_shared>> -> memref<10000x128xf32, #tpu.memory_space<vmem_shared>>
      tpu.wait_indirect_dma semaphore(%arg19 : memref<!tpu.dma_semaphore, #tpu.memory_space<semaphore_mem>>) src(%dma_wait3A_447 : memref<40x128xf32, #tpu.memory_space<vmem>>) dst(%dma_wait3A_453 : memref<10000x128xf32, #tpu.memory_space<vmem_shared>>)
      %add3A_454 = arith.constant 3 : i32
      %add3A_455 = arith.addi %mul3A_252, %add3A_454 : i32
      %add3A_456 = arith.constant 5 : i32
      %add3A_457 = arith.addi %add3A_455, %add3A_456 : i32
      %dma_start3A_458 = arith.constant 3 : i32
      %dma_start3A_459 = arith.constant 0 : i32
      %dma_start3A_460 = arith.constant 0 : i32
      %dma_start3A_461 = tpu.memref_slice %arg10[%dma_start3A_458, %dma_start3A_459, %dma_start3A_460] : memref<5x40x128xf32, #tpu.memory_space<vmem>> -> memref<1x40x128xf32, #tpu.memory_space<vmem>>
      %dma_start3A_462 = tpu.memref_squeeze %dma_start3A_461 : memref<1x40x128xf32, #tpu.memory_space<vmem>> -> memref<40x128xf32, #tpu.memory_space<vmem>>
      %dma_start3A_463 = arith.constant 0 : i32
      %dma_start3A_464 = tpu.memref_slice %arg8[%add3A_457, %dma_start3A_463] : memref<250x40xi32, #tpu.memory_space<vmem>> -> memref<1x40xi32, #tpu.memory_space<vmem>>
      %dma_start3A_465 = tpu.memref_squeeze %dma_start3A_464 : memref<1x40xi32, #tpu.memory_space<vmem>> -> memref<40xi32, #tpu.memory_space<vmem>>
      %dma_start3A_466 = arith.constant 0 : i32
      %dma_start3A_467 = arith.constant 0 : i32
      %dma_start3A_468 = tpu.memref_slice %arg2[%dma_start3A_466, %dma_start3A_467] : memref<10000x128xf32, #tpu.memory_space<hbm>> -> memref<10000x128xf32, #tpu.memory_space<hbm>>
      tpu.enqueue_indirect_dma source(%dma_start3A_468 : memref<10000x128xf32, #tpu.memory_space<hbm>>) target(%dma_start3A_462 : memref<40x128xf32, #tpu.memory_space<vmem>>) offsets(%dma_start3A_465 : memref<40xi32, #tpu.memory_space<vmem>>) semaphore(%arg14 : memref<!tpu.dma_semaphore, #tpu.memory_space<semaphore_mem>>)
      %add3A_469 = arith.constant 4 : i32
      %add3A_470 = arith.addi %mul3A_252, %add3A_469 : i32
      %dma_wait3A_471 = arith.constant 4 : i32
      %dma_wait3A_472 = arith.constant 0 : i32
      %dma_wait3A_473 = arith.constant 0 : i32
      %dma_wait3A_474 = tpu.memref_slice %arg10[%dma_wait3A_471, %dma_wait3A_472, %dma_wait3A_473] : memref<5x40x128xf32, #tpu.memory_space<vmem>> -> memref<1x40x128xf32, #tpu.memory_space<vmem>>
      %dma_wait3A_475 = tpu.memref_squeeze %dma_wait3A_474 : memref<1x40x128xf32, #tpu.memory_space<vmem>> -> memref<40x128xf32, #tpu.memory_space<vmem>>
      %dma_wait3A_476 = arith.constant 0 : i32
      %dma_wait3A_477 = tpu.memref_slice %arg8[%add3A_470, %dma_wait3A_476] : memref<250x40xi32, #tpu.memory_space<vmem>> -> memref<1x40xi32, #tpu.memory_space<vmem>>
      %dma_wait3A_478 = tpu.memref_squeeze %dma_wait3A_477 : memref<1x40xi32, #tpu.memory_space<vmem>> -> memref<40xi32, #tpu.memory_space<vmem>>
      %dma_wait3A_479 = arith.constant 0 : i32
      %dma_wait3A_480 = arith.constant 0 : i32
      %dma_wait3A_481 = tpu.memref_slice %arg2[%dma_wait3A_479, %dma_wait3A_480] : memref<10000x128xf32, #tpu.memory_space<hbm>> -> memref<10000x128xf32, #tpu.memory_space<hbm>>
      tpu.wait_indirect_dma semaphore(%arg15 : memref<!tpu.dma_semaphore, #tpu.memory_space<semaphore_mem>>) src(%dma_wait3A_481 : memref<10000x128xf32, #tpu.memory_space<hbm>>) dst(%dma_wait3A_475 : memref<40x128xf32, #tpu.memory_space<vmem>>)
      %add3A_482 = arith.constant 4 : i32
      %add3A_483 = arith.addi %mul3A_252, %add3A_482 : i32
      %dma_start3A_484 = arith.constant 4 : i32
      %dma_start3A_485 = arith.constant 0 : i32
      %dma_start3A_486 = arith.constant 0 : i32
      %dma_start3A_487 = tpu.memref_slice %arg10[%dma_start3A_484, %dma_start3A_485, %dma_start3A_486] : memref<5x40x128xf32, #tpu.memory_space<vmem>> -> memref<1x40x128xf32, #tpu.memory_space<vmem>>
      %dma_start3A_488 = tpu.memref_squeeze %dma_start3A_487 : memref<1x40x128xf32, #tpu.memory_space<vmem>> -> memref<40x128xf32, #tpu.memory_space<vmem>>
      %dma_start3A_489 = arith.constant 0 : i32
      %dma_start3A_490 = tpu.memref_slice %arg9[%add3A_483, %dma_start3A_489] : memref<250x40xi32, #tpu.memory_space<vmem>> -> memref<1x40xi32, #tpu.memory_space<vmem>>
      %dma_start3A_491 = tpu.memref_squeeze %dma_start3A_490 : memref<1x40xi32, #tpu.memory_space<vmem>> -> memref<40xi32, #tpu.memory_space<vmem>>
      %dma_start3A_492 = arith.constant 0 : i32
      %dma_start3A_493 = arith.constant 0 : i32
      %dma_start3A_494 = tpu.memref_slice %arg7[%dma_start3A_492, %dma_start3A_493] : memref<10000x128xf32, #tpu.memory_space<vmem_shared>> -> memref<10000x128xf32, #tpu.memory_space<vmem_shared>>
      tpu.enqueue_indirect_dma source(%dma_start3A_488 : memref<40x128xf32, #tpu.memory_space<vmem>>) target(%dma_start3A_494 : memref<10000x128xf32, #tpu.memory_space<vmem_shared>>) offsets(%dma_start3A_491 : memref<40xi32, #tpu.memory_space<vmem>>) semaphore(%arg20 : memref<!tpu.dma_semaphore, #tpu.memory_space<semaphore_mem>>) {add = true}
      %add3A_495 = arith.constant 4 : i32
      %add3A_496 = arith.addi %mul3A_252, %add3A_495 : i32
      %dma_wait3A_497 = arith.constant 4 : i32
      %dma_wait3A_498 = arith.constant 0 : i32
      %dma_wait3A_499 = arith.constant 0 : i32
      %dma_wait3A_500 = tpu.memref_slice %arg10[%dma_wait3A_497, %dma_wait3A_498, %dma_wait3A_499] : memref<5x40x128xf32, #tpu.memory_space<vmem>> -> memref<1x40x128xf32, #tpu.memory_space<vmem>>
      %dma_wait3A_501 = tpu.memref_squeeze %dma_wait3A_500 : memref<1x40x128xf32, #tpu.memory_space<vmem>> -> memref<40x128xf32, #tpu.memory_space<vmem>>
      %dma_wait3A_502 = arith.constant 0 : i32
      %dma_wait3A_503 = tpu.memref_slice %arg9[%add3A_496, %dma_wait3A_502] : memref<250x40xi32, #tpu.memory_space<vmem>> -> memref<1x40xi32, #tpu.memory_space<vmem>>
      %dma_wait3A_504 = tpu.memref_squeeze %dma_wait3A_503 : memref<1x40xi32, #tpu.memory_space<vmem>> -> memref<40xi32, #tpu.memory_space<vmem>>
      %dma_wait3A_505 = arith.constant 0 : i32
      %dma_wait3A_506 = arith.constant 0 : i32
      %dma_wait3A_507 = tpu.memref_slice %arg7[%dma_wait3A_505, %dma_wait3A_506] : memref<10000x128xf32, #tpu.memory_space<vmem_shared>> -> memref<10000x128xf32, #tpu.memory_space<vmem_shared>>
      tpu.wait_indirect_dma semaphore(%arg20 : memref<!tpu.dma_semaphore, #tpu.memory_space<semaphore_mem>>) src(%dma_wait3A_501 : memref<40x128xf32, #tpu.memory_space<vmem>>) dst(%dma_wait3A_507 : memref<10000x128xf32, #tpu.memory_space<vmem_shared>>)
      %add3A_508 = arith.constant 4 : i32
      %add3A_509 = arith.addi %mul3A_252, %add3A_508 : i32
      %add3A_510 = arith.constant 5 : i32
      %add3A_511 = arith.addi %add3A_509, %add3A_510 : i32
      %dma_start3A_512 = arith.constant 4 : i32
      %dma_start3A_513 = arith.constant 0 : i32
      %dma_start3A_514 = arith.constant 0 : i32
      %dma_start3A_515 = tpu.memref_slice %arg10[%dma_start3A_512, %dma_start3A_513, %dma_start3A_514] : memref<5x40x128xf32, #tpu.memory_space<vmem>> -> memref<1x40x128xf32, #tpu.memory_space<vmem>>
      %dma_start3A_516 = tpu.memref_squeeze %dma_start3A_515 : memref<1x40x128xf32, #tpu.memory_space<vmem>> -> memref<40x128xf32, #tpu.memory_space<vmem>>
      %dma_start3A_517 = arith.constant 0 : i32
      %dma_start3A_518 = tpu.memref_slice %arg8[%add3A_511, %dma_start3A_517] : memref<250x40xi32, #tpu.memory_space<vmem>> -> memref<1x40xi32, #tpu.memory_space<vmem>>
      %dma_start3A_519 = tpu.memref_squeeze %dma_start3A_518 : memref<1x40xi32, #tpu.memory_space<vmem>> -> memref<40xi32, #tpu.memory_space<vmem>>
      %dma_start3A_520 = arith.constant 0 : i32
      %dma_start3A_521 = arith.constant 0 : i32
      %dma_start3A_522 = tpu.memref_slice %arg2[%dma_start3A_520, %dma_start3A_521] : memref<10000x128xf32, #tpu.memory_space<hbm>> -> memref<10000x128xf32, #tpu.memory_space<hbm>>
      tpu.enqueue_indirect_dma source(%dma_start3A_522 : memref<10000x128xf32, #tpu.memory_space<hbm>>) target(%dma_start3A_516 : memref<40x128xf32, #tpu.memory_space<vmem>>) offsets(%dma_start3A_519 : memref<40xi32, #tpu.memory_space<vmem>>) semaphore(%arg15 : memref<!tpu.dma_semaphore, #tpu.memory_space<semaphore_mem>>)
    }
    %scan3A_65 = arith.constant 49 : i32
    %dma_wait3A = arith.constant 245 : i32
    %dma_wait3A_66 = arith.constant 0 : i32
    %dma_wait3A_67 = arith.constant 0 : i32
    %dma_wait3A_68 = arith.constant 0 : i32
    %dma_wait3A_69 = tpu.memref_slice %arg10[%dma_wait3A_66, %dma_wait3A_67, %dma_wait3A_68] : memref<5x40x128xf32, #tpu.memory_space<vmem>> -> memref<1x40x128xf32, #tpu.memory_space<vmem>>
    %dma_wait3A_70 = tpu.memref_squeeze %dma_wait3A_69 : memref<1x40x128xf32, #tpu.memory_space<vmem>> -> memref<40x128xf32, #tpu.memory_space<vmem>>
    %dma_wait3A_71 = arith.constant 0 : i32
    %dma_wait3A_72 = tpu.memref_slice %arg8[%dma_wait3A, %dma_wait3A_71] : memref<250x40xi32, #tpu.memory_space<vmem>> -> memref<1x40xi32, #tpu.memory_space<vmem>>
    %dma_wait3A_73 = tpu.memref_squeeze %dma_wait3A_72 : memref<1x40xi32, #tpu.memory_space<vmem>> -> memref<40xi32, #tpu.memory_space<vmem>>
    %dma_wait3A_74 = arith.constant 0 : i32
    %dma_wait3A_75 = arith.constant 0 : i32
    %dma_wait3A_76 = tpu.memref_slice %arg2[%dma_wait3A_74, %dma_wait3A_75] : memref<10000x128xf32, #tpu.memory_space<hbm>> -> memref<10000x128xf32, #tpu.memory_space<hbm>>
    tpu.wait_indirect_dma semaphore(%arg11 : memref<!tpu.dma_semaphore, #tpu.memory_space<semaphore_mem>>) src(%dma_wait3A_76 : memref<10000x128xf32, #tpu.memory_space<hbm>>) dst(%dma_wait3A_70 : memref<40x128xf32, #tpu.memory_space<vmem>>)
    %dma_start3A_77 = arith.constant 0 : i32
    %dma_start3A_78 = arith.constant 245 : i32
    %dma_start3A_79 = arith.constant 0 : i32
    %dma_start3A_80 = arith.constant 0 : i32
    %dma_start3A_81 = tpu.memref_slice %arg10[%dma_start3A_77, %dma_start3A_79, %dma_start3A_80] : memref<5x40x128xf32, #tpu.memory_space<vmem>> -> memref<1x40x128xf32, #tpu.memory_space<vmem>>
    %dma_start3A_82 = tpu.memref_squeeze %dma_start3A_81 : memref<1x40x128xf32, #tpu.memory_space<vmem>> -> memref<40x128xf32, #tpu.memory_space<vmem>>
    %dma_start3A_83 = arith.constant 0 : i32
    %dma_start3A_84 = tpu.memref_slice %arg9[%dma_start3A_78, %dma_start3A_83] : memref<250x40xi32, #tpu.memory_space<vmem>> -> memref<1x40xi32, #tpu.memory_space<vmem>>
    %dma_start3A_85 = tpu.memref_squeeze %dma_start3A_84 : memref<1x40xi32, #tpu.memory_space<vmem>> -> memref<40xi32, #tpu.memory_space<vmem>>
    %dma_start3A_86 = arith.constant 0 : i32
    %dma_start3A_87 = arith.constant 0 : i32
    %dma_start3A_88 = tpu.memref_slice %arg7[%dma_start3A_86, %dma_start3A_87] : memref<10000x128xf32, #tpu.memory_space<vmem_shared>> -> memref<10000x128xf32, #tpu.memory_space<vmem_shared>>
    tpu.enqueue_indirect_dma source(%dma_start3A_82 : memref<40x128xf32, #tpu.memory_space<vmem>>) target(%dma_start3A_88 : memref<10000x128xf32, #tpu.memory_space<vmem_shared>>) offsets(%dma_start3A_85 : memref<40xi32, #tpu.memory_space<vmem>>) semaphore(%arg16 : memref<!tpu.dma_semaphore, #tpu.memory_space<semaphore_mem>>) {add = true}
    %dma_wait3A_89 = arith.constant 0 : i32
    %dma_wait3A_90 = arith.constant 245 : i32
    %dma_wait3A_91 = arith.constant 0 : i32
    %dma_wait3A_92 = arith.constant 0 : i32
    %dma_wait3A_93 = tpu.memref_slice %arg10[%dma_wait3A_89, %dma_wait3A_91, %dma_wait3A_92] : memref<5x40x128xf32, #tpu.memory_space<vmem>> -> memref<1x40x128xf32, #tpu.memory_space<vmem>>
    %dma_wait3A_94 = tpu.memref_squeeze %dma_wait3A_93 : memref<1x40x128xf32, #tpu.memory_space<vmem>> -> memref<40x128xf32, #tpu.memory_space<vmem>>
    %dma_wait3A_95 = arith.constant 0 : i32
    %dma_wait3A_96 = tpu.memref_slice %arg9[%dma_wait3A_90, %dma_wait3A_95] : memref<250x40xi32, #tpu.memory_space<vmem>> -> memref<1x40xi32, #tpu.memory_space<vmem>>
    %dma_wait3A_97 = tpu.memref_squeeze %dma_wait3A_96 : memref<1x40xi32, #tpu.memory_space<vmem>> -> memref<40xi32, #tpu.memory_space<vmem>>
    %dma_wait3A_98 = arith.constant 0 : i32
    %dma_wait3A_99 = arith.constant 0 : i32
    %dma_wait3A_100 = tpu.memref_slice %arg7[%dma_wait3A_98, %dma_wait3A_99] : memref<10000x128xf32, #tpu.memory_space<vmem_shared>> -> memref<10000x128xf32, #tpu.memory_space<vmem_shared>>
    tpu.wait_indirect_dma semaphore(%arg16 : memref<!tpu.dma_semaphore, #tpu.memory_space<semaphore_mem>>) src(%dma_wait3A_94 : memref<40x128xf32, #tpu.memory_space<vmem>>) dst(%dma_wait3A_100 : memref<10000x128xf32, #tpu.memory_space<vmem_shared>>)
    %dma_wait3A_101 = arith.constant 246 : i32
    %dma_wait3A_102 = arith.constant 1 : i32
    %dma_wait3A_103 = arith.constant 0 : i32
    %dma_wait3A_104 = arith.constant 0 : i32
    %dma_wait3A_105 = tpu.memref_slice %arg10[%dma_wait3A_102, %dma_wait3A_103, %dma_wait3A_104] : memref<5x40x128xf32, #tpu.memory_space<vmem>> -> memref<1x40x128xf32, #tpu.memory_space<vmem>>
    %dma_wait3A_106 = tpu.memref_squeeze %dma_wait3A_105 : memref<1x40x128xf32, #tpu.memory_space<vmem>> -> memref<40x128xf32, #tpu.memory_space<vmem>>
    %dma_wait3A_107 = arith.constant 0 : i32
    %dma_wait3A_108 = tpu.memref_slice %arg8[%dma_wait3A_101, %dma_wait3A_107] : memref<250x40xi32, #tpu.memory_space<vmem>> -> memref<1x40xi32, #tpu.memory_space<vmem>>
    %dma_wait3A_109 = tpu.memref_squeeze %dma_wait3A_108 : memref<1x40xi32, #tpu.memory_space<vmem>> -> memref<40xi32, #tpu.memory_space<vmem>>
    %dma_wait3A_110 = arith.constant 0 : i32
    %dma_wait3A_111 = arith.constant 0 : i32
    %dma_wait3A_112 = tpu.memref_slice %arg2[%dma_wait3A_110, %dma_wait3A_111] : memref<10000x128xf32, #tpu.memory_space<hbm>> -> memref<10000x128xf32, #tpu.memory_space<hbm>>
    tpu.wait_indirect_dma semaphore(%arg12 : memref<!tpu.dma_semaphore, #tpu.memory_space<semaphore_mem>>) src(%dma_wait3A_112 : memref<10000x128xf32, #tpu.memory_space<hbm>>) dst(%dma_wait3A_106 : memref<40x128xf32, #tpu.memory_space<vmem>>)
    %dma_start3A_113 = arith.constant 1 : i32
    %dma_start3A_114 = arith.constant 246 : i32
    %dma_start3A_115 = arith.constant 0 : i32
    %dma_start3A_116 = arith.constant 0 : i32
    %dma_start3A_117 = tpu.memref_slice %arg10[%dma_start3A_113, %dma_start3A_115, %dma_start3A_116] : memref<5x40x128xf32, #tpu.memory_space<vmem>> -> memref<1x40x128xf32, #tpu.memory_space<vmem>>
    %dma_start3A_118 = tpu.memref_squeeze %dma_start3A_117 : memref<1x40x128xf32, #tpu.memory_space<vmem>> -> memref<40x128xf32, #tpu.memory_space<vmem>>
    %dma_start3A_119 = arith.constant 0 : i32
    %dma_start3A_120 = tpu.memref_slice %arg9[%dma_start3A_114, %dma_start3A_119] : memref<250x40xi32, #tpu.memory_space<vmem>> -> memref<1x40xi32, #tpu.memory_space<vmem>>
    %dma_start3A_121 = tpu.memref_squeeze %dma_start3A_120 : memref<1x40xi32, #tpu.memory_space<vmem>> -> memref<40xi32, #tpu.memory_space<vmem>>
    %dma_start3A_122 = arith.constant 0 : i32
    %dma_start3A_123 = arith.constant 0 : i32
    %dma_start3A_124 = tpu.memref_slice %arg7[%dma_start3A_122, %dma_start3A_123] : memref<10000x128xf32, #tpu.memory_space<vmem_shared>> -> memref<10000x128xf32, #tpu.memory_space<vmem_shared>>
    tpu.enqueue_indirect_dma source(%dma_start3A_118 : memref<40x128xf32, #tpu.memory_space<vmem>>) target(%dma_start3A_124 : memref<10000x128xf32, #tpu.memory_space<vmem_shared>>) offsets(%dma_start3A_121 : memref<40xi32, #tpu.memory_space<vmem>>) semaphore(%arg17 : memref<!tpu.dma_semaphore, #tpu.memory_space<semaphore_mem>>) {add = true}
    %dma_wait3A_125 = arith.constant 1 : i32
    %dma_wait3A_126 = arith.constant 246 : i32
    %dma_wait3A_127 = arith.constant 0 : i32
    %dma_wait3A_128 = arith.constant 0 : i32
    %dma_wait3A_129 = tpu.memref_slice %arg10[%dma_wait3A_125, %dma_wait3A_127, %dma_wait3A_128] : memref<5x40x128xf32, #tpu.memory_space<vmem>> -> memref<1x40x128xf32, #tpu.memory_space<vmem>>
    %dma_wait3A_130 = tpu.memref_squeeze %dma_wait3A_129 : memref<1x40x128xf32, #tpu.memory_space<vmem>> -> memref<40x128xf32, #tpu.memory_space<vmem>>
    %dma_wait3A_131 = arith.constant 0 : i32
    %dma_wait3A_132 = tpu.memref_slice %arg9[%dma_wait3A_126, %dma_wait3A_131] : memref<250x40xi32, #tpu.memory_space<vmem>> -> memref<1x40xi32, #tpu.memory_space<vmem>>
    %dma_wait3A_133 = tpu.memref_squeeze %dma_wait3A_132 : memref<1x40xi32, #tpu.memory_space<vmem>> -> memref<40xi32, #tpu.memory_space<vmem>>
    %dma_wait3A_134 = arith.constant 0 : i32
    %dma_wait3A_135 = arith.constant 0 : i32
    %dma_wait3A_136 = tpu.memref_slice %arg7[%dma_wait3A_134, %dma_wait3A_135] : memref<10000x128xf32, #tpu.memory_space<vmem_shared>> -> memref<10000x128xf32, #tpu.memory_space<vmem_shared>>
    tpu.wait_indirect_dma semaphore(%arg17 : memref<!tpu.dma_semaphore, #tpu.memory_space<semaphore_mem>>) src(%dma_wait3A_130 : memref<40x128xf32, #tpu.memory_space<vmem>>) dst(%dma_wait3A_136 : memref<10000x128xf32, #tpu.memory_space<vmem_shared>>)
    %dma_wait3A_137 = arith.constant 247 : i32
    %dma_wait3A_138 = arith.constant 2 : i32
    %dma_wait3A_139 = arith.constant 0 : i32
    %dma_wait3A_140 = arith.constant 0 : i32
    %dma_wait3A_141 = tpu.memref_slice %arg10[%dma_wait3A_138, %dma_wait3A_139, %dma_wait3A_140] : memref<5x40x128xf32, #tpu.memory_space<vmem>> -> memref<1x40x128xf32, #tpu.memory_space<vmem>>
    %dma_wait3A_142 = tpu.memref_squeeze %dma_wait3A_141 : memref<1x40x128xf32, #tpu.memory_space<vmem>> -> memref<40x128xf32, #tpu.memory_space<vmem>>
    %dma_wait3A_143 = arith.constant 0 : i32
    %dma_wait3A_144 = tpu.memref_slice %arg8[%dma_wait3A_137, %dma_wait3A_143] : memref<250x40xi32, #tpu.memory_space<vmem>> -> memref<1x40xi32, #tpu.memory_space<vmem>>
    %dma_wait3A_145 = tpu.memref_squeeze %dma_wait3A_144 : memref<1x40xi32, #tpu.memory_space<vmem>> -> memref<40xi32, #tpu.memory_space<vmem>>
    %dma_wait3A_146 = arith.constant 0 : i32
    %dma_wait3A_147 = arith.constant 0 : i32
    %dma_wait3A_148 = tpu.memref_slice %arg2[%dma_wait3A_146, %dma_wait3A_147] : memref<10000x128xf32, #tpu.memory_space<hbm>> -> memref<10000x128xf32, #tpu.memory_space<hbm>>
    tpu.wait_indirect_dma semaphore(%arg13 : memref<!tpu.dma_semaphore, #tpu.memory_space<semaphore_mem>>) src(%dma_wait3A_148 : memref<10000x128xf32, #tpu.memory_space<hbm>>) dst(%dma_wait3A_142 : memref<40x128xf32, #tpu.memory_space<vmem>>)
    %dma_start3A_149 = arith.constant 2 : i32
    %dma_start3A_150 = arith.constant 247 : i32
    %dma_start3A_151 = arith.constant 0 : i32
    %dma_start3A_152 = arith.constant 0 : i32
    %dma_start3A_153 = tpu.memref_slice %arg10[%dma_start3A_149, %dma_start3A_151, %dma_start3A_152] : memref<5x40x128xf32, #tpu.memory_space<vmem>> -> memref<1x40x128xf32, #tpu.memory_space<vmem>>
    %dma_start3A_154 = tpu.memref_squeeze %dma_start3A_153 : memref<1x40x128xf32, #tpu.memory_space<vmem>> -> memref<40x128xf32, #tpu.memory_space<vmem>>
    %dma_start3A_155 = arith.constant 0 : i32
    %dma_start3A_156 = tpu.memref_slice %arg9[%dma_start3A_150, %dma_start3A_155] : memref<250x40xi32, #tpu.memory_space<vmem>> -> memref<1x40xi32, #tpu.memory_space<vmem>>
    %dma_start3A_157 = tpu.memref_squeeze %dma_start3A_156 : memref<1x40xi32, #tpu.memory_space<vmem>> -> memref<40xi32, #tpu.memory_space<vmem>>
    %dma_start3A_158 = arith.constant 0 : i32
    %dma_start3A_159 = arith.constant 0 : i32
    %dma_start3A_160 = tpu.memref_slice %arg7[%dma_start3A_158, %dma_start3A_159] : memref<10000x128xf32, #tpu.memory_space<vmem_shared>> -> memref<10000x128xf32, #tpu.memory_space<vmem_shared>>
    tpu.enqueue_indirect_dma source(%dma_start3A_154 : memref<40x128xf32, #tpu.memory_space<vmem>>) target(%dma_start3A_160 : memref<10000x128xf32, #tpu.memory_space<vmem_shared>>) offsets(%dma_start3A_157 : memref<40xi32, #tpu.memory_space<vmem>>) semaphore(%arg18 : memref<!tpu.dma_semaphore, #tpu.memory_space<semaphore_mem>>) {add = true}
    %dma_wait3A_161 = arith.constant 2 : i32
    %dma_wait3A_162 = arith.constant 247 : i32
    %dma_wait3A_163 = arith.constant 0 : i32
    %dma_wait3A_164 = arith.constant 0 : i32
    %dma_wait3A_165 = tpu.memref_slice %arg10[%dma_wait3A_161, %dma_wait3A_163, %dma_wait3A_164] : memref<5x40x128xf32, #tpu.memory_space<vmem>> -> memref<1x40x128xf32, #tpu.memory_space<vmem>>
    %dma_wait3A_166 = tpu.memref_squeeze %dma_wait3A_165 : memref<1x40x128xf32, #tpu.memory_space<vmem>> -> memref<40x128xf32, #tpu.memory_space<vmem>>
    %dma_wait3A_167 = arith.constant 0 : i32
    %dma_wait3A_168 = tpu.memref_slice %arg9[%dma_wait3A_162, %dma_wait3A_167] : memref<250x40xi32, #tpu.memory_space<vmem>> -> memref<1x40xi32, #tpu.memory_space<vmem>>
    %dma_wait3A_169 = tpu.memref_squeeze %dma_wait3A_168 : memref<1x40xi32, #tpu.memory_space<vmem>> -> memref<40xi32, #tpu.memory_space<vmem>>
    %dma_wait3A_170 = arith.constant 0 : i32
    %dma_wait3A_171 = arith.constant 0 : i32
    %dma_wait3A_172 = tpu.memref_slice %arg7[%dma_wait3A_170, %dma_wait3A_171] : memref<10000x128xf32, #tpu.memory_space<vmem_shared>> -> memref<10000x128xf32, #tpu.memory_space<vmem_shared>>
    tpu.wait_indirect_dma semaphore(%arg18 : memref<!tpu.dma_semaphore, #tpu.memory_space<semaphore_mem>>) src(%dma_wait3A_166 : memref<40x128xf32, #tpu.memory_space<vmem>>) dst(%dma_wait3A_172 : memref<10000x128xf32, #tpu.memory_space<vmem_shared>>)
    %dma_wait3A_173 = arith.constant 248 : i32
    %dma_wait3A_174 = arith.constant 3 : i32
    %dma_wait3A_175 = arith.constant 0 : i32
    %dma_wait3A_176 = arith.constant 0 : i32
    %dma_wait3A_177 = tpu.memref_slice %arg10[%dma_wait3A_174, %dma_wait3A_175, %dma_wait3A_176] : memref<5x40x128xf32, #tpu.memory_space<vmem>> -> memref<1x40x128xf32, #tpu.memory_space<vmem>>
    %dma_wait3A_178 = tpu.memref_squeeze %dma_wait3A_177 : memref<1x40x128xf32, #tpu.memory_space<vmem>> -> memref<40x128xf32, #tpu.memory_space<vmem>>
    %dma_wait3A_179 = arith.constant 0 : i32
    %dma_wait3A_180 = tpu.memref_slice %arg8[%dma_wait3A_173, %dma_wait3A_179] : memref<250x40xi32, #tpu.memory_space<vmem>> -> memref<1x40xi32, #tpu.memory_space<vmem>>
    %dma_wait3A_181 = tpu.memref_squeeze %dma_wait3A_180 : memref<1x40xi32, #tpu.memory_space<vmem>> -> memref<40xi32, #tpu.memory_space<vmem>>
    %dma_wait3A_182 = arith.constant 0 : i32
    %dma_wait3A_183 = arith.constant 0 : i32
    %dma_wait3A_184 = tpu.memref_slice %arg2[%dma_wait3A_182, %dma_wait3A_183] : memref<10000x128xf32, #tpu.memory_space<hbm>> -> memref<10000x128xf32, #tpu.memory_space<hbm>>
    tpu.wait_indirect_dma semaphore(%arg14 : memref<!tpu.dma_semaphore, #tpu.memory_space<semaphore_mem>>) src(%dma_wait3A_184 : memref<10000x128xf32, #tpu.memory_space<hbm>>) dst(%dma_wait3A_178 : memref<40x128xf32, #tpu.memory_space<vmem>>)
    %dma_start3A_185 = arith.constant 3 : i32
    %dma_start3A_186 = arith.constant 248 : i32
    %dma_start3A_187 = arith.constant 0 : i32
    %dma_start3A_188 = arith.constant 0 : i32
    %dma_start3A_189 = tpu.memref_slice %arg10[%dma_start3A_185, %dma_start3A_187, %dma_start3A_188] : memref<5x40x128xf32, #tpu.memory_space<vmem>> -> memref<1x40x128xf32, #tpu.memory_space<vmem>>
    %dma_start3A_190 = tpu.memref_squeeze %dma_start3A_189 : memref<1x40x128xf32, #tpu.memory_space<vmem>> -> memref<40x128xf32, #tpu.memory_space<vmem>>
    %dma_start3A_191 = arith.constant 0 : i32
    %dma_start3A_192 = tpu.memref_slice %arg9[%dma_start3A_186, %dma_start3A_191] : memref<250x40xi32, #tpu.memory_space<vmem>> -> memref<1x40xi32, #tpu.memory_space<vmem>>
    %dma_start3A_193 = tpu.memref_squeeze %dma_start3A_192 : memref<1x40xi32, #tpu.memory_space<vmem>> -> memref<40xi32, #tpu.memory_space<vmem>>
    %dma_start3A_194 = arith.constant 0 : i32
    %dma_start3A_195 = arith.constant 0 : i32
    %dma_start3A_196 = tpu.memref_slice %arg7[%dma_start3A_194, %dma_start3A_195] : memref<10000x128xf32, #tpu.memory_space<vmem_shared>> -> memref<10000x128xf32, #tpu.memory_space<vmem_shared>>
    tpu.enqueue_indirect_dma source(%dma_start3A_190 : memref<40x128xf32, #tpu.memory_space<vmem>>) target(%dma_start3A_196 : memref<10000x128xf32, #tpu.memory_space<vmem_shared>>) offsets(%dma_start3A_193 : memref<40xi32, #tpu.memory_space<vmem>>) semaphore(%arg19 : memref<!tpu.dma_semaphore, #tpu.memory_space<semaphore_mem>>) {add = true}
    %dma_wait3A_197 = arith.constant 3 : i32
    %dma_wait3A_198 = arith.constant 248 : i32
    %dma_wait3A_199 = arith.constant 0 : i32
    %dma_wait3A_200 = arith.constant 0 : i32
    %dma_wait3A_201 = tpu.memref_slice %arg10[%dma_wait3A_197, %dma_wait3A_199, %dma_wait3A_200] : memref<5x40x128xf32, #tpu.memory_space<vmem>> -> memref<1x40x128xf32, #tpu.memory_space<vmem>>
    %dma_wait3A_202 = tpu.memref_squeeze %dma_wait3A_201 : memref<1x40x128xf32, #tpu.memory_space<vmem>> -> memref<40x128xf32, #tpu.memory_space<vmem>>
    %dma_wait3A_203 = arith.constant 0 : i32
    %dma_wait3A_204 = tpu.memref_slice %arg9[%dma_wait3A_198, %dma_wait3A_203] : memref<250x40xi32, #tpu.memory_space<vmem>> -> memref<1x40xi32, #tpu.memory_space<vmem>>
    %dma_wait3A_205 = tpu.memref_squeeze %dma_wait3A_204 : memref<1x40xi32, #tpu.memory_space<vmem>> -> memref<40xi32, #tpu.memory_space<vmem>>
    %dma_wait3A_206 = arith.constant 0 : i32
    %dma_wait3A_207 = arith.constant 0 : i32
    %dma_wait3A_208 = tpu.memref_slice %arg7[%dma_wait3A_206, %dma_wait3A_207] : memref<10000x128xf32, #tpu.memory_space<vmem_shared>> -> memref<10000x128xf32, #tpu.memory_space<vmem_shared>>
    tpu.wait_indirect_dma semaphore(%arg19 : memref<!tpu.dma_semaphore, #tpu.memory_space<semaphore_mem>>) src(%dma_wait3A_202 : memref<40x128xf32, #tpu.memory_space<vmem>>) dst(%dma_wait3A_208 : memref<10000x128xf32, #tpu.memory_space<vmem_shared>>)
    %dma_wait3A_209 = arith.constant 249 : i32
    %dma_wait3A_210 = arith.constant 4 : i32
    %dma_wait3A_211 = arith.constant 0 : i32
    %dma_wait3A_212 = arith.constant 0 : i32
    %dma_wait3A_213 = tpu.memref_slice %arg10[%dma_wait3A_210, %dma_wait3A_211, %dma_wait3A_212] : memref<5x40x128xf32, #tpu.memory_space<vmem>> -> memref<1x40x128xf32, #tpu.memory_space<vmem>>
    %dma_wait3A_214 = tpu.memref_squeeze %dma_wait3A_213 : memref<1x40x128xf32, #tpu.memory_space<vmem>> -> memref<40x128xf32, #tpu.memory_space<vmem>>
    %dma_wait3A_215 = arith.constant 0 : i32
    %dma_wait3A_216 = tpu.memref_slice %arg8[%dma_wait3A_209, %dma_wait3A_215] : memref<250x40xi32, #tpu.memory_space<vmem>> -> memref<1x40xi32, #tpu.memory_space<vmem>>
    %dma_wait3A_217 = tpu.memref_squeeze %dma_wait3A_216 : memref<1x40xi32, #tpu.memory_space<vmem>> -> memref<40xi32, #tpu.memory_space<vmem>>
    %dma_wait3A_218 = arith.constant 0 : i32
    %dma_wait3A_219 = arith.constant 0 : i32
    %dma_wait3A_220 = tpu.memref_slice %arg2[%dma_wait3A_218, %dma_wait3A_219] : memref<10000x128xf32, #tpu.memory_space<hbm>> -> memref<10000x128xf32, #tpu.memory_space<hbm>>
    tpu.wait_indirect_dma semaphore(%arg15 : memref<!tpu.dma_semaphore, #tpu.memory_space<semaphore_mem>>) src(%dma_wait3A_220 : memref<10000x128xf32, #tpu.memory_space<hbm>>) dst(%dma_wait3A_214 : memref<40x128xf32, #tpu.memory_space<vmem>>)
    %dma_start3A_221 = arith.constant 4 : i32
    %dma_start3A_222 = arith.constant 249 : i32
    %dma_start3A_223 = arith.constant 0 : i32
    %dma_start3A_224 = arith.constant 0 : i32
    %dma_start3A_225 = tpu.memref_slice %arg10[%dma_start3A_221, %dma_start3A_223, %dma_start3A_224] : memref<5x40x128xf32, #tpu.memory_space<vmem>> -> memref<1x40x128xf32, #tpu.memory_space<vmem>>
    %dma_start3A_226 = tpu.memref_squeeze %dma_start3A_225 : memref<1x40x128xf32, #tpu.memory_space<vmem>> -> memref<40x128xf32, #tpu.memory_space<vmem>>
    %dma_start3A_227 = arith.constant 0 : i32
    %dma_start3A_228 = tpu.memref_slice %arg9[%dma_start3A_222, %dma_start3A_227] : memref<250x40xi32, #tpu.memory_space<vmem>> -> memref<1x40xi32, #tpu.memory_space<vmem>>
    %dma_start3A_229 = tpu.memref_squeeze %dma_start3A_228 : memref<1x40xi32, #tpu.memory_space<vmem>> -> memref<40xi32, #tpu.memory_space<vmem>>
    %dma_start3A_230 = arith.constant 0 : i32
    %dma_start3A_231 = arith.constant 0 : i32
    %dma_start3A_232 = tpu.memref_slice %arg7[%dma_start3A_230, %dma_start3A_231] : memref<10000x128xf32, #tpu.memory_space<vmem_shared>> -> memref<10000x128xf32, #tpu.memory_space<vmem_shared>>
    tpu.enqueue_indirect_dma source(%dma_start3A_226 : memref<40x128xf32, #tpu.memory_space<vmem>>) target(%dma_start3A_232 : memref<10000x128xf32, #tpu.memory_space<vmem_shared>>) offsets(%dma_start3A_229 : memref<40xi32, #tpu.memory_space<vmem>>) semaphore(%arg20 : memref<!tpu.dma_semaphore, #tpu.memory_space<semaphore_mem>>) {add = true}
    %dma_wait3A_233 = arith.constant 4 : i32
    %dma_wait3A_234 = arith.constant 249 : i32
    %dma_wait3A_235 = arith.constant 0 : i32
    %dma_wait3A_236 = arith.constant 0 : i32
    %dma_wait3A_237 = tpu.memref_slice %arg10[%dma_wait3A_233, %dma_wait3A_235, %dma_wait3A_236] : memref<5x40x128xf32, #tpu.memory_space<vmem>> -> memref<1x40x128xf32, #tpu.memory_space<vmem>>
    %dma_wait3A_238 = tpu.memref_squeeze %dma_wait3A_237 : memref<1x40x128xf32, #tpu.memory_space<vmem>> -> memref<40x128xf32, #tpu.memory_space<vmem>>
    %dma_wait3A_239 = arith.constant 0 : i32
    %dma_wait3A_240 = tpu.memref_slice %arg9[%dma_wait3A_234, %dma_wait3A_239] : memref<250x40xi32, #tpu.memory_space<vmem>> -> memref<1x40xi32, #tpu.memory_space<vmem>>
    %dma_wait3A_241 = tpu.memref_squeeze %dma_wait3A_240 : memref<1x40xi32, #tpu.memory_space<vmem>> -> memref<40xi32, #tpu.memory_space<vmem>>
    %dma_wait3A_242 = arith.constant 0 : i32
    %dma_wait3A_243 = arith.constant 0 : i32
    %dma_wait3A_244 = tpu.memref_slice %arg7[%dma_wait3A_242, %dma_wait3A_243] : memref<10000x128xf32, #tpu.memory_space<vmem_shared>> -> memref<10000x128xf32, #tpu.memory_space<vmem_shared>>
    tpu.wait_indirect_dma semaphore(%arg20 : memref<!tpu.dma_semaphore, #tpu.memory_space<semaphore_mem>>) src(%dma_wait3A_238 : memref<40x128xf32, #tpu.memory_space<vmem>>) dst(%dma_wait3A_244 : memref<10000x128xf32, #tpu.memory_space<vmem_shared>>)
    %barrier3A_245 = arith.constant 0 : index
    tpu.barrier barrier_id(%barrier3A_245)
    "tpu.region"() ({
      %run_scoped3A = tpu.sem_alloc : memref<!tpu.dma_semaphore, #tpu.memory_space<semaphore_mem>>
      %dma_start3A_246 = arith.constant 0 : i32
      %dma_start3A_247 = tpu.memref_slice %arg6[%arg0, %mul3A_2, %dma_start3A_246] : memref<2x10000x128xf32, #tpu.memory_space<hbm>> -> memref<1x625x128xf32, #tpu.memory_space<hbm>>
      %dma_start3A_248 = tpu.memref_squeeze %dma_start3A_247 : memref<1x625x128xf32, #tpu.memory_space<hbm>> -> memref<625x128xf32, #tpu.memory_space<hbm>>
      %dma_start3A_249 = arith.constant 0 : i32
      %dma_start3A_250 = tpu.memref_slice %arg7[%mul3A_2, %dma_start3A_249] : memref<10000x128xf32, #tpu.memory_space<vmem_shared>> -> memref<625x128xf32, #tpu.memory_space<vmem_shared>>
      tpu.enqueue_dma source(%dma_start3A_250 : memref<625x128xf32, #tpu.memory_space<vmem_shared>>) target(%dma_start3A_248 : memref<625x128xf32, #tpu.memory_space<hbm>>) target_semaphore(%run_scoped3A : memref<!tpu.dma_semaphore, #tpu.memory_space<semaphore_mem>>)
      %dma_wait3A_251 = arith.constant 0 : i32
      %dma_wait3A_252 = tpu.memref_slice %arg6[%arg0, %mul3A_2, %dma_wait3A_251] : memref<2x10000x128xf32, #tpu.memory_space<hbm>> -> memref<1x625x128xf32, #tpu.memory_space<hbm>>
      %dma_wait3A_253 = tpu.memref_squeeze %dma_wait3A_252 : memref<1x625x128xf32, #tpu.memory_space<hbm>> -> memref<625x128xf32, #tpu.memory_space<hbm>>
      %dma_wait3A_254 = arith.constant 0 : i32
      %dma_wait3A_255 = tpu.memref_slice %arg7[%mul3A_2, %dma_wait3A_254] : memref<10000x128xf32, #tpu.memory_space<vmem_shared>> -> memref<625x128xf32, #tpu.memory_space<vmem_shared>>
      tpu.wait_dma2 semaphore(%run_scoped3A : memref<!tpu.dma_semaphore, #tpu.memory_space<semaphore_mem>>) src(%dma_wait3A_255 : memref<625x128xf32, #tpu.memory_space<vmem_shared>>) dst(%dma_wait3A_253 : memref<625x128xf32, #tpu.memory_space<hbm>>)
      tpu.yield
    }) : () -> ()
    return
  }
}

#map = affine_map<(d0, d1) -> (0, 0, 0)>
#map1 = affine_map<(d0, d1) -> (0, 0)>
module attributes {stable_mosaic.version = 14 : i64} {
  func.func @sc_degree(%arg0: i32, %arg1: i32, %arg2: memref<32x80x125xi32, #tpu.memory_space<hbm>>, %arg3: memref<125x16xf32, #tpu.memory_space<hbm>>, %arg4: memref<625x16xf32, #tpu.memory_space<hbm>>, %arg5: memref<2x10000x16xf32, #tpu.memory_space<hbm>>, %arg6: memref<10000x16xf32, #tpu.memory_space<vmem_shared>>, %arg7: memref<80x125xi32, #tpu.memory_space<vmem>>, %arg8: memref<125x16xf32, #tpu.memory_space<vmem>>, %arg9: memref<!tpu.dma_semaphore, #tpu.memory_space<semaphore_mem>>) attributes {dimension_semantics = [#tpu.dimension_semantics<core_parallel>, #tpu.dimension_semantics<subcore_parallel>], iteration_bounds = array<i64: 2, 16>, scalar_prefetch = 0 : i64, scratch_operands = 4 : i64, tpu.core_type = #tpu.core_type<sc_vector_subcore>, window_params = [{transform_indices = #map}, {transform_indices = #map1}, {transform_indices = #map1}, {transform_indices = #map}]} {
    %mul3A = arith.constant 16 : i32
    %mul3A_0 = arith.muli %arg0, %mul3A : i32
    %add3A = arith.addi %mul3A_0, %arg1 : i32
    %mul3A_1 = arith.constant 625 : i32
    %mul3A_2 = arith.muli %arg1, %mul3A_1 : i32
    "tpu.region"() ({
      %run_scoped3A = tpu.sem_alloc : memref<!tpu.dma_semaphore, #tpu.memory_space<semaphore_mem>>
      %dma_start3A = arith.constant 0 : i32
      %dma_start3A_13 = tpu.memref_slice %arg6[%mul3A_2, %dma_start3A] : memref<10000x16xf32, #tpu.memory_space<vmem_shared>> -> memref<625x16xf32, #tpu.memory_space<vmem_shared>>
      tpu.enqueue_dma source(%arg4 : memref<625x16xf32, #tpu.memory_space<hbm>>) target(%dma_start3A_13 : memref<625x16xf32, #tpu.memory_space<vmem_shared>>) target_semaphore(%run_scoped3A : memref<!tpu.dma_semaphore, #tpu.memory_space<semaphore_mem>>)
      %dma_wait3A = arith.constant 0 : i32
      %dma_wait3A_14 = tpu.memref_slice %arg6[%mul3A_2, %dma_wait3A] : memref<10000x16xf32, #tpu.memory_space<vmem_shared>> -> memref<625x16xf32, #tpu.memory_space<vmem_shared>>
      tpu.wait_dma2 semaphore(%run_scoped3A : memref<!tpu.dma_semaphore, #tpu.memory_space<semaphore_mem>>) src(%arg4 : memref<625x16xf32, #tpu.memory_space<hbm>>) dst(%dma_wait3A_14 : memref<625x16xf32, #tpu.memory_space<vmem_shared>>)
      tpu.yield
    }) : () -> ()
    "tpu.region"() ({
      %run_scoped3A = tpu.sem_alloc : memref<!tpu.dma_semaphore, #tpu.memory_space<semaphore_mem>>
      tpu.enqueue_dma source(%arg3 : memref<125x16xf32, #tpu.memory_space<hbm>>) target(%arg8 : memref<125x16xf32, #tpu.memory_space<vmem>>) target_semaphore(%run_scoped3A : memref<!tpu.dma_semaphore, #tpu.memory_space<semaphore_mem>>)
      tpu.wait_dma2 semaphore(%run_scoped3A : memref<!tpu.dma_semaphore, #tpu.memory_space<semaphore_mem>>) src(%arg3 : memref<125x16xf32, #tpu.memory_space<hbm>>) dst(%arg8 : memref<125x16xf32, #tpu.memory_space<vmem>>)
      tpu.yield
    }) : () -> ()
    "tpu.region"() ({
      %run_scoped3A = tpu.sem_alloc : memref<!tpu.dma_semaphore, #tpu.memory_space<semaphore_mem>>
      %dma_start3A = arith.constant 0 : i32
      %dma_start3A_13 = arith.constant 0 : i32
      %dma_start3A_14 = tpu.memref_slice %arg2[%add3A, %dma_start3A, %dma_start3A_13] : memref<32x80x125xi32, #tpu.memory_space<hbm>> -> memref<1x80x125xi32, #tpu.memory_space<hbm>>
      %dma_start3A_15 = tpu.memref_squeeze %dma_start3A_14 : memref<1x80x125xi32, #tpu.memory_space<hbm>> -> memref<80x125xi32, #tpu.memory_space<hbm>>
      %dma_start3A_16 = arith.constant 0 : i32
      %dma_start3A_17 = arith.constant 0 : i32
      %dma_start3A_18 = tpu.memref_slice %arg2[%add3A, %dma_start3A_16, %dma_start3A_17] : memref<32x80x125xi32, #tpu.memory_space<hbm>> -> memref<1x80x125xi32, #tpu.memory_space<hbm>>
      %dma_start3A_19 = tpu.memref_squeeze %dma_start3A_18 : memref<1x80x125xi32, #tpu.memory_space<hbm>> -> memref<80x125xi32, #tpu.memory_space<hbm>>
      tpu.enqueue_dma source(%dma_start3A_19 : memref<80x125xi32, #tpu.memory_space<hbm>>) target(%arg7 : memref<80x125xi32, #tpu.memory_space<vmem>>) target_semaphore(%run_scoped3A : memref<!tpu.dma_semaphore, #tpu.memory_space<semaphore_mem>>)
      %dma_wait3A = arith.constant 0 : i32
      %dma_wait3A_20 = arith.constant 0 : i32
      %dma_wait3A_21 = tpu.memref_slice %arg2[%add3A, %dma_wait3A, %dma_wait3A_20] : memref<32x80x125xi32, #tpu.memory_space<hbm>> -> memref<1x80x125xi32, #tpu.memory_space<hbm>>
      %dma_wait3A_22 = tpu.memref_squeeze %dma_wait3A_21 : memref<1x80x125xi32, #tpu.memory_space<hbm>> -> memref<80x125xi32, #tpu.memory_space<hbm>>
      %dma_wait3A_23 = arith.constant 0 : i32
      %dma_wait3A_24 = arith.constant 0 : i32
      %dma_wait3A_25 = tpu.memref_slice %arg2[%add3A, %dma_wait3A_23, %dma_wait3A_24] : memref<32x80x125xi32, #tpu.memory_space<hbm>> -> memref<1x80x125xi32, #tpu.memory_space<hbm>>
      %dma_wait3A_26 = tpu.memref_squeeze %dma_wait3A_25 : memref<1x80x125xi32, #tpu.memory_space<hbm>> -> memref<80x125xi32, #tpu.memory_space<hbm>>
      tpu.wait_dma2 semaphore(%run_scoped3A : memref<!tpu.dma_semaphore, #tpu.memory_space<semaphore_mem>>) src(%dma_wait3A_26 : memref<80x125xi32, #tpu.memory_space<hbm>>) dst(%arg7 : memref<80x125xi32, #tpu.memory_space<vmem>>)
      tpu.yield
    }) : () -> ()
    %barrier3A = arith.constant 0 : index
    tpu.barrier barrier_id(%barrier3A)
    %scan3A = arith.constant 0 : i32
    %scan3A_3 = arith.constant 80 : i32
    %scan3A_4 = arith.addi %scan3A, %scan3A_3 : i32
    %scan3A_5 = arith.constant 1 : i32
    scf.for %scan3A_13 = %scan3A to %scan3A_4 step %scan3A_5  : i32 {
      %mul3A_14 = arith.constant 1 : i32
      %mul3A_15 = arith.muli %scan3A_13, %mul3A_14 : i32
      %add3A_16 = arith.constant 0 : i32
      %add3A_17 = arith.addi %add3A_16, %mul3A_15 : i32
      %dma_start3A = arith.constant 0 : i32
      %dma_start3A_18 = tpu.memref_slice %arg7[%add3A_17, %dma_start3A] : memref<80x125xi32, #tpu.memory_space<vmem>> -> memref<1x125xi32, #tpu.memory_space<vmem>>
      %dma_start3A_19 = tpu.memref_squeeze %dma_start3A_18 : memref<1x125xi32, #tpu.memory_space<vmem>> -> memref<125xi32, #tpu.memory_space<vmem>>
      %dma_start3A_20 = arith.constant 0 : i32
      %dma_start3A_21 = arith.constant 0 : i32
      %dma_start3A_22 = tpu.memref_slice %arg6[%dma_start3A_20, %dma_start3A_21] : memref<10000x16xf32, #tpu.memory_space<vmem_shared>> -> memref<10000x16xf32, #tpu.memory_space<vmem_shared>>
      tpu.enqueue_indirect_dma source(%arg8 : memref<125x16xf32, #tpu.memory_space<vmem>>) target(%dma_start3A_22 : memref<10000x16xf32, #tpu.memory_space<vmem_shared>>) offsets(%dma_start3A_19 : memref<125xi32, #tpu.memory_space<vmem>>) semaphore(%arg9 : memref<!tpu.dma_semaphore, #tpu.memory_space<semaphore_mem>>) {add = true}
    }
    %scan3A_6 = arith.constant 80 : i32
    %scan3A_7 = arith.constant 0 : i32
    %scan3A_8 = arith.constant 80 : i32
    %scan3A_9 = arith.addi %scan3A_7, %scan3A_8 : i32
    %scan3A_10 = arith.constant 1 : i32
    scf.for %scan3A_13 = %scan3A_7 to %scan3A_9 step %scan3A_10  : i32 {
      %mul3A_14 = arith.constant 1 : i32
      %mul3A_15 = arith.muli %scan3A_13, %mul3A_14 : i32
      %add3A_16 = arith.constant 0 : i32
      %add3A_17 = arith.addi %add3A_16, %mul3A_15 : i32
      %dma_wait3A = arith.constant 0 : i32
      %dma_wait3A_18 = tpu.memref_slice %arg7[%add3A_17, %dma_wait3A] : memref<80x125xi32, #tpu.memory_space<vmem>> -> memref<1x125xi32, #tpu.memory_space<vmem>>
      %dma_wait3A_19 = tpu.memref_squeeze %dma_wait3A_18 : memref<1x125xi32, #tpu.memory_space<vmem>> -> memref<125xi32, #tpu.memory_space<vmem>>
      %dma_wait3A_20 = arith.constant 0 : i32
      %dma_wait3A_21 = arith.constant 0 : i32
      %dma_wait3A_22 = tpu.memref_slice %arg6[%dma_wait3A_20, %dma_wait3A_21] : memref<10000x16xf32, #tpu.memory_space<vmem_shared>> -> memref<10000x16xf32, #tpu.memory_space<vmem_shared>>
      tpu.wait_indirect_dma semaphore(%arg9 : memref<!tpu.dma_semaphore, #tpu.memory_space<semaphore_mem>>) src(%arg8 : memref<125x16xf32, #tpu.memory_space<vmem>>) dst(%dma_wait3A_22 : memref<10000x16xf32, #tpu.memory_space<vmem_shared>>)
    }
    %scan3A_11 = arith.constant 80 : i32
    %barrier3A_12 = arith.constant 0 : index
    tpu.barrier barrier_id(%barrier3A_12)
    "tpu.region"() ({
      %run_scoped3A = tpu.sem_alloc : memref<!tpu.dma_semaphore, #tpu.memory_space<semaphore_mem>>
      %dma_start3A = arith.constant 0 : i32
      %dma_start3A_13 = tpu.memref_slice %arg5[%arg0, %mul3A_2, %dma_start3A] : memref<2x10000x16xf32, #tpu.memory_space<hbm>> -> memref<1x625x16xf32, #tpu.memory_space<hbm>>
      %dma_start3A_14 = tpu.memref_squeeze %dma_start3A_13 : memref<1x625x16xf32, #tpu.memory_space<hbm>> -> memref<625x16xf32, #tpu.memory_space<hbm>>
      %dma_start3A_15 = arith.constant 0 : i32
      %dma_start3A_16 = tpu.memref_slice %arg6[%mul3A_2, %dma_start3A_15] : memref<10000x16xf32, #tpu.memory_space<vmem_shared>> -> memref<625x16xf32, #tpu.memory_space<vmem_shared>>
      tpu.enqueue_dma source(%dma_start3A_16 : memref<625x16xf32, #tpu.memory_space<vmem_shared>>) target(%dma_start3A_14 : memref<625x16xf32, #tpu.memory_space<hbm>>) target_semaphore(%run_scoped3A : memref<!tpu.dma_semaphore, #tpu.memory_space<semaphore_mem>>)
      %dma_wait3A = arith.constant 0 : i32
      %dma_wait3A_17 = tpu.memref_slice %arg5[%arg0, %mul3A_2, %dma_wait3A] : memref<2x10000x16xf32, #tpu.memory_space<hbm>> -> memref<1x625x16xf32, #tpu.memory_space<hbm>>
      %dma_wait3A_18 = tpu.memref_squeeze %dma_wait3A_17 : memref<1x625x16xf32, #tpu.memory_space<hbm>> -> memref<625x16xf32, #tpu.memory_space<hbm>>
      %dma_wait3A_19 = arith.constant 0 : i32
      %dma_wait3A_20 = tpu.memref_slice %arg6[%mul3A_2, %dma_wait3A_19] : memref<10000x16xf32, #tpu.memory_space<vmem_shared>> -> memref<625x16xf32, #tpu.memory_space<vmem_shared>>
      tpu.wait_dma2 semaphore(%run_scoped3A : memref<!tpu.dma_semaphore, #tpu.memory_space<semaphore_mem>>) src(%dma_wait3A_20 : memref<625x16xf32, #tpu.memory_space<vmem_shared>>) dst(%dma_wait3A_18 : memref<625x16xf32, #tpu.memory_space<hbm>>)
      tpu.yield
    }) : () -> ()
    return
  }
}

#map = affine_map<(d0, d1) -> (0, 0)>
#map1 = affine_map<(d0, d1) -> (0, 0, 0)>
module attributes {stable_mosaic.version = 14 : i64} {
  func.func @sc_aggregate(%arg0: i32, %arg1: i32, %arg2: memref<10000x128xf32, #tpu.memory_space<hbm>>, %arg3: memref<32x250x40xi32, #tpu.memory_space<hbm>>, %arg4: memref<32x250x40xi32, #tpu.memory_space<hbm>>, %arg5: memref<625x128xf32, #tpu.memory_space<hbm>>, %arg6: memref<2x10000x128xf32, #tpu.memory_space<hbm>>, %arg7: memref<10000x128xf32, #tpu.memory_space<vmem_shared>>, %arg8: memref<250x40xi32, #tpu.memory_space<vmem>>, %arg9: memref<250x40xi32, #tpu.memory_space<vmem>>, %arg10: memref<5x40x128xf32, #tpu.memory_space<vmem>>, %arg11: memref<!tpu.dma_semaphore, #tpu.memory_space<semaphore_mem>>, %arg12: memref<!tpu.dma_semaphore, #tpu.memory_space<semaphore_mem>>, %arg13: memref<!tpu.dma_semaphore, #tpu.memory_space<semaphore_mem>>, %arg14: memref<!tpu.dma_semaphore, #tpu.memory_space<semaphore_mem>>, %arg15: memref<!tpu.dma_semaphore, #tpu.memory_space<semaphore_mem>>, %arg16: memref<!tpu.dma_semaphore, #tpu.memory_space<semaphore_mem>>, %arg17: memref<!tpu.dma_semaphore, #tpu.memory_space<semaphore_mem>>, %arg18: memref<!tpu.dma_semaphore, #tpu.memory_space<semaphore_mem>>, %arg19: memref<!tpu.dma_semaphore, #tpu.memory_space<semaphore_mem>>, %arg20: memref<!tpu.dma_semaphore, #tpu.memory_space<semaphore_mem>>) attributes {dimension_semantics = [#tpu.dimension_semantics<core_parallel>, #tpu.dimension_semantics<subcore_parallel>], iteration_bounds = array<i64: 2, 16>, scalar_prefetch = 0 : i64, scratch_operands = 14 : i64, tpu.core_type = #tpu.core_type<sc_vector_subcore>, window_params = [{transform_indices = #map}, {transform_indices = #map1}, {transform_indices = #map1}, {transform_indices = #map}, {transform_indices = #map1}]} {
    %mul3A = arith.constant 16 : i32
    %mul3A_0 = arith.muli %arg0, %mul3A : i32
    %add3A = arith.addi %mul3A_0, %arg1 : i32
    %mul3A_1 = arith.constant 625 : i32
    %mul3A_2 = arith.muli %arg1, %mul3A_1 : i32
    "tpu.region"() ({
      %run_scoped3A = tpu.sem_alloc : memref<!tpu.dma_semaphore, #tpu.memory_space<semaphore_mem>>
      %dma_start3A_246 = arith.constant 0 : i32
      %dma_start3A_247 = tpu.memref_slice %arg7[%mul3A_2, %dma_start3A_246] : memref<10000x128xf32, #tpu.memory_space<vmem_shared>> -> memref<625x128xf32, #tpu.memory_space<vmem_shared>>
      tpu.enqueue_dma source(%arg5 : memref<625x128xf32, #tpu.memory_space<hbm>>) target(%dma_start3A_247 : memref<625x128xf32, #tpu.memory_space<vmem_shared>>) target_semaphore(%run_scoped3A : memref<!tpu.dma_semaphore, #tpu.memory_space<semaphore_mem>>)
      %dma_wait3A_248 = arith.constant 0 : i32
      %dma_wait3A_249 = tpu.memref_slice %arg7[%mul3A_2, %dma_wait3A_248] : memref<10000x128xf32, #tpu.memory_space<vmem_shared>> -> memref<625x128xf32, #tpu.memory_space<vmem_shared>>
      tpu.wait_dma2 semaphore(%run_scoped3A : memref<!tpu.dma_semaphore, #tpu.memory_space<semaphore_mem>>) src(%arg5 : memref<625x128xf32, #tpu.memory_space<hbm>>) dst(%dma_wait3A_249 : memref<625x128xf32, #tpu.memory_space<vmem_shared>>)
      tpu.yield
    }) : () -> ()
    "tpu.region"() ({
      %run_scoped3A = tpu.sem_alloc : memref<!tpu.dma_semaphore, #tpu.memory_space<semaphore_mem>>
      %dma_start3A_246 = arith.constant 0 : i32
      %dma_start3A_247 = arith.constant 0 : i32
      %dma_start3A_248 = tpu.memref_slice %arg3[%add3A, %dma_start3A_246, %dma_start3A_247] : memref<32x250x40xi32, #tpu.memory_space<hbm>> -> memref<1x250x40xi32, #tpu.memory_space<hbm>>
      %dma_start3A_249 = tpu.memref_squeeze %dma_start3A_248 : memref<1x250x40xi32, #tpu.memory_space<hbm>> -> memref<250x40xi32, #tpu.memory_space<hbm>>
      %dma_start3A_250 = arith.constant 0 : i32
      %dma_start3A_251 = arith.constant 0 : i32
      %dma_start3A_252 = tpu.memref_slice %arg3[%add3A, %dma_start3A_250, %dma_start3A_251] : memref<32x250x40xi32, #tpu.memory_space<hbm>> -> memref<1x250x40xi32, #tpu.memory_space<hbm>>
      %dma_start3A_253 = tpu.memref_squeeze %dma_start3A_252 : memref<1x250x40xi32, #tpu.memory_space<hbm>> -> memref<250x40xi32, #tpu.memory_space<hbm>>
      tpu.enqueue_dma source(%dma_start3A_253 : memref<250x40xi32, #tpu.memory_space<hbm>>) target(%arg8 : memref<250x40xi32, #tpu.memory_space<vmem>>) target_semaphore(%run_scoped3A : memref<!tpu.dma_semaphore, #tpu.memory_space<semaphore_mem>>)
      %dma_wait3A_254 = arith.constant 0 : i32
      %dma_wait3A_255 = arith.constant 0 : i32
      %dma_wait3A_256 = tpu.memref_slice %arg3[%add3A, %dma_wait3A_254, %dma_wait3A_255] : memref<32x250x40xi32, #tpu.memory_space<hbm>> -> memref<1x250x40xi32, #tpu.memory_space<hbm>>
      %dma_wait3A_257 = tpu.memref_squeeze %dma_wait3A_256 : memref<1x250x40xi32, #tpu.memory_space<hbm>> -> memref<250x40xi32, #tpu.memory_space<hbm>>
      %dma_wait3A_258 = arith.constant 0 : i32
      %dma_wait3A_259 = arith.constant 0 : i32
      %dma_wait3A_260 = tpu.memref_slice %arg3[%add3A, %dma_wait3A_258, %dma_wait3A_259] : memref<32x250x40xi32, #tpu.memory_space<hbm>> -> memref<1x250x40xi32, #tpu.memory_space<hbm>>
      %dma_wait3A_261 = tpu.memref_squeeze %dma_wait3A_260 : memref<1x250x40xi32, #tpu.memory_space<hbm>> -> memref<250x40xi32, #tpu.memory_space<hbm>>
      tpu.wait_dma2 semaphore(%run_scoped3A : memref<!tpu.dma_semaphore, #tpu.memory_space<semaphore_mem>>) src(%dma_wait3A_261 : memref<250x40xi32, #tpu.memory_space<hbm>>) dst(%arg8 : memref<250x40xi32, #tpu.memory_space<vmem>>)
      tpu.yield
    }) : () -> ()
    "tpu.region"() ({
      %run_scoped3A = tpu.sem_alloc : memref<!tpu.dma_semaphore, #tpu.memory_space<semaphore_mem>>
      %dma_start3A_246 = arith.constant 0 : i32
      %dma_start3A_247 = arith.constant 0 : i32
      %dma_start3A_248 = tpu.memref_slice %arg4[%add3A, %dma_start3A_246, %dma_start3A_247] : memref<32x250x40xi32, #tpu.memory_space<hbm>> -> memref<1x250x40xi32, #tpu.memory_space<hbm>>
      %dma_start3A_249 = tpu.memref_squeeze %dma_start3A_248 : memref<1x250x40xi32, #tpu.memory_space<hbm>> -> memref<250x40xi32, #tpu.memory_space<hbm>>
      %dma_start3A_250 = arith.constant 0 : i32
      %dma_start3A_251 = arith.constant 0 : i32
      %dma_start3A_252 = tpu.memref_slice %arg4[%add3A, %dma_start3A_250, %dma_start3A_251] : memref<32x250x40xi32, #tpu.memory_space<hbm>> -> memref<1x250x40xi32, #tpu.memory_space<hbm>>
      %dma_start3A_253 = tpu.memref_squeeze %dma_start3A_252 : memref<1x250x40xi32, #tpu.memory_space<hbm>> -> memref<250x40xi32, #tpu.memory_space<hbm>>
      tpu.enqueue_dma source(%dma_start3A_253 : memref<250x40xi32, #tpu.memory_space<hbm>>) target(%arg9 : memref<250x40xi32, #tpu.memory_space<vmem>>) target_semaphore(%run_scoped3A : memref<!tpu.dma_semaphore, #tpu.memory_space<semaphore_mem>>)
      %dma_wait3A_254 = arith.constant 0 : i32
      %dma_wait3A_255 = arith.constant 0 : i32
      %dma_wait3A_256 = tpu.memref_slice %arg4[%add3A, %dma_wait3A_254, %dma_wait3A_255] : memref<32x250x40xi32, #tpu.memory_space<hbm>> -> memref<1x250x40xi32, #tpu.memory_space<hbm>>
      %dma_wait3A_257 = tpu.memref_squeeze %dma_wait3A_256 : memref<1x250x40xi32, #tpu.memory_space<hbm>> -> memref<250x40xi32, #tpu.memory_space<hbm>>
      %dma_wait3A_258 = arith.constant 0 : i32
      %dma_wait3A_259 = arith.constant 0 : i32
      %dma_wait3A_260 = tpu.memref_slice %arg4[%add3A, %dma_wait3A_258, %dma_wait3A_259] : memref<32x250x40xi32, #tpu.memory_space<hbm>> -> memref<1x250x40xi32, #tpu.memory_space<hbm>>
      %dma_wait3A_261 = tpu.memref_squeeze %dma_wait3A_260 : memref<1x250x40xi32, #tpu.memory_space<hbm>> -> memref<250x40xi32, #tpu.memory_space<hbm>>
      tpu.wait_dma2 semaphore(%run_scoped3A : memref<!tpu.dma_semaphore, #tpu.memory_space<semaphore_mem>>) src(%dma_wait3A_261 : memref<250x40xi32, #tpu.memory_space<hbm>>) dst(%arg9 : memref<250x40xi32, #tpu.memory_space<vmem>>)
      tpu.yield
    }) : () -> ()
    %barrier3A = arith.constant 0 : index
    tpu.barrier barrier_id(%barrier3A)
    %dma_start3A = arith.constant 0 : i32
    %dma_start3A_3 = arith.constant 0 : i32
    %dma_start3A_4 = arith.constant 0 : i32
    %dma_start3A_5 = arith.constant 0 : i32
    %dma_start3A_6 = tpu.memref_slice %arg10[%dma_start3A_3, %dma_start3A_4, %dma_start3A_5] : memref<5x40x128xf32, #tpu.memory_space<vmem>> -> memref<1x40x128xf32, #tpu.memory_space<vmem>>
    %dma_start3A_7 = tpu.memref_squeeze %dma_start3A_6 : memref<1x40x128xf32, #tpu.memory_space<vmem>> -> memref<40x128xf32, #tpu.memory_space<vmem>>
    %dma_start3A_8 = arith.constant 0 : i32
    %dma_start3A_9 = tpu.memref_slice %arg8[%dma_start3A, %dma_start3A_8] : memref<250x40xi32, #tpu.memory_space<vmem>> -> memref<1x40xi32, #tpu.memory_space<vmem>>
    %dma_start3A_10 = tpu.memref_squeeze %dma_start3A_9 : memref<1x40xi32, #tpu.memory_space<vmem>> -> memref<40xi32, #tpu.memory_space<vmem>>
    %dma_start3A_11 = arith.constant 0 : i32
    %dma_start3A_12 = arith.constant 0 : i32
    %dma_start3A_13 = tpu.memref_slice %arg2[%dma_start3A_11, %dma_start3A_12] : memref<10000x128xf32, #tpu.memory_space<hbm>> -> memref<10000x128xf32, #tpu.memory_space<hbm>>
    tpu.enqueue_indirect_dma source(%dma_start3A_13 : memref<10000x128xf32, #tpu.memory_space<hbm>>) target(%dma_start3A_7 : memref<40x128xf32, #tpu.memory_space<vmem>>) offsets(%dma_start3A_10 : memref<40xi32, #tpu.memory_space<vmem>>) semaphore(%arg11 : memref<!tpu.dma_semaphore, #tpu.memory_space<semaphore_mem>>)
    %dma_start3A_14 = arith.constant 1 : i32
    %dma_start3A_15 = arith.constant 1 : i32
    %dma_start3A_16 = arith.constant 0 : i32
    %dma_start3A_17 = arith.constant 0 : i32
    %dma_start3A_18 = tpu.memref_slice %arg10[%dma_start3A_15, %dma_start3A_16, %dma_start3A_17] : memref<5x40x128xf32, #tpu.memory_space<vmem>> -> memref<1x40x128xf32, #tpu.memory_space<vmem>>
    %dma_start3A_19 = tpu.memref_squeeze %dma_start3A_18 : memref<1x40x128xf32, #tpu.memory_space<vmem>> -> memref<40x128xf32, #tpu.memory_space<vmem>>
    %dma_start3A_20 = arith.constant 0 : i32
    %dma_start3A_21 = tpu.memref_slice %arg8[%dma_start3A_14, %dma_start3A_20] : memref<250x40xi32, #tpu.memory_space<vmem>> -> memref<1x40xi32, #tpu.memory_space<vmem>>
    %dma_start3A_22 = tpu.memref_squeeze %dma_start3A_21 : memref<1x40xi32, #tpu.memory_space<vmem>> -> memref<40xi32, #tpu.memory_space<vmem>>
    %dma_start3A_23 = arith.constant 0 : i32
    %dma_start3A_24 = arith.constant 0 : i32
    %dma_start3A_25 = tpu.memref_slice %arg2[%dma_start3A_23, %dma_start3A_24] : memref<10000x128xf32, #tpu.memory_space<hbm>> -> memref<10000x128xf32, #tpu.memory_space<hbm>>
    tpu.enqueue_indirect_dma source(%dma_start3A_25 : memref<10000x128xf32, #tpu.memory_space<hbm>>) target(%dma_start3A_19 : memref<40x128xf32, #tpu.memory_space<vmem>>) offsets(%dma_start3A_22 : memref<40xi32, #tpu.memory_space<vmem>>) semaphore(%arg12 : memref<!tpu.dma_semaphore, #tpu.memory_space<semaphore_mem>>)
    %dma_start3A_26 = arith.constant 2 : i32
    %dma_start3A_27 = arith.constant 2 : i32
    %dma_start3A_28 = arith.constant 0 : i32
    %dma_start3A_29 = arith.constant 0 : i32
    %dma_start3A_30 = tpu.memref_slice %arg10[%dma_start3A_27, %dma_start3A_28, %dma_start3A_29] : memref<5x40x128xf32, #tpu.memory_space<vmem>> -> memref<1x40x128xf32, #tpu.memory_space<vmem>>
    %dma_start3A_31 = tpu.memref_squeeze %dma_start3A_30 : memref<1x40x128xf32, #tpu.memory_space<vmem>> -> memref<40x128xf32, #tpu.memory_space<vmem>>
    %dma_start3A_32 = arith.constant 0 : i32
    %dma_start3A_33 = tpu.memref_slice %arg8[%dma_start3A_26, %dma_start3A_32] : memref<250x40xi32, #tpu.memory_space<vmem>> -> memref<1x40xi32, #tpu.memory_space<vmem>>
    %dma_start3A_34 = tpu.memref_squeeze %dma_start3A_33 : memref<1x40xi32, #tpu.memory_space<vmem>> -> memref<40xi32, #tpu.memory_space<vmem>>
    %dma_start3A_35 = arith.constant 0 : i32
    %dma_start3A_36 = arith.constant 0 : i32
    %dma_start3A_37 = tpu.memref_slice %arg2[%dma_start3A_35, %dma_start3A_36] : memref<10000x128xf32, #tpu.memory_space<hbm>> -> memref<10000x128xf32, #tpu.memory_space<hbm>>
    tpu.enqueue_indirect_dma source(%dma_start3A_37 : memref<10000x128xf32, #tpu.memory_space<hbm>>) target(%dma_start3A_31 : memref<40x128xf32, #tpu.memory_space<vmem>>) offsets(%dma_start3A_34 : memref<40xi32, #tpu.memory_space<vmem>>) semaphore(%arg13 : memref<!tpu.dma_semaphore, #tpu.memory_space<semaphore_mem>>)
    %dma_start3A_38 = arith.constant 3 : i32
    %dma_start3A_39 = arith.constant 3 : i32
    %dma_start3A_40 = arith.constant 0 : i32
    %dma_start3A_41 = arith.constant 0 : i32
    %dma_start3A_42 = tpu.memref_slice %arg10[%dma_start3A_39, %dma_start3A_40, %dma_start3A_41] : memref<5x40x128xf32, #tpu.memory_space<vmem>> -> memref<1x40x128xf32, #tpu.memory_space<vmem>>
    %dma_start3A_43 = tpu.memref_squeeze %dma_start3A_42 : memref<1x40x128xf32, #tpu.memory_space<vmem>> -> memref<40x128xf32, #tpu.memory_space<vmem>>
    %dma_start3A_44 = arith.constant 0 : i32
    %dma_start3A_45 = tpu.memref_slice %arg8[%dma_start3A_38, %dma_start3A_44] : memref<250x40xi32, #tpu.memory_space<vmem>> -> memref<1x40xi32, #tpu.memory_space<vmem>>
    %dma_start3A_46 = tpu.memref_squeeze %dma_start3A_45 : memref<1x40xi32, #tpu.memory_space<vmem>> -> memref<40xi32, #tpu.memory_space<vmem>>
    %dma_start3A_47 = arith.constant 0 : i32
    %dma_start3A_48 = arith.constant 0 : i32
    %dma_start3A_49 = tpu.memref_slice %arg2[%dma_start3A_47, %dma_start3A_48] : memref<10000x128xf32, #tpu.memory_space<hbm>> -> memref<10000x128xf32, #tpu.memory_space<hbm>>
    tpu.enqueue_indirect_dma source(%dma_start3A_49 : memref<10000x128xf32, #tpu.memory_space<hbm>>) target(%dma_start3A_43 : memref<40x128xf32, #tpu.memory_space<vmem>>) offsets(%dma_start3A_46 : memref<40xi32, #tpu.memory_space<vmem>>) semaphore(%arg14 : memref<!tpu.dma_semaphore, #tpu.memory_space<semaphore_mem>>)
    %dma_start3A_50 = arith.constant 4 : i32
    %dma_start3A_51 = arith.constant 4 : i32
    %dma_start3A_52 = arith.constant 0 : i32
    %dma_start3A_53 = arith.constant 0 : i32
    %dma_start3A_54 = tpu.memref_slice %arg10[%dma_start3A_51, %dma_start3A_52, %dma_start3A_53] : memref<5x40x128xf32, #tpu.memory_space<vmem>> -> memref<1x40x128xf32, #tpu.memory_space<vmem>>
    %dma_start3A_55 = tpu.memref_squeeze %dma_start3A_54 : memref<1x40x128xf32, #tpu.memory_space<vmem>> -> memref<40x128xf32, #tpu.memory_space<vmem>>
    %dma_start3A_56 = arith.constant 0 : i32
    %dma_start3A_57 = tpu.memref_slice %arg8[%dma_start3A_50, %dma_start3A_56] : memref<250x40xi32, #tpu.memory_space<vmem>> -> memref<1x40xi32, #tpu.memory_space<vmem>>
    %dma_start3A_58 = tpu.memref_squeeze %dma_start3A_57 : memref<1x40xi32, #tpu.memory_space<vmem>> -> memref<40xi32, #tpu.memory_space<vmem>>
    %dma_start3A_59 = arith.constant 0 : i32
    %dma_start3A_60 = arith.constant 0 : i32
    %dma_start3A_61 = tpu.memref_slice %arg2[%dma_start3A_59, %dma_start3A_60] : memref<10000x128xf32, #tpu.memory_space<hbm>> -> memref<10000x128xf32, #tpu.memory_space<hbm>>
    tpu.enqueue_indirect_dma source(%dma_start3A_61 : memref<10000x128xf32, #tpu.memory_space<hbm>>) target(%dma_start3A_55 : memref<40x128xf32, #tpu.memory_space<vmem>>) offsets(%dma_start3A_58 : memref<40xi32, #tpu.memory_space<vmem>>) semaphore(%arg15 : memref<!tpu.dma_semaphore, #tpu.memory_space<semaphore_mem>>)
    %scan3A = arith.constant 0 : i32
    %scan3A_62 = arith.constant 49 : i32
    %scan3A_63 = arith.addi %scan3A, %scan3A_62 : i32
    %scan3A_64 = arith.constant 1 : i32
    scf.for %scan3A_246 = %scan3A to %scan3A_63 step %scan3A_64  : i32 {
      %mul3A_247 = arith.constant 1 : i32
      %mul3A_248 = arith.muli %scan3A_246, %mul3A_247 : i32
      %add3A_249 = arith.constant 0 : i32
      %add3A_250 = arith.addi %add3A_249, %mul3A_248 : i32
      %mul3A_251 = arith.constant 5 : i32
      %mul3A_252 = arith.muli %add3A_250, %mul3A_251 : i32
      %add3A_253 = arith.constant 0 : i32
      %add3A_254 = arith.addi %mul3A_252, %add3A_253 : i32
      %dma_wait3A_255 = arith.constant 0 : i32
      %dma_wait3A_256 = arith.constant 0 : i32
      %dma_wait3A_257 = arith.constant 0 : i32
      %dma_wait3A_258 = tpu.memref_slice %arg10[%dma_wait3A_255, %dma_wait3A_256, %dma_wait3A_257] : memref<5x40x128xf32, #tpu.memory_space<vmem>> -> memref<1x40x128xf32, #tpu.memory_space<vmem>>
      %dma_wait3A_259 = tpu.memref_squeeze %dma_wait3A_258 : memref<1x40x128xf32, #tpu.memory_space<vmem>> -> memref<40x128xf32, #tpu.memory_space<vmem>>
      %dma_wait3A_260 = arith.constant 0 : i32
      %dma_wait3A_261 = tpu.memref_slice %arg8[%add3A_254, %dma_wait3A_260] : memref<250x40xi32, #tpu.memory_space<vmem>> -> memref<1x40xi32, #tpu.memory_space<vmem>>
      %dma_wait3A_262 = tpu.memref_squeeze %dma_wait3A_261 : memref<1x40xi32, #tpu.memory_space<vmem>> -> memref<40xi32, #tpu.memory_space<vmem>>
      %dma_wait3A_263 = arith.constant 0 : i32
      %dma_wait3A_264 = arith.constant 0 : i32
      %dma_wait3A_265 = tpu.memref_slice %arg2[%dma_wait3A_263, %dma_wait3A_264] : memref<10000x128xf32, #tpu.memory_space<hbm>> -> memref<10000x128xf32, #tpu.memory_space<hbm>>
      tpu.wait_indirect_dma semaphore(%arg11 : memref<!tpu.dma_semaphore, #tpu.memory_space<semaphore_mem>>) src(%dma_wait3A_265 : memref<10000x128xf32, #tpu.memory_space<hbm>>) dst(%dma_wait3A_259 : memref<40x128xf32, #tpu.memory_space<vmem>>)
      %add3A_266 = arith.constant 0 : i32
      %add3A_267 = arith.addi %mul3A_252, %add3A_266 : i32
      %dma_start3A_268 = arith.constant 0 : i32
      %dma_start3A_269 = arith.constant 0 : i32
      %dma_start3A_270 = arith.constant 0 : i32
      %dma_start3A_271 = tpu.memref_slice %arg10[%dma_start3A_268, %dma_start3A_269, %dma_start3A_270] : memref<5x40x128xf32, #tpu.memory_space<vmem>> -> memref<1x40x128xf32, #tpu.memory_space<vmem>>
      %dma_start3A_272 = tpu.memref_squeeze %dma_start3A_271 : memref<1x40x128xf32, #tpu.memory_space<vmem>> -> memref<40x128xf32, #tpu.memory_space<vmem>>
      %dma_start3A_273 = arith.constant 0 : i32
      %dma_start3A_274 = tpu.memref_slice %arg9[%add3A_267, %dma_start3A_273] : memref<250x40xi32, #tpu.memory_space<vmem>> -> memref<1x40xi32, #tpu.memory_space<vmem>>
      %dma_start3A_275 = tpu.memref_squeeze %dma_start3A_274 : memref<1x40xi32, #tpu.memory_space<vmem>> -> memref<40xi32, #tpu.memory_space<vmem>>
      %dma_start3A_276 = arith.constant 0 : i32
      %dma_start3A_277 = arith.constant 0 : i32
      %dma_start3A_278 = tpu.memref_slice %arg7[%dma_start3A_276, %dma_start3A_277] : memref<10000x128xf32, #tpu.memory_space<vmem_shared>> -> memref<10000x128xf32, #tpu.memory_space<vmem_shared>>
      tpu.enqueue_indirect_dma source(%dma_start3A_272 : memref<40x128xf32, #tpu.memory_space<vmem>>) target(%dma_start3A_278 : memref<10000x128xf32, #tpu.memory_space<vmem_shared>>) offsets(%dma_start3A_275 : memref<40xi32, #tpu.memory_space<vmem>>) semaphore(%arg16 : memref<!tpu.dma_semaphore, #tpu.memory_space<semaphore_mem>>) {add = true}
      %add3A_279 = arith.constant 0 : i32
      %add3A_280 = arith.addi %mul3A_252, %add3A_279 : i32
      %dma_wait3A_281 = arith.constant 0 : i32
      %dma_wait3A_282 = arith.constant 0 : i32
      %dma_wait3A_283 = arith.constant 0 : i32
      %dma_wait3A_284 = tpu.memref_slice %arg10[%dma_wait3A_281, %dma_wait3A_282, %dma_wait3A_283] : memref<5x40x128xf32, #tpu.memory_space<vmem>> -> memref<1x40x128xf32, #tpu.memory_space<vmem>>
      %dma_wait3A_285 = tpu.memref_squeeze %dma_wait3A_284 : memref<1x40x128xf32, #tpu.memory_space<vmem>> -> memref<40x128xf32, #tpu.memory_space<vmem>>
      %dma_wait3A_286 = arith.constant 0 : i32
      %dma_wait3A_287 = tpu.memref_slice %arg9[%add3A_280, %dma_wait3A_286] : memref<250x40xi32, #tpu.memory_space<vmem>> -> memref<1x40xi32, #tpu.memory_space<vmem>>
      %dma_wait3A_288 = tpu.memref_squeeze %dma_wait3A_287 : memref<1x40xi32, #tpu.memory_space<vmem>> -> memref<40xi32, #tpu.memory_space<vmem>>
      %dma_wait3A_289 = arith.constant 0 : i32
      %dma_wait3A_290 = arith.constant 0 : i32
      %dma_wait3A_291 = tpu.memref_slice %arg7[%dma_wait3A_289, %dma_wait3A_290] : memref<10000x128xf32, #tpu.memory_space<vmem_shared>> -> memref<10000x128xf32, #tpu.memory_space<vmem_shared>>
      tpu.wait_indirect_dma semaphore(%arg16 : memref<!tpu.dma_semaphore, #tpu.memory_space<semaphore_mem>>) src(%dma_wait3A_285 : memref<40x128xf32, #tpu.memory_space<vmem>>) dst(%dma_wait3A_291 : memref<10000x128xf32, #tpu.memory_space<vmem_shared>>)
      %add3A_292 = arith.constant 0 : i32
      %add3A_293 = arith.addi %mul3A_252, %add3A_292 : i32
      %add3A_294 = arith.constant 5 : i32
      %add3A_295 = arith.addi %add3A_293, %add3A_294 : i32
      %dma_start3A_296 = arith.constant 0 : i32
      %dma_start3A_297 = arith.constant 0 : i32
      %dma_start3A_298 = arith.constant 0 : i32
      %dma_start3A_299 = tpu.memref_slice %arg10[%dma_start3A_296, %dma_start3A_297, %dma_start3A_298] : memref<5x40x128xf32, #tpu.memory_space<vmem>> -> memref<1x40x128xf32, #tpu.memory_space<vmem>>
      %dma_start3A_300 = tpu.memref_squeeze %dma_start3A_299 : memref<1x40x128xf32, #tpu.memory_space<vmem>> -> memref<40x128xf32, #tpu.memory_space<vmem>>
      %dma_start3A_301 = arith.constant 0 : i32
      %dma_start3A_302 = tpu.memref_slice %arg8[%add3A_295, %dma_start3A_301] : memref<250x40xi32, #tpu.memory_space<vmem>> -> memref<1x40xi32, #tpu.memory_space<vmem>>
      %dma_start3A_303 = tpu.memref_squeeze %dma_start3A_302 : memref<1x40xi32, #tpu.memory_space<vmem>> -> memref<40xi32, #tpu.memory_space<vmem>>
      %dma_start3A_304 = arith.constant 0 : i32
      %dma_start3A_305 = arith.constant 0 : i32
      %dma_start3A_306 = tpu.memref_slice %arg2[%dma_start3A_304, %dma_start3A_305] : memref<10000x128xf32, #tpu.memory_space<hbm>> -> memref<10000x128xf32, #tpu.memory_space<hbm>>
      tpu.enqueue_indirect_dma source(%dma_start3A_306 : memref<10000x128xf32, #tpu.memory_space<hbm>>) target(%dma_start3A_300 : memref<40x128xf32, #tpu.memory_space<vmem>>) offsets(%dma_start3A_303 : memref<40xi32, #tpu.memory_space<vmem>>) semaphore(%arg11 : memref<!tpu.dma_semaphore, #tpu.memory_space<semaphore_mem>>)
      %add3A_307 = arith.constant 1 : i32
      %add3A_308 = arith.addi %mul3A_252, %add3A_307 : i32
      %dma_wait3A_309 = arith.constant 1 : i32
      %dma_wait3A_310 = arith.constant 0 : i32
      %dma_wait3A_311 = arith.constant 0 : i32
      %dma_wait3A_312 = tpu.memref_slice %arg10[%dma_wait3A_309, %dma_wait3A_310, %dma_wait3A_311] : memref<5x40x128xf32, #tpu.memory_space<vmem>> -> memref<1x40x128xf32, #tpu.memory_space<vmem>>
      %dma_wait3A_313 = tpu.memref_squeeze %dma_wait3A_312 : memref<1x40x128xf32, #tpu.memory_space<vmem>> -> memref<40x128xf32, #tpu.memory_space<vmem>>
      %dma_wait3A_314 = arith.constant 0 : i32
      %dma_wait3A_315 = tpu.memref_slice %arg8[%add3A_308, %dma_wait3A_314] : memref<250x40xi32, #tpu.memory_space<vmem>> -> memref<1x40xi32, #tpu.memory_space<vmem>>
      %dma_wait3A_316 = tpu.memref_squeeze %dma_wait3A_315 : memref<1x40xi32, #tpu.memory_space<vmem>> -> memref<40xi32, #tpu.memory_space<vmem>>
      %dma_wait3A_317 = arith.constant 0 : i32
      %dma_wait3A_318 = arith.constant 0 : i32
      %dma_wait3A_319 = tpu.memref_slice %arg2[%dma_wait3A_317, %dma_wait3A_318] : memref<10000x128xf32, #tpu.memory_space<hbm>> -> memref<10000x128xf32, #tpu.memory_space<hbm>>
      tpu.wait_indirect_dma semaphore(%arg12 : memref<!tpu.dma_semaphore, #tpu.memory_space<semaphore_mem>>) src(%dma_wait3A_319 : memref<10000x128xf32, #tpu.memory_space<hbm>>) dst(%dma_wait3A_313 : memref<40x128xf32, #tpu.memory_space<vmem>>)
      %add3A_320 = arith.constant 1 : i32
      %add3A_321 = arith.addi %mul3A_252, %add3A_320 : i32
      %dma_start3A_322 = arith.constant 1 : i32
      %dma_start3A_323 = arith.constant 0 : i32
      %dma_start3A_324 = arith.constant 0 : i32
      %dma_start3A_325 = tpu.memref_slice %arg10[%dma_start3A_322, %dma_start3A_323, %dma_start3A_324] : memref<5x40x128xf32, #tpu.memory_space<vmem>> -> memref<1x40x128xf32, #tpu.memory_space<vmem>>
      %dma_start3A_326 = tpu.memref_squeeze %dma_start3A_325 : memref<1x40x128xf32, #tpu.memory_space<vmem>> -> memref<40x128xf32, #tpu.memory_space<vmem>>
      %dma_start3A_327 = arith.constant 0 : i32
      %dma_start3A_328 = tpu.memref_slice %arg9[%add3A_321, %dma_start3A_327] : memref<250x40xi32, #tpu.memory_space<vmem>> -> memref<1x40xi32, #tpu.memory_space<vmem>>
      %dma_start3A_329 = tpu.memref_squeeze %dma_start3A_328 : memref<1x40xi32, #tpu.memory_space<vmem>> -> memref<40xi32, #tpu.memory_space<vmem>>
      %dma_start3A_330 = arith.constant 0 : i32
      %dma_start3A_331 = arith.constant 0 : i32
      %dma_start3A_332 = tpu.memref_slice %arg7[%dma_start3A_330, %dma_start3A_331] : memref<10000x128xf32, #tpu.memory_space<vmem_shared>> -> memref<10000x128xf32, #tpu.memory_space<vmem_shared>>
      tpu.enqueue_indirect_dma source(%dma_start3A_326 : memref<40x128xf32, #tpu.memory_space<vmem>>) target(%dma_start3A_332 : memref<10000x128xf32, #tpu.memory_space<vmem_shared>>) offsets(%dma_start3A_329 : memref<40xi32, #tpu.memory_space<vmem>>) semaphore(%arg17 : memref<!tpu.dma_semaphore, #tpu.memory_space<semaphore_mem>>) {add = true}
      %add3A_333 = arith.constant 1 : i32
      %add3A_334 = arith.addi %mul3A_252, %add3A_333 : i32
      %dma_wait3A_335 = arith.constant 1 : i32
      %dma_wait3A_336 = arith.constant 0 : i32
      %dma_wait3A_337 = arith.constant 0 : i32
      %dma_wait3A_338 = tpu.memref_slice %arg10[%dma_wait3A_335, %dma_wait3A_336, %dma_wait3A_337] : memref<5x40x128xf32, #tpu.memory_space<vmem>> -> memref<1x40x128xf32, #tpu.memory_space<vmem>>
      %dma_wait3A_339 = tpu.memref_squeeze %dma_wait3A_338 : memref<1x40x128xf32, #tpu.memory_space<vmem>> -> memref<40x128xf32, #tpu.memory_space<vmem>>
      %dma_wait3A_340 = arith.constant 0 : i32
      %dma_wait3A_341 = tpu.memref_slice %arg9[%add3A_334, %dma_wait3A_340] : memref<250x40xi32, #tpu.memory_space<vmem>> -> memref<1x40xi32, #tpu.memory_space<vmem>>
      %dma_wait3A_342 = tpu.memref_squeeze %dma_wait3A_341 : memref<1x40xi32, #tpu.memory_space<vmem>> -> memref<40xi32, #tpu.memory_space<vmem>>
      %dma_wait3A_343 = arith.constant 0 : i32
      %dma_wait3A_344 = arith.constant 0 : i32
      %dma_wait3A_345 = tpu.memref_slice %arg7[%dma_wait3A_343, %dma_wait3A_344] : memref<10000x128xf32, #tpu.memory_space<vmem_shared>> -> memref<10000x128xf32, #tpu.memory_space<vmem_shared>>
      tpu.wait_indirect_dma semaphore(%arg17 : memref<!tpu.dma_semaphore, #tpu.memory_space<semaphore_mem>>) src(%dma_wait3A_339 : memref<40x128xf32, #tpu.memory_space<vmem>>) dst(%dma_wait3A_345 : memref<10000x128xf32, #tpu.memory_space<vmem_shared>>)
      %add3A_346 = arith.constant 1 : i32
      %add3A_347 = arith.addi %mul3A_252, %add3A_346 : i32
      %add3A_348 = arith.constant 5 : i32
      %add3A_349 = arith.addi %add3A_347, %add3A_348 : i32
      %dma_start3A_350 = arith.constant 1 : i32
      %dma_start3A_351 = arith.constant 0 : i32
      %dma_start3A_352 = arith.constant 0 : i32
      %dma_start3A_353 = tpu.memref_slice %arg10[%dma_start3A_350, %dma_start3A_351, %dma_start3A_352] : memref<5x40x128xf32, #tpu.memory_space<vmem>> -> memref<1x40x128xf32, #tpu.memory_space<vmem>>
      %dma_start3A_354 = tpu.memref_squeeze %dma_start3A_353 : memref<1x40x128xf32, #tpu.memory_space<vmem>> -> memref<40x128xf32, #tpu.memory_space<vmem>>
      %dma_start3A_355 = arith.constant 0 : i32
      %dma_start3A_356 = tpu.memref_slice %arg8[%add3A_349, %dma_start3A_355] : memref<250x40xi32, #tpu.memory_space<vmem>> -> memref<1x40xi32, #tpu.memory_space<vmem>>
      %dma_start3A_357 = tpu.memref_squeeze %dma_start3A_356 : memref<1x40xi32, #tpu.memory_space<vmem>> -> memref<40xi32, #tpu.memory_space<vmem>>
      %dma_start3A_358 = arith.constant 0 : i32
      %dma_start3A_359 = arith.constant 0 : i32
      %dma_start3A_360 = tpu.memref_slice %arg2[%dma_start3A_358, %dma_start3A_359] : memref<10000x128xf32, #tpu.memory_space<hbm>> -> memref<10000x128xf32, #tpu.memory_space<hbm>>
      tpu.enqueue_indirect_dma source(%dma_start3A_360 : memref<10000x128xf32, #tpu.memory_space<hbm>>) target(%dma_start3A_354 : memref<40x128xf32, #tpu.memory_space<vmem>>) offsets(%dma_start3A_357 : memref<40xi32, #tpu.memory_space<vmem>>) semaphore(%arg12 : memref<!tpu.dma_semaphore, #tpu.memory_space<semaphore_mem>>)
      %add3A_361 = arith.constant 2 : i32
      %add3A_362 = arith.addi %mul3A_252, %add3A_361 : i32
      %dma_wait3A_363 = arith.constant 2 : i32
      %dma_wait3A_364 = arith.constant 0 : i32
      %dma_wait3A_365 = arith.constant 0 : i32
      %dma_wait3A_366 = tpu.memref_slice %arg10[%dma_wait3A_363, %dma_wait3A_364, %dma_wait3A_365] : memref<5x40x128xf32, #tpu.memory_space<vmem>> -> memref<1x40x128xf32, #tpu.memory_space<vmem>>
      %dma_wait3A_367 = tpu.memref_squeeze %dma_wait3A_366 : memref<1x40x128xf32, #tpu.memory_space<vmem>> -> memref<40x128xf32, #tpu.memory_space<vmem>>
      %dma_wait3A_368 = arith.constant 0 : i32
      %dma_wait3A_369 = tpu.memref_slice %arg8[%add3A_362, %dma_wait3A_368] : memref<250x40xi32, #tpu.memory_space<vmem>> -> memref<1x40xi32, #tpu.memory_space<vmem>>
      %dma_wait3A_370 = tpu.memref_squeeze %dma_wait3A_369 : memref<1x40xi32, #tpu.memory_space<vmem>> -> memref<40xi32, #tpu.memory_space<vmem>>
      %dma_wait3A_371 = arith.constant 0 : i32
      %dma_wait3A_372 = arith.constant 0 : i32
      %dma_wait3A_373 = tpu.memref_slice %arg2[%dma_wait3A_371, %dma_wait3A_372] : memref<10000x128xf32, #tpu.memory_space<hbm>> -> memref<10000x128xf32, #tpu.memory_space<hbm>>
      tpu.wait_indirect_dma semaphore(%arg13 : memref<!tpu.dma_semaphore, #tpu.memory_space<semaphore_mem>>) src(%dma_wait3A_373 : memref<10000x128xf32, #tpu.memory_space<hbm>>) dst(%dma_wait3A_367 : memref<40x128xf32, #tpu.memory_space<vmem>>)
      %add3A_374 = arith.constant 2 : i32
      %add3A_375 = arith.addi %mul3A_252, %add3A_374 : i32
      %dma_start3A_376 = arith.constant 2 : i32
      %dma_start3A_377 = arith.constant 0 : i32
      %dma_start3A_378 = arith.constant 0 : i32
      %dma_start3A_379 = tpu.memref_slice %arg10[%dma_start3A_376, %dma_start3A_377, %dma_start3A_378] : memref<5x40x128xf32, #tpu.memory_space<vmem>> -> memref<1x40x128xf32, #tpu.memory_space<vmem>>
      %dma_start3A_380 = tpu.memref_squeeze %dma_start3A_379 : memref<1x40x128xf32, #tpu.memory_space<vmem>> -> memref<40x128xf32, #tpu.memory_space<vmem>>
      %dma_start3A_381 = arith.constant 0 : i32
      %dma_start3A_382 = tpu.memref_slice %arg9[%add3A_375, %dma_start3A_381] : memref<250x40xi32, #tpu.memory_space<vmem>> -> memref<1x40xi32, #tpu.memory_space<vmem>>
      %dma_start3A_383 = tpu.memref_squeeze %dma_start3A_382 : memref<1x40xi32, #tpu.memory_space<vmem>> -> memref<40xi32, #tpu.memory_space<vmem>>
      %dma_start3A_384 = arith.constant 0 : i32
      %dma_start3A_385 = arith.constant 0 : i32
      %dma_start3A_386 = tpu.memref_slice %arg7[%dma_start3A_384, %dma_start3A_385] : memref<10000x128xf32, #tpu.memory_space<vmem_shared>> -> memref<10000x128xf32, #tpu.memory_space<vmem_shared>>
      tpu.enqueue_indirect_dma source(%dma_start3A_380 : memref<40x128xf32, #tpu.memory_space<vmem>>) target(%dma_start3A_386 : memref<10000x128xf32, #tpu.memory_space<vmem_shared>>) offsets(%dma_start3A_383 : memref<40xi32, #tpu.memory_space<vmem>>) semaphore(%arg18 : memref<!tpu.dma_semaphore, #tpu.memory_space<semaphore_mem>>) {add = true}
      %add3A_387 = arith.constant 2 : i32
      %add3A_388 = arith.addi %mul3A_252, %add3A_387 : i32
      %dma_wait3A_389 = arith.constant 2 : i32
      %dma_wait3A_390 = arith.constant 0 : i32
      %dma_wait3A_391 = arith.constant 0 : i32
      %dma_wait3A_392 = tpu.memref_slice %arg10[%dma_wait3A_389, %dma_wait3A_390, %dma_wait3A_391] : memref<5x40x128xf32, #tpu.memory_space<vmem>> -> memref<1x40x128xf32, #tpu.memory_space<vmem>>
      %dma_wait3A_393 = tpu.memref_squeeze %dma_wait3A_392 : memref<1x40x128xf32, #tpu.memory_space<vmem>> -> memref<40x128xf32, #tpu.memory_space<vmem>>
      %dma_wait3A_394 = arith.constant 0 : i32
      %dma_wait3A_395 = tpu.memref_slice %arg9[%add3A_388, %dma_wait3A_394] : memref<250x40xi32, #tpu.memory_space<vmem>> -> memref<1x40xi32, #tpu.memory_space<vmem>>
      %dma_wait3A_396 = tpu.memref_squeeze %dma_wait3A_395 : memref<1x40xi32, #tpu.memory_space<vmem>> -> memref<40xi32, #tpu.memory_space<vmem>>
      %dma_wait3A_397 = arith.constant 0 : i32
      %dma_wait3A_398 = arith.constant 0 : i32
      %dma_wait3A_399 = tpu.memref_slice %arg7[%dma_wait3A_397, %dma_wait3A_398] : memref<10000x128xf32, #tpu.memory_space<vmem_shared>> -> memref<10000x128xf32, #tpu.memory_space<vmem_shared>>
      tpu.wait_indirect_dma semaphore(%arg18 : memref<!tpu.dma_semaphore, #tpu.memory_space<semaphore_mem>>) src(%dma_wait3A_393 : memref<40x128xf32, #tpu.memory_space<vmem>>) dst(%dma_wait3A_399 : memref<10000x128xf32, #tpu.memory_space<vmem_shared>>)
      %add3A_400 = arith.constant 2 : i32
      %add3A_401 = arith.addi %mul3A_252, %add3A_400 : i32
      %add3A_402 = arith.constant 5 : i32
      %add3A_403 = arith.addi %add3A_401, %add3A_402 : i32
      %dma_start3A_404 = arith.constant 2 : i32
      %dma_start3A_405 = arith.constant 0 : i32
      %dma_start3A_406 = arith.constant 0 : i32
      %dma_start3A_407 = tpu.memref_slice %arg10[%dma_start3A_404, %dma_start3A_405, %dma_start3A_406] : memref<5x40x128xf32, #tpu.memory_space<vmem>> -> memref<1x40x128xf32, #tpu.memory_space<vmem>>
      %dma_start3A_408 = tpu.memref_squeeze %dma_start3A_407 : memref<1x40x128xf32, #tpu.memory_space<vmem>> -> memref<40x128xf32, #tpu.memory_space<vmem>>
      %dma_start3A_409 = arith.constant 0 : i32
      %dma_start3A_410 = tpu.memref_slice %arg8[%add3A_403, %dma_start3A_409] : memref<250x40xi32, #tpu.memory_space<vmem>> -> memref<1x40xi32, #tpu.memory_space<vmem>>
      %dma_start3A_411 = tpu.memref_squeeze %dma_start3A_410 : memref<1x40xi32, #tpu.memory_space<vmem>> -> memref<40xi32, #tpu.memory_space<vmem>>
      %dma_start3A_412 = arith.constant 0 : i32
      %dma_start3A_413 = arith.constant 0 : i32
      %dma_start3A_414 = tpu.memref_slice %arg2[%dma_start3A_412, %dma_start3A_413] : memref<10000x128xf32, #tpu.memory_space<hbm>> -> memref<10000x128xf32, #tpu.memory_space<hbm>>
      tpu.enqueue_indirect_dma source(%dma_start3A_414 : memref<10000x128xf32, #tpu.memory_space<hbm>>) target(%dma_start3A_408 : memref<40x128xf32, #tpu.memory_space<vmem>>) offsets(%dma_start3A_411 : memref<40xi32, #tpu.memory_space<vmem>>) semaphore(%arg13 : memref<!tpu.dma_semaphore, #tpu.memory_space<semaphore_mem>>)
      %add3A_415 = arith.constant 3 : i32
      %add3A_416 = arith.addi %mul3A_252, %add3A_415 : i32
      %dma_wait3A_417 = arith.constant 3 : i32
      %dma_wait3A_418 = arith.constant 0 : i32
      %dma_wait3A_419 = arith.constant 0 : i32
      %dma_wait3A_420 = tpu.memref_slice %arg10[%dma_wait3A_417, %dma_wait3A_418, %dma_wait3A_419] : memref<5x40x128xf32, #tpu.memory_space<vmem>> -> memref<1x40x128xf32, #tpu.memory_space<vmem>>
      %dma_wait3A_421 = tpu.memref_squeeze %dma_wait3A_420 : memref<1x40x128xf32, #tpu.memory_space<vmem>> -> memref<40x128xf32, #tpu.memory_space<vmem>>
      %dma_wait3A_422 = arith.constant 0 : i32
      %dma_wait3A_423 = tpu.memref_slice %arg8[%add3A_416, %dma_wait3A_422] : memref<250x40xi32, #tpu.memory_space<vmem>> -> memref<1x40xi32, #tpu.memory_space<vmem>>
      %dma_wait3A_424 = tpu.memref_squeeze %dma_wait3A_423 : memref<1x40xi32, #tpu.memory_space<vmem>> -> memref<40xi32, #tpu.memory_space<vmem>>
      %dma_wait3A_425 = arith.constant 0 : i32
      %dma_wait3A_426 = arith.constant 0 : i32
      %dma_wait3A_427 = tpu.memref_slice %arg2[%dma_wait3A_425, %dma_wait3A_426] : memref<10000x128xf32, #tpu.memory_space<hbm>> -> memref<10000x128xf32, #tpu.memory_space<hbm>>
      tpu.wait_indirect_dma semaphore(%arg14 : memref<!tpu.dma_semaphore, #tpu.memory_space<semaphore_mem>>) src(%dma_wait3A_427 : memref<10000x128xf32, #tpu.memory_space<hbm>>) dst(%dma_wait3A_421 : memref<40x128xf32, #tpu.memory_space<vmem>>)
      %add3A_428 = arith.constant 3 : i32
      %add3A_429 = arith.addi %mul3A_252, %add3A_428 : i32
      %dma_start3A_430 = arith.constant 3 : i32
      %dma_start3A_431 = arith.constant 0 : i32
      %dma_start3A_432 = arith.constant 0 : i32
      %dma_start3A_433 = tpu.memref_slice %arg10[%dma_start3A_430, %dma_start3A_431, %dma_start3A_432] : memref<5x40x128xf32, #tpu.memory_space<vmem>> -> memref<1x40x128xf32, #tpu.memory_space<vmem>>
      %dma_start3A_434 = tpu.memref_squeeze %dma_start3A_433 : memref<1x40x128xf32, #tpu.memory_space<vmem>> -> memref<40x128xf32, #tpu.memory_space<vmem>>
      %dma_start3A_435 = arith.constant 0 : i32
      %dma_start3A_436 = tpu.memref_slice %arg9[%add3A_429, %dma_start3A_435] : memref<250x40xi32, #tpu.memory_space<vmem>> -> memref<1x40xi32, #tpu.memory_space<vmem>>
      %dma_start3A_437 = tpu.memref_squeeze %dma_start3A_436 : memref<1x40xi32, #tpu.memory_space<vmem>> -> memref<40xi32, #tpu.memory_space<vmem>>
      %dma_start3A_438 = arith.constant 0 : i32
      %dma_start3A_439 = arith.constant 0 : i32
      %dma_start3A_440 = tpu.memref_slice %arg7[%dma_start3A_438, %dma_start3A_439] : memref<10000x128xf32, #tpu.memory_space<vmem_shared>> -> memref<10000x128xf32, #tpu.memory_space<vmem_shared>>
      tpu.enqueue_indirect_dma source(%dma_start3A_434 : memref<40x128xf32, #tpu.memory_space<vmem>>) target(%dma_start3A_440 : memref<10000x128xf32, #tpu.memory_space<vmem_shared>>) offsets(%dma_start3A_437 : memref<40xi32, #tpu.memory_space<vmem>>) semaphore(%arg19 : memref<!tpu.dma_semaphore, #tpu.memory_space<semaphore_mem>>) {add = true}
      %add3A_441 = arith.constant 3 : i32
      %add3A_442 = arith.addi %mul3A_252, %add3A_441 : i32
      %dma_wait3A_443 = arith.constant 3 : i32
      %dma_wait3A_444 = arith.constant 0 : i32
      %dma_wait3A_445 = arith.constant 0 : i32
      %dma_wait3A_446 = tpu.memref_slice %arg10[%dma_wait3A_443, %dma_wait3A_444, %dma_wait3A_445] : memref<5x40x128xf32, #tpu.memory_space<vmem>> -> memref<1x40x128xf32, #tpu.memory_space<vmem>>
      %dma_wait3A_447 = tpu.memref_squeeze %dma_wait3A_446 : memref<1x40x128xf32, #tpu.memory_space<vmem>> -> memref<40x128xf32, #tpu.memory_space<vmem>>
      %dma_wait3A_448 = arith.constant 0 : i32
      %dma_wait3A_449 = tpu.memref_slice %arg9[%add3A_442, %dma_wait3A_448] : memref<250x40xi32, #tpu.memory_space<vmem>> -> memref<1x40xi32, #tpu.memory_space<vmem>>
      %dma_wait3A_450 = tpu.memref_squeeze %dma_wait3A_449 : memref<1x40xi32, #tpu.memory_space<vmem>> -> memref<40xi32, #tpu.memory_space<vmem>>
      %dma_wait3A_451 = arith.constant 0 : i32
      %dma_wait3A_452 = arith.constant 0 : i32
      %dma_wait3A_453 = tpu.memref_slice %arg7[%dma_wait3A_451, %dma_wait3A_452] : memref<10000x128xf32, #tpu.memory_space<vmem_shared>> -> memref<10000x128xf32, #tpu.memory_space<vmem_shared>>
      tpu.wait_indirect_dma semaphore(%arg19 : memref<!tpu.dma_semaphore, #tpu.memory_space<semaphore_mem>>) src(%dma_wait3A_447 : memref<40x128xf32, #tpu.memory_space<vmem>>) dst(%dma_wait3A_453 : memref<10000x128xf32, #tpu.memory_space<vmem_shared>>)
      %add3A_454 = arith.constant 3 : i32
      %add3A_455 = arith.addi %mul3A_252, %add3A_454 : i32
      %add3A_456 = arith.constant 5 : i32
      %add3A_457 = arith.addi %add3A_455, %add3A_456 : i32
      %dma_start3A_458 = arith.constant 3 : i32
      %dma_start3A_459 = arith.constant 0 : i32
      %dma_start3A_460 = arith.constant 0 : i32
      %dma_start3A_461 = tpu.memref_slice %arg10[%dma_start3A_458, %dma_start3A_459, %dma_start3A_460] : memref<5x40x128xf32, #tpu.memory_space<vmem>> -> memref<1x40x128xf32, #tpu.memory_space<vmem>>
      %dma_start3A_462 = tpu.memref_squeeze %dma_start3A_461 : memref<1x40x128xf32, #tpu.memory_space<vmem>> -> memref<40x128xf32, #tpu.memory_space<vmem>>
      %dma_start3A_463 = arith.constant 0 : i32
      %dma_start3A_464 = tpu.memref_slice %arg8[%add3A_457, %dma_start3A_463] : memref<250x40xi32, #tpu.memory_space<vmem>> -> memref<1x40xi32, #tpu.memory_space<vmem>>
      %dma_start3A_465 = tpu.memref_squeeze %dma_start3A_464 : memref<1x40xi32, #tpu.memory_space<vmem>> -> memref<40xi32, #tpu.memory_space<vmem>>
      %dma_start3A_466 = arith.constant 0 : i32
      %dma_start3A_467 = arith.constant 0 : i32
      %dma_start3A_468 = tpu.memref_slice %arg2[%dma_start3A_466, %dma_start3A_467] : memref<10000x128xf32, #tpu.memory_space<hbm>> -> memref<10000x128xf32, #tpu.memory_space<hbm>>
      tpu.enqueue_indirect_dma source(%dma_start3A_468 : memref<10000x128xf32, #tpu.memory_space<hbm>>) target(%dma_start3A_462 : memref<40x128xf32, #tpu.memory_space<vmem>>) offsets(%dma_start3A_465 : memref<40xi32, #tpu.memory_space<vmem>>) semaphore(%arg14 : memref<!tpu.dma_semaphore, #tpu.memory_space<semaphore_mem>>)
      %add3A_469 = arith.constant 4 : i32
      %add3A_470 = arith.addi %mul3A_252, %add3A_469 : i32
      %dma_wait3A_471 = arith.constant 4 : i32
      %dma_wait3A_472 = arith.constant 0 : i32
      %dma_wait3A_473 = arith.constant 0 : i32
      %dma_wait3A_474 = tpu.memref_slice %arg10[%dma_wait3A_471, %dma_wait3A_472, %dma_wait3A_473] : memref<5x40x128xf32, #tpu.memory_space<vmem>> -> memref<1x40x128xf32, #tpu.memory_space<vmem>>
      %dma_wait3A_475 = tpu.memref_squeeze %dma_wait3A_474 : memref<1x40x128xf32, #tpu.memory_space<vmem>> -> memref<40x128xf32, #tpu.memory_space<vmem>>
      %dma_wait3A_476 = arith.constant 0 : i32
      %dma_wait3A_477 = tpu.memref_slice %arg8[%add3A_470, %dma_wait3A_476] : memref<250x40xi32, #tpu.memory_space<vmem>> -> memref<1x40xi32, #tpu.memory_space<vmem>>
      %dma_wait3A_478 = tpu.memref_squeeze %dma_wait3A_477 : memref<1x40xi32, #tpu.memory_space<vmem>> -> memref<40xi32, #tpu.memory_space<vmem>>
      %dma_wait3A_479 = arith.constant 0 : i32
      %dma_wait3A_480 = arith.constant 0 : i32
      %dma_wait3A_481 = tpu.memref_slice %arg2[%dma_wait3A_479, %dma_wait3A_480] : memref<10000x128xf32, #tpu.memory_space<hbm>> -> memref<10000x128xf32, #tpu.memory_space<hbm>>
      tpu.wait_indirect_dma semaphore(%arg15 : memref<!tpu.dma_semaphore, #tpu.memory_space<semaphore_mem>>) src(%dma_wait3A_481 : memref<10000x128xf32, #tpu.memory_space<hbm>>) dst(%dma_wait3A_475 : memref<40x128xf32, #tpu.memory_space<vmem>>)
      %add3A_482 = arith.constant 4 : i32
      %add3A_483 = arith.addi %mul3A_252, %add3A_482 : i32
      %dma_start3A_484 = arith.constant 4 : i32
      %dma_start3A_485 = arith.constant 0 : i32
      %dma_start3A_486 = arith.constant 0 : i32
      %dma_start3A_487 = tpu.memref_slice %arg10[%dma_start3A_484, %dma_start3A_485, %dma_start3A_486] : memref<5x40x128xf32, #tpu.memory_space<vmem>> -> memref<1x40x128xf32, #tpu.memory_space<vmem>>
      %dma_start3A_488 = tpu.memref_squeeze %dma_start3A_487 : memref<1x40x128xf32, #tpu.memory_space<vmem>> -> memref<40x128xf32, #tpu.memory_space<vmem>>
      %dma_start3A_489 = arith.constant 0 : i32
      %dma_start3A_490 = tpu.memref_slice %arg9[%add3A_483, %dma_start3A_489] : memref<250x40xi32, #tpu.memory_space<vmem>> -> memref<1x40xi32, #tpu.memory_space<vmem>>
      %dma_start3A_491 = tpu.memref_squeeze %dma_start3A_490 : memref<1x40xi32, #tpu.memory_space<vmem>> -> memref<40xi32, #tpu.memory_space<vmem>>
      %dma_start3A_492 = arith.constant 0 : i32
      %dma_start3A_493 = arith.constant 0 : i32
      %dma_start3A_494 = tpu.memref_slice %arg7[%dma_start3A_492, %dma_start3A_493] : memref<10000x128xf32, #tpu.memory_space<vmem_shared>> -> memref<10000x128xf32, #tpu.memory_space<vmem_shared>>
      tpu.enqueue_indirect_dma source(%dma_start3A_488 : memref<40x128xf32, #tpu.memory_space<vmem>>) target(%dma_start3A_494 : memref<10000x128xf32, #tpu.memory_space<vmem_shared>>) offsets(%dma_start3A_491 : memref<40xi32, #tpu.memory_space<vmem>>) semaphore(%arg20 : memref<!tpu.dma_semaphore, #tpu.memory_space<semaphore_mem>>) {add = true}
      %add3A_495 = arith.constant 4 : i32
      %add3A_496 = arith.addi %mul3A_252, %add3A_495 : i32
      %dma_wait3A_497 = arith.constant 4 : i32
      %dma_wait3A_498 = arith.constant 0 : i32
      %dma_wait3A_499 = arith.constant 0 : i32
      %dma_wait3A_500 = tpu.memref_slice %arg10[%dma_wait3A_497, %dma_wait3A_498, %dma_wait3A_499] : memref<5x40x128xf32, #tpu.memory_space<vmem>> -> memref<1x40x128xf32, #tpu.memory_space<vmem>>
      %dma_wait3A_501 = tpu.memref_squeeze %dma_wait3A_500 : memref<1x40x128xf32, #tpu.memory_space<vmem>> -> memref<40x128xf32, #tpu.memory_space<vmem>>
      %dma_wait3A_502 = arith.constant 0 : i32
      %dma_wait3A_503 = tpu.memref_slice %arg9[%add3A_496, %dma_wait3A_502] : memref<250x40xi32, #tpu.memory_space<vmem>> -> memref<1x40xi32, #tpu.memory_space<vmem>>
      %dma_wait3A_504 = tpu.memref_squeeze %dma_wait3A_503 : memref<1x40xi32, #tpu.memory_space<vmem>> -> memref<40xi32, #tpu.memory_space<vmem>>
      %dma_wait3A_505 = arith.constant 0 : i32
      %dma_wait3A_506 = arith.constant 0 : i32
      %dma_wait3A_507 = tpu.memref_slice %arg7[%dma_wait3A_505, %dma_wait3A_506] : memref<10000x128xf32, #tpu.memory_space<vmem_shared>> -> memref<10000x128xf32, #tpu.memory_space<vmem_shared>>
      tpu.wait_indirect_dma semaphore(%arg20 : memref<!tpu.dma_semaphore, #tpu.memory_space<semaphore_mem>>) src(%dma_wait3A_501 : memref<40x128xf32, #tpu.memory_space<vmem>>) dst(%dma_wait3A_507 : memref<10000x128xf32, #tpu.memory_space<vmem_shared>>)
      %add3A_508 = arith.constant 4 : i32
      %add3A_509 = arith.addi %mul3A_252, %add3A_508 : i32
      %add3A_510 = arith.constant 5 : i32
      %add3A_511 = arith.addi %add3A_509, %add3A_510 : i32
      %dma_start3A_512 = arith.constant 4 : i32
      %dma_start3A_513 = arith.constant 0 : i32
      %dma_start3A_514 = arith.constant 0 : i32
      %dma_start3A_515 = tpu.memref_slice %arg10[%dma_start3A_512, %dma_start3A_513, %dma_start3A_514] : memref<5x40x128xf32, #tpu.memory_space<vmem>> -> memref<1x40x128xf32, #tpu.memory_space<vmem>>
      %dma_start3A_516 = tpu.memref_squeeze %dma_start3A_515 : memref<1x40x128xf32, #tpu.memory_space<vmem>> -> memref<40x128xf32, #tpu.memory_space<vmem>>
      %dma_start3A_517 = arith.constant 0 : i32
      %dma_start3A_518 = tpu.memref_slice %arg8[%add3A_511, %dma_start3A_517] : memref<250x40xi32, #tpu.memory_space<vmem>> -> memref<1x40xi32, #tpu.memory_space<vmem>>
      %dma_start3A_519 = tpu.memref_squeeze %dma_start3A_518 : memref<1x40xi32, #tpu.memory_space<vmem>> -> memref<40xi32, #tpu.memory_space<vmem>>
      %dma_start3A_520 = arith.constant 0 : i32
      %dma_start3A_521 = arith.constant 0 : i32
      %dma_start3A_522 = tpu.memref_slice %arg2[%dma_start3A_520, %dma_start3A_521] : memref<10000x128xf32, #tpu.memory_space<hbm>> -> memref<10000x128xf32, #tpu.memory_space<hbm>>
      tpu.enqueue_indirect_dma source(%dma_start3A_522 : memref<10000x128xf32, #tpu.memory_space<hbm>>) target(%dma_start3A_516 : memref<40x128xf32, #tpu.memory_space<vmem>>) offsets(%dma_start3A_519 : memref<40xi32, #tpu.memory_space<vmem>>) semaphore(%arg15 : memref<!tpu.dma_semaphore, #tpu.memory_space<semaphore_mem>>)
    }
    %scan3A_65 = arith.constant 49 : i32
    %dma_wait3A = arith.constant 245 : i32
    %dma_wait3A_66 = arith.constant 0 : i32
    %dma_wait3A_67 = arith.constant 0 : i32
    %dma_wait3A_68 = arith.constant 0 : i32
    %dma_wait3A_69 = tpu.memref_slice %arg10[%dma_wait3A_66, %dma_wait3A_67, %dma_wait3A_68] : memref<5x40x128xf32, #tpu.memory_space<vmem>> -> memref<1x40x128xf32, #tpu.memory_space<vmem>>
    %dma_wait3A_70 = tpu.memref_squeeze %dma_wait3A_69 : memref<1x40x128xf32, #tpu.memory_space<vmem>> -> memref<40x128xf32, #tpu.memory_space<vmem>>
    %dma_wait3A_71 = arith.constant 0 : i32
    %dma_wait3A_72 = tpu.memref_slice %arg8[%dma_wait3A, %dma_wait3A_71] : memref<250x40xi32, #tpu.memory_space<vmem>> -> memref<1x40xi32, #tpu.memory_space<vmem>>
    %dma_wait3A_73 = tpu.memref_squeeze %dma_wait3A_72 : memref<1x40xi32, #tpu.memory_space<vmem>> -> memref<40xi32, #tpu.memory_space<vmem>>
    %dma_wait3A_74 = arith.constant 0 : i32
    %dma_wait3A_75 = arith.constant 0 : i32
    %dma_wait3A_76 = tpu.memref_slice %arg2[%dma_wait3A_74, %dma_wait3A_75] : memref<10000x128xf32, #tpu.memory_space<hbm>> -> memref<10000x128xf32, #tpu.memory_space<hbm>>
    tpu.wait_indirect_dma semaphore(%arg11 : memref<!tpu.dma_semaphore, #tpu.memory_space<semaphore_mem>>) src(%dma_wait3A_76 : memref<10000x128xf32, #tpu.memory_space<hbm>>) dst(%dma_wait3A_70 : memref<40x128xf32, #tpu.memory_space<vmem>>)
    %dma_start3A_77 = arith.constant 0 : i32
    %dma_start3A_78 = arith.constant 245 : i32
    %dma_start3A_79 = arith.constant 0 : i32
    %dma_start3A_80 = arith.constant 0 : i32
    %dma_start3A_81 = tpu.memref_slice %arg10[%dma_start3A_77, %dma_start3A_79, %dma_start3A_80] : memref<5x40x128xf32, #tpu.memory_space<vmem>> -> memref<1x40x128xf32, #tpu.memory_space<vmem>>
    %dma_start3A_82 = tpu.memref_squeeze %dma_start3A_81 : memref<1x40x128xf32, #tpu.memory_space<vmem>> -> memref<40x128xf32, #tpu.memory_space<vmem>>
    %dma_start3A_83 = arith.constant 0 : i32
    %dma_start3A_84 = tpu.memref_slice %arg9[%dma_start3A_78, %dma_start3A_83] : memref<250x40xi32, #tpu.memory_space<vmem>> -> memref<1x40xi32, #tpu.memory_space<vmem>>
    %dma_start3A_85 = tpu.memref_squeeze %dma_start3A_84 : memref<1x40xi32, #tpu.memory_space<vmem>> -> memref<40xi32, #tpu.memory_space<vmem>>
    %dma_start3A_86 = arith.constant 0 : i32
    %dma_start3A_87 = arith.constant 0 : i32
    %dma_start3A_88 = tpu.memref_slice %arg7[%dma_start3A_86, %dma_start3A_87] : memref<10000x128xf32, #tpu.memory_space<vmem_shared>> -> memref<10000x128xf32, #tpu.memory_space<vmem_shared>>
    tpu.enqueue_indirect_dma source(%dma_start3A_82 : memref<40x128xf32, #tpu.memory_space<vmem>>) target(%dma_start3A_88 : memref<10000x128xf32, #tpu.memory_space<vmem_shared>>) offsets(%dma_start3A_85 : memref<40xi32, #tpu.memory_space<vmem>>) semaphore(%arg16 : memref<!tpu.dma_semaphore, #tpu.memory_space<semaphore_mem>>) {add = true}
    %dma_wait3A_89 = arith.constant 0 : i32
    %dma_wait3A_90 = arith.constant 245 : i32
    %dma_wait3A_91 = arith.constant 0 : i32
    %dma_wait3A_92 = arith.constant 0 : i32
    %dma_wait3A_93 = tpu.memref_slice %arg10[%dma_wait3A_89, %dma_wait3A_91, %dma_wait3A_92] : memref<5x40x128xf32, #tpu.memory_space<vmem>> -> memref<1x40x128xf32, #tpu.memory_space<vmem>>
    %dma_wait3A_94 = tpu.memref_squeeze %dma_wait3A_93 : memref<1x40x128xf32, #tpu.memory_space<vmem>> -> memref<40x128xf32, #tpu.memory_space<vmem>>
    %dma_wait3A_95 = arith.constant 0 : i32
    %dma_wait3A_96 = tpu.memref_slice %arg9[%dma_wait3A_90, %dma_wait3A_95] : memref<250x40xi32, #tpu.memory_space<vmem>> -> memref<1x40xi32, #tpu.memory_space<vmem>>
    %dma_wait3A_97 = tpu.memref_squeeze %dma_wait3A_96 : memref<1x40xi32, #tpu.memory_space<vmem>> -> memref<40xi32, #tpu.memory_space<vmem>>
    %dma_wait3A_98 = arith.constant 0 : i32
    %dma_wait3A_99 = arith.constant 0 : i32
    %dma_wait3A_100 = tpu.memref_slice %arg7[%dma_wait3A_98, %dma_wait3A_99] : memref<10000x128xf32, #tpu.memory_space<vmem_shared>> -> memref<10000x128xf32, #tpu.memory_space<vmem_shared>>
    tpu.wait_indirect_dma semaphore(%arg16 : memref<!tpu.dma_semaphore, #tpu.memory_space<semaphore_mem>>) src(%dma_wait3A_94 : memref<40x128xf32, #tpu.memory_space<vmem>>) dst(%dma_wait3A_100 : memref<10000x128xf32, #tpu.memory_space<vmem_shared>>)
    %dma_wait3A_101 = arith.constant 246 : i32
    %dma_wait3A_102 = arith.constant 1 : i32
    %dma_wait3A_103 = arith.constant 0 : i32
    %dma_wait3A_104 = arith.constant 0 : i32
    %dma_wait3A_105 = tpu.memref_slice %arg10[%dma_wait3A_102, %dma_wait3A_103, %dma_wait3A_104] : memref<5x40x128xf32, #tpu.memory_space<vmem>> -> memref<1x40x128xf32, #tpu.memory_space<vmem>>
    %dma_wait3A_106 = tpu.memref_squeeze %dma_wait3A_105 : memref<1x40x128xf32, #tpu.memory_space<vmem>> -> memref<40x128xf32, #tpu.memory_space<vmem>>
    %dma_wait3A_107 = arith.constant 0 : i32
    %dma_wait3A_108 = tpu.memref_slice %arg8[%dma_wait3A_101, %dma_wait3A_107] : memref<250x40xi32, #tpu.memory_space<vmem>> -> memref<1x40xi32, #tpu.memory_space<vmem>>
    %dma_wait3A_109 = tpu.memref_squeeze %dma_wait3A_108 : memref<1x40xi32, #tpu.memory_space<vmem>> -> memref<40xi32, #tpu.memory_space<vmem>>
    %dma_wait3A_110 = arith.constant 0 : i32
    %dma_wait3A_111 = arith.constant 0 : i32
    %dma_wait3A_112 = tpu.memref_slice %arg2[%dma_wait3A_110, %dma_wait3A_111] : memref<10000x128xf32, #tpu.memory_space<hbm>> -> memref<10000x128xf32, #tpu.memory_space<hbm>>
    tpu.wait_indirect_dma semaphore(%arg12 : memref<!tpu.dma_semaphore, #tpu.memory_space<semaphore_mem>>) src(%dma_wait3A_112 : memref<10000x128xf32, #tpu.memory_space<hbm>>) dst(%dma_wait3A_106 : memref<40x128xf32, #tpu.memory_space<vmem>>)
    %dma_start3A_113 = arith.constant 1 : i32
    %dma_start3A_114 = arith.constant 246 : i32
    %dma_start3A_115 = arith.constant 0 : i32
    %dma_start3A_116 = arith.constant 0 : i32
    %dma_start3A_117 = tpu.memref_slice %arg10[%dma_start3A_113, %dma_start3A_115, %dma_start3A_116] : memref<5x40x128xf32, #tpu.memory_space<vmem>> -> memref<1x40x128xf32, #tpu.memory_space<vmem>>
    %dma_start3A_118 = tpu.memref_squeeze %dma_start3A_117 : memref<1x40x128xf32, #tpu.memory_space<vmem>> -> memref<40x128xf32, #tpu.memory_space<vmem>>
    %dma_start3A_119 = arith.constant 0 : i32
    %dma_start3A_120 = tpu.memref_slice %arg9[%dma_start3A_114, %dma_start3A_119] : memref<250x40xi32, #tpu.memory_space<vmem>> -> memref<1x40xi32, #tpu.memory_space<vmem>>
    %dma_start3A_121 = tpu.memref_squeeze %dma_start3A_120 : memref<1x40xi32, #tpu.memory_space<vmem>> -> memref<40xi32, #tpu.memory_space<vmem>>
    %dma_start3A_122 = arith.constant 0 : i32
    %dma_start3A_123 = arith.constant 0 : i32
    %dma_start3A_124 = tpu.memref_slice %arg7[%dma_start3A_122, %dma_start3A_123] : memref<10000x128xf32, #tpu.memory_space<vmem_shared>> -> memref<10000x128xf32, #tpu.memory_space<vmem_shared>>
    tpu.enqueue_indirect_dma source(%dma_start3A_118 : memref<40x128xf32, #tpu.memory_space<vmem>>) target(%dma_start3A_124 : memref<10000x128xf32, #tpu.memory_space<vmem_shared>>) offsets(%dma_start3A_121 : memref<40xi32, #tpu.memory_space<vmem>>) semaphore(%arg17 : memref<!tpu.dma_semaphore, #tpu.memory_space<semaphore_mem>>) {add = true}
    %dma_wait3A_125 = arith.constant 1 : i32
    %dma_wait3A_126 = arith.constant 246 : i32
    %dma_wait3A_127 = arith.constant 0 : i32
    %dma_wait3A_128 = arith.constant 0 : i32
    %dma_wait3A_129 = tpu.memref_slice %arg10[%dma_wait3A_125, %dma_wait3A_127, %dma_wait3A_128] : memref<5x40x128xf32, #tpu.memory_space<vmem>> -> memref<1x40x128xf32, #tpu.memory_space<vmem>>
    %dma_wait3A_130 = tpu.memref_squeeze %dma_wait3A_129 : memref<1x40x128xf32, #tpu.memory_space<vmem>> -> memref<40x128xf32, #tpu.memory_space<vmem>>
    %dma_wait3A_131 = arith.constant 0 : i32
    %dma_wait3A_132 = tpu.memref_slice %arg9[%dma_wait3A_126, %dma_wait3A_131] : memref<250x40xi32, #tpu.memory_space<vmem>> -> memref<1x40xi32, #tpu.memory_space<vmem>>
    %dma_wait3A_133 = tpu.memref_squeeze %dma_wait3A_132 : memref<1x40xi32, #tpu.memory_space<vmem>> -> memref<40xi32, #tpu.memory_space<vmem>>
    %dma_wait3A_134 = arith.constant 0 : i32
    %dma_wait3A_135 = arith.constant 0 : i32
    %dma_wait3A_136 = tpu.memref_slice %arg7[%dma_wait3A_134, %dma_wait3A_135] : memref<10000x128xf32, #tpu.memory_space<vmem_shared>> -> memref<10000x128xf32, #tpu.memory_space<vmem_shared>>
    tpu.wait_indirect_dma semaphore(%arg17 : memref<!tpu.dma_semaphore, #tpu.memory_space<semaphore_mem>>) src(%dma_wait3A_130 : memref<40x128xf32, #tpu.memory_space<vmem>>) dst(%dma_wait3A_136 : memref<10000x128xf32, #tpu.memory_space<vmem_shared>>)
    %dma_wait3A_137 = arith.constant 247 : i32
    %dma_wait3A_138 = arith.constant 2 : i32
    %dma_wait3A_139 = arith.constant 0 : i32
    %dma_wait3A_140 = arith.constant 0 : i32
    %dma_wait3A_141 = tpu.memref_slice %arg10[%dma_wait3A_138, %dma_wait3A_139, %dma_wait3A_140] : memref<5x40x128xf32, #tpu.memory_space<vmem>> -> memref<1x40x128xf32, #tpu.memory_space<vmem>>
    %dma_wait3A_142 = tpu.memref_squeeze %dma_wait3A_141 : memref<1x40x128xf32, #tpu.memory_space<vmem>> -> memref<40x128xf32, #tpu.memory_space<vmem>>
    %dma_wait3A_143 = arith.constant 0 : i32
    %dma_wait3A_144 = tpu.memref_slice %arg8[%dma_wait3A_137, %dma_wait3A_143] : memref<250x40xi32, #tpu.memory_space<vmem>> -> memref<1x40xi32, #tpu.memory_space<vmem>>
    %dma_wait3A_145 = tpu.memref_squeeze %dma_wait3A_144 : memref<1x40xi32, #tpu.memory_space<vmem>> -> memref<40xi32, #tpu.memory_space<vmem>>
    %dma_wait3A_146 = arith.constant 0 : i32
    %dma_wait3A_147 = arith.constant 0 : i32
    %dma_wait3A_148 = tpu.memref_slice %arg2[%dma_wait3A_146, %dma_wait3A_147] : memref<10000x128xf32, #tpu.memory_space<hbm>> -> memref<10000x128xf32, #tpu.memory_space<hbm>>
    tpu.wait_indirect_dma semaphore(%arg13 : memref<!tpu.dma_semaphore, #tpu.memory_space<semaphore_mem>>) src(%dma_wait3A_148 : memref<10000x128xf32, #tpu.memory_space<hbm>>) dst(%dma_wait3A_142 : memref<40x128xf32, #tpu.memory_space<vmem>>)
    %dma_start3A_149 = arith.constant 2 : i32
    %dma_start3A_150 = arith.constant 247 : i32
    %dma_start3A_151 = arith.constant 0 : i32
    %dma_start3A_152 = arith.constant 0 : i32
    %dma_start3A_153 = tpu.memref_slice %arg10[%dma_start3A_149, %dma_start3A_151, %dma_start3A_152] : memref<5x40x128xf32, #tpu.memory_space<vmem>> -> memref<1x40x128xf32, #tpu.memory_space<vmem>>
    %dma_start3A_154 = tpu.memref_squeeze %dma_start3A_153 : memref<1x40x128xf32, #tpu.memory_space<vmem>> -> memref<40x128xf32, #tpu.memory_space<vmem>>
    %dma_start3A_155 = arith.constant 0 : i32
    %dma_start3A_156 = tpu.memref_slice %arg9[%dma_start3A_150, %dma_start3A_155] : memref<250x40xi32, #tpu.memory_space<vmem>> -> memref<1x40xi32, #tpu.memory_space<vmem>>
    %dma_start3A_157 = tpu.memref_squeeze %dma_start3A_156 : memref<1x40xi32, #tpu.memory_space<vmem>> -> memref<40xi32, #tpu.memory_space<vmem>>
    %dma_start3A_158 = arith.constant 0 : i32
    %dma_start3A_159 = arith.constant 0 : i32
    %dma_start3A_160 = tpu.memref_slice %arg7[%dma_start3A_158, %dma_start3A_159] : memref<10000x128xf32, #tpu.memory_space<vmem_shared>> -> memref<10000x128xf32, #tpu.memory_space<vmem_shared>>
    tpu.enqueue_indirect_dma source(%dma_start3A_154 : memref<40x128xf32, #tpu.memory_space<vmem>>) target(%dma_start3A_160 : memref<10000x128xf32, #tpu.memory_space<vmem_shared>>) offsets(%dma_start3A_157 : memref<40xi32, #tpu.memory_space<vmem>>) semaphore(%arg18 : memref<!tpu.dma_semaphore, #tpu.memory_space<semaphore_mem>>) {add = true}
    %dma_wait3A_161 = arith.constant 2 : i32
    %dma_wait3A_162 = arith.constant 247 : i32
    %dma_wait3A_163 = arith.constant 0 : i32
    %dma_wait3A_164 = arith.constant 0 : i32
    %dma_wait3A_165 = tpu.memref_slice %arg10[%dma_wait3A_161, %dma_wait3A_163, %dma_wait3A_164] : memref<5x40x128xf32, #tpu.memory_space<vmem>> -> memref<1x40x128xf32, #tpu.memory_space<vmem>>
    %dma_wait3A_166 = tpu.memref_squeeze %dma_wait3A_165 : memref<1x40x128xf32, #tpu.memory_space<vmem>> -> memref<40x128xf32, #tpu.memory_space<vmem>>
    %dma_wait3A_167 = arith.constant 0 : i32
    %dma_wait3A_168 = tpu.memref_slice %arg9[%dma_wait3A_162, %dma_wait3A_167] : memref<250x40xi32, #tpu.memory_space<vmem>> -> memref<1x40xi32, #tpu.memory_space<vmem>>
    %dma_wait3A_169 = tpu.memref_squeeze %dma_wait3A_168 : memref<1x40xi32, #tpu.memory_space<vmem>> -> memref<40xi32, #tpu.memory_space<vmem>>
    %dma_wait3A_170 = arith.constant 0 : i32
    %dma_wait3A_171 = arith.constant 0 : i32
    %dma_wait3A_172 = tpu.memref_slice %arg7[%dma_wait3A_170, %dma_wait3A_171] : memref<10000x128xf32, #tpu.memory_space<vmem_shared>> -> memref<10000x128xf32, #tpu.memory_space<vmem_shared>>
    tpu.wait_indirect_dma semaphore(%arg18 : memref<!tpu.dma_semaphore, #tpu.memory_space<semaphore_mem>>) src(%dma_wait3A_166 : memref<40x128xf32, #tpu.memory_space<vmem>>) dst(%dma_wait3A_172 : memref<10000x128xf32, #tpu.memory_space<vmem_shared>>)
    %dma_wait3A_173 = arith.constant 248 : i32
    %dma_wait3A_174 = arith.constant 3 : i32
    %dma_wait3A_175 = arith.constant 0 : i32
    %dma_wait3A_176 = arith.constant 0 : i32
    %dma_wait3A_177 = tpu.memref_slice %arg10[%dma_wait3A_174, %dma_wait3A_175, %dma_wait3A_176] : memref<5x40x128xf32, #tpu.memory_space<vmem>> -> memref<1x40x128xf32, #tpu.memory_space<vmem>>
    %dma_wait3A_178 = tpu.memref_squeeze %dma_wait3A_177 : memref<1x40x128xf32, #tpu.memory_space<vmem>> -> memref<40x128xf32, #tpu.memory_space<vmem>>
    %dma_wait3A_179 = arith.constant 0 : i32
    %dma_wait3A_180 = tpu.memref_slice %arg8[%dma_wait3A_173, %dma_wait3A_179] : memref<250x40xi32, #tpu.memory_space<vmem>> -> memref<1x40xi32, #tpu.memory_space<vmem>>
    %dma_wait3A_181 = tpu.memref_squeeze %dma_wait3A_180 : memref<1x40xi32, #tpu.memory_space<vmem>> -> memref<40xi32, #tpu.memory_space<vmem>>
    %dma_wait3A_182 = arith.constant 0 : i32
    %dma_wait3A_183 = arith.constant 0 : i32
    %dma_wait3A_184 = tpu.memref_slice %arg2[%dma_wait3A_182, %dma_wait3A_183] : memref<10000x128xf32, #tpu.memory_space<hbm>> -> memref<10000x128xf32, #tpu.memory_space<hbm>>
    tpu.wait_indirect_dma semaphore(%arg14 : memref<!tpu.dma_semaphore, #tpu.memory_space<semaphore_mem>>) src(%dma_wait3A_184 : memref<10000x128xf32, #tpu.memory_space<hbm>>) dst(%dma_wait3A_178 : memref<40x128xf32, #tpu.memory_space<vmem>>)
    %dma_start3A_185 = arith.constant 3 : i32
    %dma_start3A_186 = arith.constant 248 : i32
    %dma_start3A_187 = arith.constant 0 : i32
    %dma_start3A_188 = arith.constant 0 : i32
    %dma_start3A_189 = tpu.memref_slice %arg10[%dma_start3A_185, %dma_start3A_187, %dma_start3A_188] : memref<5x40x128xf32, #tpu.memory_space<vmem>> -> memref<1x40x128xf32, #tpu.memory_space<vmem>>
    %dma_start3A_190 = tpu.memref_squeeze %dma_start3A_189 : memref<1x40x128xf32, #tpu.memory_space<vmem>> -> memref<40x128xf32, #tpu.memory_space<vmem>>
    %dma_start3A_191 = arith.constant 0 : i32
    %dma_start3A_192 = tpu.memref_slice %arg9[%dma_start3A_186, %dma_start3A_191] : memref<250x40xi32, #tpu.memory_space<vmem>> -> memref<1x40xi32, #tpu.memory_space<vmem>>
    %dma_start3A_193 = tpu.memref_squeeze %dma_start3A_192 : memref<1x40xi32, #tpu.memory_space<vmem>> -> memref<40xi32, #tpu.memory_space<vmem>>
    %dma_start3A_194 = arith.constant 0 : i32
    %dma_start3A_195 = arith.constant 0 : i32
    %dma_start3A_196 = tpu.memref_slice %arg7[%dma_start3A_194, %dma_start3A_195] : memref<10000x128xf32, #tpu.memory_space<vmem_shared>> -> memref<10000x128xf32, #tpu.memory_space<vmem_shared>>
    tpu.enqueue_indirect_dma source(%dma_start3A_190 : memref<40x128xf32, #tpu.memory_space<vmem>>) target(%dma_start3A_196 : memref<10000x128xf32, #tpu.memory_space<vmem_shared>>) offsets(%dma_start3A_193 : memref<40xi32, #tpu.memory_space<vmem>>) semaphore(%arg19 : memref<!tpu.dma_semaphore, #tpu.memory_space<semaphore_mem>>) {add = true}
    %dma_wait3A_197 = arith.constant 3 : i32
    %dma_wait3A_198 = arith.constant 248 : i32
    %dma_wait3A_199 = arith.constant 0 : i32
    %dma_wait3A_200 = arith.constant 0 : i32
    %dma_wait3A_201 = tpu.memref_slice %arg10[%dma_wait3A_197, %dma_wait3A_199, %dma_wait3A_200] : memref<5x40x128xf32, #tpu.memory_space<vmem>> -> memref<1x40x128xf32, #tpu.memory_space<vmem>>
    %dma_wait3A_202 = tpu.memref_squeeze %dma_wait3A_201 : memref<1x40x128xf32, #tpu.memory_space<vmem>> -> memref<40x128xf32, #tpu.memory_space<vmem>>
    %dma_wait3A_203 = arith.constant 0 : i32
    %dma_wait3A_204 = tpu.memref_slice %arg9[%dma_wait3A_198, %dma_wait3A_203] : memref<250x40xi32, #tpu.memory_space<vmem>> -> memref<1x40xi32, #tpu.memory_space<vmem>>
    %dma_wait3A_205 = tpu.memref_squeeze %dma_wait3A_204 : memref<1x40xi32, #tpu.memory_space<vmem>> -> memref<40xi32, #tpu.memory_space<vmem>>
    %dma_wait3A_206 = arith.constant 0 : i32
    %dma_wait3A_207 = arith.constant 0 : i32
    %dma_wait3A_208 = tpu.memref_slice %arg7[%dma_wait3A_206, %dma_wait3A_207] : memref<10000x128xf32, #tpu.memory_space<vmem_shared>> -> memref<10000x128xf32, #tpu.memory_space<vmem_shared>>
    tpu.wait_indirect_dma semaphore(%arg19 : memref<!tpu.dma_semaphore, #tpu.memory_space<semaphore_mem>>) src(%dma_wait3A_202 : memref<40x128xf32, #tpu.memory_space<vmem>>) dst(%dma_wait3A_208 : memref<10000x128xf32, #tpu.memory_space<vmem_shared>>)
    %dma_wait3A_209 = arith.constant 249 : i32
    %dma_wait3A_210 = arith.constant 4 : i32
    %dma_wait3A_211 = arith.constant 0 : i32
    %dma_wait3A_212 = arith.constant 0 : i32
    %dma_wait3A_213 = tpu.memref_slice %arg10[%dma_wait3A_210, %dma_wait3A_211, %dma_wait3A_212] : memref<5x40x128xf32, #tpu.memory_space<vmem>> -> memref<1x40x128xf32, #tpu.memory_space<vmem>>
    %dma_wait3A_214 = tpu.memref_squeeze %dma_wait3A_213 : memref<1x40x128xf32, #tpu.memory_space<vmem>> -> memref<40x128xf32, #tpu.memory_space<vmem>>
    %dma_wait3A_215 = arith.constant 0 : i32
    %dma_wait3A_216 = tpu.memref_slice %arg8[%dma_wait3A_209, %dma_wait3A_215] : memref<250x40xi32, #tpu.memory_space<vmem>> -> memref<1x40xi32, #tpu.memory_space<vmem>>
    %dma_wait3A_217 = tpu.memref_squeeze %dma_wait3A_216 : memref<1x40xi32, #tpu.memory_space<vmem>> -> memref<40xi32, #tpu.memory_space<vmem>>
    %dma_wait3A_218 = arith.constant 0 : i32
    %dma_wait3A_219 = arith.constant 0 : i32
    %dma_wait3A_220 = tpu.memref_slice %arg2[%dma_wait3A_218, %dma_wait3A_219] : memref<10000x128xf32, #tpu.memory_space<hbm>> -> memref<10000x128xf32, #tpu.memory_space<hbm>>
    tpu.wait_indirect_dma semaphore(%arg15 : memref<!tpu.dma_semaphore, #tpu.memory_space<semaphore_mem>>) src(%dma_wait3A_220 : memref<10000x128xf32, #tpu.memory_space<hbm>>) dst(%dma_wait3A_214 : memref<40x128xf32, #tpu.memory_space<vmem>>)
    %dma_start3A_221 = arith.constant 4 : i32
    %dma_start3A_222 = arith.constant 249 : i32
    %dma_start3A_223 = arith.constant 0 : i32
    %dma_start3A_224 = arith.constant 0 : i32
    %dma_start3A_225 = tpu.memref_slice %arg10[%dma_start3A_221, %dma_start3A_223, %dma_start3A_224] : memref<5x40x128xf32, #tpu.memory_space<vmem>> -> memref<1x40x128xf32, #tpu.memory_space<vmem>>
    %dma_start3A_226 = tpu.memref_squeeze %dma_start3A_225 : memref<1x40x128xf32, #tpu.memory_space<vmem>> -> memref<40x128xf32, #tpu.memory_space<vmem>>
    %dma_start3A_227 = arith.constant 0 : i32
    %dma_start3A_228 = tpu.memref_slice %arg9[%dma_start3A_222, %dma_start3A_227] : memref<250x40xi32, #tpu.memory_space<vmem>> -> memref<1x40xi32, #tpu.memory_space<vmem>>
    %dma_start3A_229 = tpu.memref_squeeze %dma_start3A_228 : memref<1x40xi32, #tpu.memory_space<vmem>> -> memref<40xi32, #tpu.memory_space<vmem>>
    %dma_start3A_230 = arith.constant 0 : i32
    %dma_start3A_231 = arith.constant 0 : i32
    %dma_start3A_232 = tpu.memref_slice %arg7[%dma_start3A_230, %dma_start3A_231] : memref<10000x128xf32, #tpu.memory_space<vmem_shared>> -> memref<10000x128xf32, #tpu.memory_space<vmem_shared>>
    tpu.enqueue_indirect_dma source(%dma_start3A_226 : memref<40x128xf32, #tpu.memory_space<vmem>>) target(%dma_start3A_232 : memref<10000x128xf32, #tpu.memory_space<vmem_shared>>) offsets(%dma_start3A_229 : memref<40xi32, #tpu.memory_space<vmem>>) semaphore(%arg20 : memref<!tpu.dma_semaphore, #tpu.memory_space<semaphore_mem>>) {add = true}
    %dma_wait3A_233 = arith.constant 4 : i32
    %dma_wait3A_234 = arith.constant 249 : i32
    %dma_wait3A_235 = arith.constant 0 : i32
    %dma_wait3A_236 = arith.constant 0 : i32
    %dma_wait3A_237 = tpu.memref_slice %arg10[%dma_wait3A_233, %dma_wait3A_235, %dma_wait3A_236] : memref<5x40x128xf32, #tpu.memory_space<vmem>> -> memref<1x40x128xf32, #tpu.memory_space<vmem>>
    %dma_wait3A_238 = tpu.memref_squeeze %dma_wait3A_237 : memref<1x40x128xf32, #tpu.memory_space<vmem>> -> memref<40x128xf32, #tpu.memory_space<vmem>>
    %dma_wait3A_239 = arith.constant 0 : i32
    %dma_wait3A_240 = tpu.memref_slice %arg9[%dma_wait3A_234, %dma_wait3A_239] : memref<250x40xi32, #tpu.memory_space<vmem>> -> memref<1x40xi32, #tpu.memory_space<vmem>>
    %dma_wait3A_241 = tpu.memref_squeeze %dma_wait3A_240 : memref<1x40xi32, #tpu.memory_space<vmem>> -> memref<40xi32, #tpu.memory_space<vmem>>
    %dma_wait3A_242 = arith.constant 0 : i32
    %dma_wait3A_243 = arith.constant 0 : i32
    %dma_wait3A_244 = tpu.memref_slice %arg7[%dma_wait3A_242, %dma_wait3A_243] : memref<10000x128xf32, #tpu.memory_space<vmem_shared>> -> memref<10000x128xf32, #tpu.memory_space<vmem_shared>>
    tpu.wait_indirect_dma semaphore(%arg20 : memref<!tpu.dma_semaphore, #tpu.memory_space<semaphore_mem>>) src(%dma_wait3A_238 : memref<40x128xf32, #tpu.memory_space<vmem>>) dst(%dma_wait3A_244 : memref<10000x128xf32, #tpu.memory_space<vmem_shared>>)
    %barrier3A_245 = arith.constant 0 : index
    tpu.barrier barrier_id(%barrier3A_245)
    "tpu.region"() ({
      %run_scoped3A = tpu.sem_alloc : memref<!tpu.dma_semaphore, #tpu.memory_space<semaphore_mem>>
      %dma_start3A_246 = arith.constant 0 : i32
      %dma_start3A_247 = tpu.memref_slice %arg6[%arg0, %mul3A_2, %dma_start3A_246] : memref<2x10000x128xf32, #tpu.memory_space<hbm>> -> memref<1x625x128xf32, #tpu.memory_space<hbm>>
      %dma_start3A_248 = tpu.memref_squeeze %dma_start3A_247 : memref<1x625x128xf32, #tpu.memory_space<hbm>> -> memref<625x128xf32, #tpu.memory_space<hbm>>
      %dma_start3A_249 = arith.constant 0 : i32
      %dma_start3A_250 = tpu.memref_slice %arg7[%mul3A_2, %dma_start3A_249] : memref<10000x128xf32, #tpu.memory_space<vmem_shared>> -> memref<625x128xf32, #tpu.memory_space<vmem_shared>>
      tpu.enqueue_dma source(%dma_start3A_250 : memref<625x128xf32, #tpu.memory_space<vmem_shared>>) target(%dma_start3A_248 : memref<625x128xf32, #tpu.memory_space<hbm>>) target_semaphore(%run_scoped3A : memref<!tpu.dma_semaphore, #tpu.memory_space<semaphore_mem>>)
      %dma_wait3A_251 = arith.constant 0 : i32
      %dma_wait3A_252 = tpu.memref_slice %arg6[%arg0, %mul3A_2, %dma_wait3A_251] : memref<2x10000x128xf32, #tpu.memory_space<hbm>> -> memref<1x625x128xf32, #tpu.memory_space<hbm>>
      %dma_wait3A_253 = tpu.memref_squeeze %dma_wait3A_252 : memref<1x625x128xf32, #tpu.memory_space<hbm>> -> memref<625x128xf32, #tpu.memory_space<hbm>>
      %dma_wait3A_254 = arith.constant 0 : i32
      %dma_wait3A_255 = tpu.memref_slice %arg7[%mul3A_2, %dma_wait3A_254] : memref<10000x128xf32, #tpu.memory_space<vmem_shared>> -> memref<625x128xf32, #tpu.memory_space<vmem_shared>>
      tpu.wait_dma2 semaphore(%run_scoped3A : memref<!tpu.dma_semaphore, #tpu.memory_space<semaphore_mem>>) src(%dma_wait3A_255 : memref<625x128xf32, #tpu.memory_space<vmem_shared>>) dst(%dma_wait3A_253 : memref<625x128xf32, #tpu.memory_space<hbm>>)
      tpu.yield
    }) : () -> ()
    return
  }
}

module attributes {stable_mosaic.version = 14 : i64} {
  func.func @_tc_first_body(%arg0: memref<2x10000x16xf32, #tpu.memory_space<vmem>>, %arg1: memref<10000x128xf32, #tpu.memory_space<vmem>>, %arg2: memref<128x128xf32, #tpu.memory_space<vmem>>, %arg3: memref<10000x128xf32, #tpu.memory_space<vmem>>) attributes {dimension_semantics = [], scalar_prefetch = 0 : i64, scratch_operands = 0 : i64, tpu.core_type = #tpu.core_type<tc>} {
    %get3A = arith.constant 0 : index
    %get3A_0 = arith.constant 0 : index
    %get3A_1 = arith.constant 0 : index
    %get3A_2 = vector.load %arg0[%get3A, %get3A_0, %get3A_1] : memref<2x10000x16xf32, #tpu.memory_space<vmem>>, vector<2x10000x16xf32>
    %slice3A = vector.extract_strided_slice %get3A_2 {offsets = [0, 0, 0], sizes = [1, 10000, 1], strides = [1, 1, 1]} : vector<2x10000x16xf32> to vector<1x10000x1xf32>
    %squeeze3A = vector.shape_cast %slice3A : vector<1x10000x1xf32> to vector<10000xf32>
    %slice3A_3 = vector.extract_strided_slice %get3A_2 {offsets = [1, 0, 0], sizes = [1, 10000, 1], strides = [1, 1, 1]} : vector<2x10000x16xf32> to vector<1x10000x1xf32>
    %squeeze3A_4 = vector.shape_cast %slice3A_3 : vector<1x10000x1xf32> to vector<10000xf32>
    %add3A = arith.addf %squeeze3A, %squeeze3A_4 : vector<10000xf32>
    %add3A_5 = arith.constant 1.000000e+00 : f32
    %add3A_6 = vector.broadcast %add3A_5 : f32 to vector<10000xf32>
    %add3A_7 = arith.addf %add3A, %add3A_6 : vector<10000xf32>
    %rsqrt3A = math.rsqrt %add3A_7 : vector<10000xf32>
    %get3A_8 = arith.constant 0 : index
    %get3A_9 = arith.constant 0 : index
    %get3A_10 = vector.load %arg1[%get3A_8, %get3A_9] : memref<10000x128xf32, #tpu.memory_space<vmem>>, vector<10000x128xf32>
    %get3A_11 = arith.constant 0 : index
    %get3A_12 = arith.constant 0 : index
    %get3A_13 = vector.load %arg2[%get3A_11, %get3A_12] : memref<128x128xf32, #tpu.memory_space<vmem>>, vector<128x128xf32>
    %dot_general3A = arith.constant dense<0.000000e+00> : vector<10000x128xf32>
    %dot_general3A_14 = tpu.matmul %get3A_10, %get3A_13, %dot_general3A {dimension_numbers = #tpu.dot_dimension_numbers<[1], [0], [0], [1], [0, 0, 1, 1], [], []>, transpose_lhs_hint = false} : vector<10000x128xf32>, vector<128x128xf32>, vector<10000x128xf32> -> vector<10000x128xf32>
    %broadcast_in_dim3A = vector.shape_cast %rsqrt3A : vector<10000xf32> to vector<10000x1xf32>
    %mul3A = vector.broadcast %broadcast_in_dim3A : vector<10000x1xf32> to vector<10000x128xf32>
    %mul3A_15 = arith.mulf %dot_general3A_14, %mul3A : vector<10000x128xf32>
    %swap3A = arith.constant 0 : index
    %swap3A_16 = arith.constant 0 : index
    %swap3A_17 = vector.load %arg3[%swap3A, %swap3A_16] : memref<10000x128xf32, #tpu.memory_space<vmem>>, vector<10000x128xf32>
    tpu.vector_store %arg3[%swap3A, %swap3A_16], %mul3A_15 {strides = array<i32>} : memref<10000x128xf32, #tpu.memory_space<vmem>>, vector<10000x128xf32>,
    return
  }
}

module attributes {stable_mosaic.version = 14 : i64} {
  func.func @_tc_mid_body(%arg0: memref<2x10000x16xf32, #tpu.memory_space<vmem>>, %arg1: memref<2x10000x128xf32, #tpu.memory_space<vmem>>, %arg2: memref<10000x128xf32, #tpu.memory_space<vmem>>, %arg3: memref<1x128xf32, #tpu.memory_space<vmem>>, %arg4: memref<128x128xf32, #tpu.memory_space<vmem>>, %arg5: memref<10000x128xf32, #tpu.memory_space<vmem>>) attributes {dimension_semantics = [], scalar_prefetch = 0 : i64, scratch_operands = 0 : i64, tpu.core_type = #tpu.core_type<tc>} {
    %get3A = arith.constant 0 : index
    %get3A_0 = arith.constant 0 : index
    %get3A_1 = arith.constant 0 : index
    %get3A_2 = vector.load %arg0[%get3A, %get3A_0, %get3A_1] : memref<2x10000x16xf32, #tpu.memory_space<vmem>>, vector<2x10000x16xf32>
    %slice3A = vector.extract_strided_slice %get3A_2 {offsets = [0, 0, 0], sizes = [1, 10000, 1], strides = [1, 1, 1]} : vector<2x10000x16xf32> to vector<1x10000x1xf32>
    %squeeze3A = vector.shape_cast %slice3A : vector<1x10000x1xf32> to vector<10000xf32>
    %slice3A_3 = vector.extract_strided_slice %get3A_2 {offsets = [1, 0, 0], sizes = [1, 10000, 1], strides = [1, 1, 1]} : vector<2x10000x16xf32> to vector<1x10000x1xf32>
    %squeeze3A_4 = vector.shape_cast %slice3A_3 : vector<1x10000x1xf32> to vector<10000xf32>
    %add3A = arith.addf %squeeze3A, %squeeze3A_4 : vector<10000xf32>
    %add3A_5 = arith.constant 1.000000e+00 : f32
    %add3A_6 = vector.broadcast %add3A_5 : f32 to vector<10000xf32>
    %add3A_7 = arith.addf %add3A, %add3A_6 : vector<10000xf32>
    %rsqrt3A = math.rsqrt %add3A_7 : vector<10000xf32>
    %get3A_8 = arith.constant 0 : index
    %get3A_9 = arith.constant 0 : index
    %get3A_10 = arith.constant 0 : index
    %get3A_11 = vector.load %arg1[%get3A_8, %get3A_9, %get3A_10] : memref<2x10000x128xf32, #tpu.memory_space<vmem>>, vector<1x10000x128xf32>
    %get3A_12 = vector.shape_cast %get3A_11 : vector<1x10000x128xf32> to vector<10000x128xf32>
    %get3A_13 = arith.constant 1 : index
    %get3A_14 = arith.constant 0 : index
    %get3A_15 = arith.constant 0 : index
    %get3A_16 = vector.load %arg1[%get3A_13, %get3A_14, %get3A_15] : memref<2x10000x128xf32, #tpu.memory_space<vmem>>, vector<1x10000x128xf32>
    %get3A_17 = vector.shape_cast %get3A_16 : vector<1x10000x128xf32> to vector<10000x128xf32>
    %add3A_18 = arith.addf %get3A_12, %get3A_17 : vector<10000x128xf32>
    %get3A_19 = arith.constant 0 : index
    %get3A_20 = arith.constant 0 : index
    %get3A_21 = vector.load %arg2[%get3A_19, %get3A_20] : memref<10000x128xf32, #tpu.memory_space<vmem>>, vector<10000x128xf32>
    %add3A_22 = arith.addf %add3A_18, %get3A_21 : vector<10000x128xf32>
    %broadcast_in_dim3A = vector.shape_cast %rsqrt3A : vector<10000xf32> to vector<10000x1xf32>
    %mul3A = vector.broadcast %broadcast_in_dim3A : vector<10000x1xf32> to vector<10000x128xf32>
    %mul3A_23 = arith.mulf %add3A_22, %mul3A : vector<10000x128xf32>
    %get3A_24 = arith.constant 0 : index
    %get3A_25 = arith.constant 0 : index
    %get3A_26 = vector.load %arg3[%get3A_24, %get3A_25] : memref<1x128xf32, #tpu.memory_space<vmem>>, vector<1x128xf32>
    %add3A_27 = vector.broadcast %get3A_26 : vector<1x128xf32> to vector<10000x128xf32>
    %add3A_28 = arith.addf %mul3A_23, %add3A_27 : vector<10000x128xf32>
    %max3A = arith.constant 0.000000e+00 : f32
    %max3A_29 = vector.broadcast %max3A : f32 to vector<10000x128xf32>
    %max3A_30 = arith.maximumf %add3A_28, %max3A_29 : vector<10000x128xf32>
    %get3A_31 = arith.constant 0 : index
    %get3A_32 = arith.constant 0 : index
    %get3A_33 = vector.load %arg4[%get3A_31, %get3A_32] : memref<128x128xf32, #tpu.memory_space<vmem>>, vector<128x128xf32>
    %dot_general3A = arith.constant dense<0.000000e+00> : vector<10000x128xf32>
    %dot_general3A_34 = tpu.matmul %max3A_30, %get3A_33, %dot_general3A {dimension_numbers = #tpu.dot_dimension_numbers<[1], [0], [0], [1], [0, 0, 1, 1], [], []>, transpose_lhs_hint = false} : vector<10000x128xf32>, vector<128x128xf32>, vector<10000x128xf32> -> vector<10000x128xf32>
    %broadcast_in_dim3A_35 = vector.shape_cast %rsqrt3A : vector<10000xf32> to vector<10000x1xf32>
    %mul3A_36 = vector.broadcast %broadcast_in_dim3A_35 : vector<10000x1xf32> to vector<10000x128xf32>
    %mul3A_37 = arith.mulf %dot_general3A_34, %mul3A_36 : vector<10000x128xf32>
    %swap3A = arith.constant 0 : index
    %swap3A_38 = arith.constant 0 : index
    %swap3A_39 = vector.load %arg5[%swap3A, %swap3A_38] : memref<10000x128xf32, #tpu.memory_space<vmem>>, vector<10000x128xf32>
    tpu.vector_store %arg5[%swap3A, %swap3A_38], %mul3A_37 {strides = array<i32>} : memref<10000x128xf32, #tpu.memory_space<vmem>>, vector<10000x128xf32>,
    return
  }
}

module attributes {stable_mosaic.version = 14 : i64} {
  func.func @_tc_last_body(%arg0: memref<2x10000x16xf32, #tpu.memory_space<vmem>>, %arg1: memref<2x10000x128xf32, #tpu.memory_space<vmem>>, %arg2: memref<10000x128xf32, #tpu.memory_space<vmem>>, %arg3: memref<1x128xf32, #tpu.memory_space<vmem>>, %arg4: memref<10000x128xf32, #tpu.memory_space<vmem>>) attributes {dimension_semantics = [], scalar_prefetch = 0 : i64, scratch_operands = 0 : i64, tpu.core_type = #tpu.core_type<tc>} {
    %get3A = arith.constant 0 : index
    %get3A_0 = arith.constant 0 : index
    %get3A_1 = arith.constant 0 : index
    %get3A_2 = vector.load %arg0[%get3A, %get3A_0, %get3A_1] : memref<2x10000x16xf32, #tpu.memory_space<vmem>>, vector<2x10000x16xf32>
    %slice3A = vector.extract_strided_slice %get3A_2 {offsets = [0, 0, 0], sizes = [1, 10000, 1], strides = [1, 1, 1]} : vector<2x10000x16xf32> to vector<1x10000x1xf32>
    %squeeze3A = vector.shape_cast %slice3A : vector<1x10000x1xf32> to vector<10000xf32>
    %slice3A_3 = vector.extract_strided_slice %get3A_2 {offsets = [1, 0, 0], sizes = [1, 10000, 1], strides = [1, 1, 1]} : vector<2x10000x16xf32> to vector<1x10000x1xf32>
    %squeeze3A_4 = vector.shape_cast %slice3A_3 : vector<1x10000x1xf32> to vector<10000xf32>
    %add3A = arith.addf %squeeze3A, %squeeze3A_4 : vector<10000xf32>
    %add3A_5 = arith.constant 1.000000e+00 : f32
    %add3A_6 = vector.broadcast %add3A_5 : f32 to vector<10000xf32>
    %add3A_7 = arith.addf %add3A, %add3A_6 : vector<10000xf32>
    %rsqrt3A = math.rsqrt %add3A_7 : vector<10000xf32>
    %get3A_8 = arith.constant 0 : index
    %get3A_9 = arith.constant 0 : index
    %get3A_10 = arith.constant 0 : index
    %get3A_11 = vector.load %arg1[%get3A_8, %get3A_9, %get3A_10] : memref<2x10000x128xf32, #tpu.memory_space<vmem>>, vector<1x10000x128xf32>
    %get3A_12 = vector.shape_cast %get3A_11 : vector<1x10000x128xf32> to vector<10000x128xf32>
    %get3A_13 = arith.constant 1 : index
    %get3A_14 = arith.constant 0 : index
    %get3A_15 = arith.constant 0 : index
    %get3A_16 = vector.load %arg1[%get3A_13, %get3A_14, %get3A_15] : memref<2x10000x128xf32, #tpu.memory_space<vmem>>, vector<1x10000x128xf32>
    %get3A_17 = vector.shape_cast %get3A_16 : vector<1x10000x128xf32> to vector<10000x128xf32>
    %add3A_18 = arith.addf %get3A_12, %get3A_17 : vector<10000x128xf32>
    %get3A_19 = arith.constant 0 : index
    %get3A_20 = arith.constant 0 : index
    %get3A_21 = vector.load %arg2[%get3A_19, %get3A_20] : memref<10000x128xf32, #tpu.memory_space<vmem>>, vector<10000x128xf32>
    %add3A_22 = arith.addf %add3A_18, %get3A_21 : vector<10000x128xf32>
    %broadcast_in_dim3A = vector.shape_cast %rsqrt3A : vector<10000xf32> to vector<10000x1xf32>
    %mul3A = vector.broadcast %broadcast_in_dim3A : vector<10000x1xf32> to vector<10000x128xf32>
    %mul3A_23 = arith.mulf %add3A_22, %mul3A : vector<10000x128xf32>
    %get3A_24 = arith.constant 0 : index
    %get3A_25 = arith.constant 0 : index
    %get3A_26 = vector.load %arg3[%get3A_24, %get3A_25] : memref<1x128xf32, #tpu.memory_space<vmem>>, vector<1x128xf32>
    %add3A_27 = vector.broadcast %get3A_26 : vector<1x128xf32> to vector<10000x128xf32>
    %add3A_28 = arith.addf %mul3A_23, %add3A_27 : vector<10000x128xf32>
    %max3A = arith.constant 0.000000e+00 : f32
    %max3A_29 = vector.broadcast %max3A : f32 to vector<10000x128xf32>
    %max3A_30 = arith.maximumf %add3A_28, %max3A_29 : vector<10000x128xf32>
    %swap3A = arith.constant 0 : index
    %swap3A_31 = arith.constant 0 : index
    %swap3A_32 = vector.load %arg4[%swap3A, %swap3A_31] : memref<10000x128xf32, #tpu.memory_space<vmem>>, vector<10000x128xf32>
    tpu.vector_store %arg4[%swap3A, %swap3A_31], %max3A_30 {strides = array<i32>} : memref<10000x128xf32, #tpu.memory_space<vmem>>, vector<10000x128xf32>,
    return
  }
}

</mosaic_0001>

<sc_bundles>
// kernel: kernel.11.cloned.1.call-start
scs
__scs_entry_jumppad:
0x0: {  	(pc) =	sbr.rel $0x88, $3  }
0x1: {  	(tag) =	ssettag $0x0;
	lr =	simm.s32 $0x1  }
0x2: {  	[smem:$0x3F9B] =	sst lr;
	_ =	strace $0xD0000000  }
0x3: {  	_ = 	snop  }
0x4: {  	_ = 	snop  }
0x5: {  	_ = 	snop  }
0x6: {  	_ = 	snop  }
0x7: {  	_ = 	snop  }
__scs_overlays_trampoline_lowered:
0x8: {  	[smem:$0x3FAA] =	sst s0  }
0x9: {  	[smem:$0x3FAB] =	sst s1  }
0xa: {  	[smem:$0x3FAC] =	sst s2  }
0xb: {  	[smem:$0x3FAD] =	sst s3  }
0xc: {  	[smem:$0x3FAE] =	sst s4  }
0xd: {  	[smem:$0x3FAF] =	sst s5  }
0xe: {  	[smem:$0x3FB0] =	sst s6  }
0xf: {  	[smem:$0x3FB1] =	sst s7  }
0x10: {  	[smem:$0x3FB2] =	sst s8  }
0x11: {  	[smem:$0x3FB3] =	sst s9;
	s0 =	simm.s32 @!p0 $0x0  }
0x12: {  	s1 =	sld [smem:$0x3F99];
	s0 =	simm.s32 @p0 $0x1  }
0x13: {  	[smem:$0x3FB4] =	sst s0;
	s0 =	simm.s32 @!p1 $0x0  }
0x14: {  	s2 =	sld [smem:$0x3F98];
	s0 =	simm.s32 @p1 $0x1  }
0x15: {  	[smem:$0x3FB5] =	sst s0;
	s0 =	simm.s32 @!p2 $0x0  }
0x16: {  	s3 =	sld [smem:$0x3FDB];
	s0 =	simm.s32 @p2 $0x1  }
0x17: {  	s4 =	simm.s32 $0x1BF5;
	[smem:$0x3FB7] =	sst s0  }
0x18: {  	s0 =	sld [smem:$0x3F9A];
	_ =	swait.ge [sflag:s4], $0x0  }
0x19: {  	s7 =	sld [smem:$0x3F9B]  }
0x1a: {  	s8 =	sadd.s32 $0xFFFFE003, lr  }
0x1b: {  	s9 =	sadd.s32 $0xFFFFFEF7, lr;
	s5 =	simm.s32 $0xFFFFFFFF;
	p2 =	slt.u32 s8, $0xFFFFF086  }
0x1c: {  	p1 =	slt.u32 s9, $0xF7A;
	s5 =	simm.s32 @!p2 $0x0  }
0x1d: {  	s5 =	simm.s32 @p1 $0x1;
	p0 =	seq.s32 s7, s2  }
0x1e: {  	s7 =	smul.u32 @!p0 $0xF7A, s2;
	p2 =	seq.s32 @!p0 s5, $0x0  }
0x1f: {  	s9 =	smul.u32 $0xF7A, s1;
	s8 =	simm.s32 @!p0 $0x1BF5;
	p2 =	por !p2, p0  }
0x20: {  	[sflag:s8] =	ssyncset.s32 @!p0 $0xFFFFF086;
	s6 =	sadd.s32 @!p0 s3, s7;
	s7 =	simm.s32 @!p0 $0x108  }
0x21: {  	s3 =	sadd.s32 s3, s9;
	s6 =	sadd.s32 @!p0 $0x88, s6;
	s7 =	simm.s32 @p2 $0x1082  }
0x22: {  	[simem:s7], [sflag:s8] =	dma.local @!p0 [hbm:s6], $0xF7A  }
0x23: {  	s9 =	sor.u32 $0xD0000000, s2;
	s6 =	simm.s32 $0x108;
	_ =	swait.ge @!p0 [sflag:s8], $0x0  }
0x24: {  	s3 =	sadd.s32 $0x88, s3;
	s6 =	simm.s32 @!p1 $0x1082;
	[sflag:s4] =	ssyncset.s32 $0xFFFFF086  }
0x25: {  	[simem:s6], [sflag:s4] =	dma.local [hbm:s3], $0xF7A  }
0x26: {  	[smem:$0x3F9B] =	sst s1;
	(tag) =	ssettag s2;
	_ =	strace s9  }
0x27: {  	s1 =	sld [smem:$0x3FAB]  }
0x28: {  	s2 =	sld [smem:$0x3FAC]  }
0x29: {  	s4 =	sld [smem:$0x3FAE]  }
0x2a: {  	p0 =	seq.s32 s5, $0x0;
	s5 =	sld [smem:$0x3FAF]  }
0x2b: {  	s6 =	sld [smem:$0x3FB0]  }
0x2c: {  	s7 =	sld [smem:$0x3FB1]  }
0x2d: {  	s3 =	simm.s32 $0x108;
	s8 =	sld [smem:$0x3FB2]  }
0x2e: {  	s3 =	simm.s32 @!p0 $0x1082;
	s9 =	sld [smem:$0x3FB3]  }
0x2f: {  	lr =	sadd.s32 s0, s3;
	s0 =	sld [smem:$0x3FAA]  }
0x30: {  	s3 =	sld [smem:$0x3FAD]  }
0x31: {  	[smem:$0x3FB6] =	sst s10  }
0x32: {  	s10 =	sld [smem:$0x3FB4];
	_ =	sdelay $0x3  }
0x33: {  	p0 =	seq.s32 s10, $0x1;
	s10 =	sld [smem:$0x3FB6];
	_ =	sdelay $0x3  }
0x34: {  	[smem:$0x3FB6] =	sst s10  }
0x35: {  	s10 =	sld [smem:$0x3FB5];
	_ =	sdelay $0x3  }
0x36: {  	p1 =	seq.s32 s10, $0x1;
	s10 =	sld [smem:$0x3FB6];
	_ =	sdelay $0x3  }
0x37: {  	[smem:$0x3FB6] =	sst s10  }
0x38: {  	s10 =	sld [smem:$0x3FB7]  }
0x39: {  	_ = 	snop;
	(pc) =	sbr.ind lr, $3  }
0x3a: {  	_ = 	snop  }
0x3b: {  	_ = 	snop  }
0x3c: {  	p2 =	seq.s32 s10, $0x1;
	s10 =	sld [smem:$0x3FB6]  }
0x3d: {  	_ =	shalt  }
0x3e: {  	_ =	shalt  }
0x3f: {  	_ =	shalt  }
0x40: {  	_ =	shalt  }
0x41: {  	_ =	shalt  }
0x42: {  	_ =	shalt  }
0x43: {  	_ =	shalt  }
0x44: {  	_ =	shalt  }
0x45: {  	_ =	shalt  }
0x46: {  	_ =	shalt  }
0x47: {  	_ =	shalt  }
0x48: {  	_ =	shalt  }
0x49: {  	_ =	shalt  }
0x4a: {  	_ =	shalt  }
0x4b: {  	_ =	shalt  }
0x4c: {  	_ =	shalt  }
0x4d: {  	_ =	shalt  }
0x4e: {  	_ =	shalt  }
0x4f: {  	_ =	shalt  }
0x50: {  	_ =	shalt  }
0x51: {  	_ =	shalt  }
0x52: {  	_ =	shalt  }
0x53: {  	_ =	shalt  }
0x54: {  	_ =	shalt  }
0x55: {  	_ =	shalt  }
0x56: {  	_ =	shalt  }
0x57: {  	_ =	shalt  }
0x58: {  	_ =	shalt  }
0x59: {  	_ =	shalt  }
0x5a: {  	_ =	shalt  }
0x5b: {  	_ =	shalt  }
0x5c: {  	_ =	shalt  }
0x5d: {  	_ =	shalt  }
0x5e: {  	_ =	shalt  }
0x5f: {  	_ =	shalt  }
0x60: {  	_ =	shalt  }
0x61: {  	_ =	shalt  }
0x62: {  	_ =	shalt  }
0x63: {  	_ =	shalt  }
0x64: {  	_ =	shalt  }
0x65: {  	_ =	shalt  }
0x66: {  	_ =	shalt  }
0x67: {  	_ =	shalt  }
0x68: {  	_ =	shalt  }
0x69: {  	_ =	shalt  }
0x6a: {  	_ =	shalt  }
0x6b: {  	_ =	shalt  }
0x6c: {  	_ =	shalt  }
0x6d: {  	_ =	shalt  }
0x6e: {  	_ =	shalt  }
0x6f: {  	_ =	shalt  }
0x70: {  	_ =	shalt  }
0x71: {  	_ =	shalt  }
0x72: {  	_ =	shalt  }
0x73: {  	_ =	shalt  }
0x74: {  	_ =	shalt  }
0x75: {  	_ =	shalt  }
0x76: {  	_ =	shalt  }
0x77: {  	_ =	shalt  }
0x78: {  	_ =	shalt  }
0x79: {  	_ =	shalt  }
0x7a: {  	_ =	shalt  }
0x7b: {  	_ =	shalt  }
0x7c: {  	_ =	shalt  }
0x7d: {  	_ =	shalt  }
0x7e: {  	_ =	shalt  }
0x7f: {  	_ =	shalt  }
0x80: {  	_ =	shalt  }
0x81: {  	_ =	shalt  }
0x82: {  	_ =	shalt  }
0x83: {  	_ =	shalt  }
0x84: {  	_ =	shalt  }
0x85: {  	_ =	shalt  }
0x86: {  	_ =	shalt  }
0x87: {  	_ =	shalt  }
.Lfunc_end0:
.L_simem_size_0:
called_computation.1_lowered:
.L_overlay_start_0:
0x88: {  	s2 =	sld [smem:$0x3FD9]  }
0x89: {  	s3 =	sld [smem:$0x3FFE];
	_ =	sdelay $0x1  }
0x8a: {  	s1 =	srdreg.scid  }
0x8b: {  	s0 =	sand.u32 $0x1, s1  }
0x8c: {  	s17 =	sshll.u32 s0, $0xA;
	s2 =	sadd.s32 s3, s2  }
0x8d: {  	s2 =	sadd.s32 s2, s17  }
0x8e: {  	[smem:$0x3FC2] =	sst s2  }
0x8f: {  	_ = 	snop  }
0x90: {  	s2 =	sld [smem:$0x3FD0];
	(tm) =	ssettm $0x1  }
0x91: {  	s18 =	sld [smem:$0x3FFB];
	_ =	sdelay $0x3  }
0x92: {  	_ =	strace s18  }
0x93: {  	s3 =	sld [smem:$0x3FFC];
	_ =	sdelay $0x3  }
0x94: {  	_ =	strace s3  }
0x95: {  	s3 =	sld [smem:$0x3FFD];
	_ =	sdelay $0x3  }
0x96: {  	_ =	strace s3  }
0x97: {  	_ =	strace $0x8FFFFFFF  }
0x98: {  	s19 =	sld [smem:$0x3FDB];
	_ =	sdelay $0x1  }
0x99: {  	s4 =	simm.s32 $_scs_section_size  }
0x9a: {  	s5 =	simm.s32 $_size__tile_overlayer_lowered;
	s6 =	simm.s32 $_tile_overlayer_lowered  }
0x9b: {  	s22 =	simm.s32 $0x1BFF;
	s21 =	sshll.u32 s6, $0x1;
	s3 =	sadd.s32 s4, s19  }
0x9c: {  	s7 =	simm.s32 $0x0;
	s20 =	sshll.u32 s5, $0x1;
	s5 =	sadd.s32 s21, s3  }
0x9d: {  	[timem:s7], [sflag:s22] =	dma.local [hbm:s5], s20  }
0x9e: {  	_ =	swait.ge [sflag:s22], s20  }
0x9f: {  	s4 =	ssub.s32 $0x0, s20;
	[sflag:s22] =	ssyncset.done $0x0  }
0xa0: {  	[sflag:s22] =	ssyncadd.s32 s4;
	_ =	sdelay $0x1  }
0xa1: {  	s23 =	simm.s32 $0x1B8B  }
0xa2: {  	_ =	swait.ge [sflag:s23], $0x1  }
0xa3: {  	[sflag:s23] =	ssyncset.done $0x0  }
0xa4: {  	s25 =	simm.s32 $0x1B8E;
	s24 =	sld [smem:$0x3FFE];
	[sflag:s23] =	ssyncadd.s32 $0xFFFFFFFF  }
0xa5: {  	s26 =	simm.s32 $execute0_lowered;
	[smem:$0x3FD2] =	sst s25  }
0xa6: {  	s5 =	sshll.u32 s26, $0x1;
	_ =	strace $0x80000049;
	[dreg:$0x1] =	wrdreg $0xFFFFFFFF  }
0xa7: {  	s28 =	simm.s32 $_size_execute0_lowered;
	s3 =	sadd.s32 s3, s5;
	[dreg:$0x0] =	wrdreg $0x0  }
0xa8: {  	s5 =	sshll.u32 s28, $0x1;
	[dreg:$0x2] =	wrdreg s3  }
0xa9: {  	[dreg:$0x3] =	wrdreg s5  }
0xaa: {  	[dreg:$0x4] =	wrdreg $0xC0  }
0xab: {  	_ =	task [dreg:s7], $0x5FFFF  }
0xac: {  	[dreg:$0x1] =	wrdreg $0xFFFFFFFF  }
0xad: {  	[dreg:$0x0] =	wrdreg $0x60  }
0xae: {  	[dreg:$0x2] =	wrdreg s2  }
0xaf: {  	[dreg:$0x3] =	wrdreg s24  }
0xb0: {  	[dreg:$0x4] =	wrdreg $0x0  }
0xb1: {  	[dreg:$0x5] =	wrdreg $0x9  }
0xb2: {  	_ =	task.clear_ibuf [dreg:s7], $0x6FFFF;
	_ =	strace $0x90000049  }
0xb3: {  	s29 =	simm.s32 $0x9;
	_ =	strace $0x8000004B  }
0xb4: {  	_ =	swait.ge [sflag:s29], $0x1  }
0xb5: {  	[sflag:s29] =	ssyncadd.s32 $0xFFFFFFFF  }
0xb6: {  	_ =	strace $0x9000004B  }
0xb7: {  	_ =	sfence  }
0xb8: {  	s30 =	sld [smem:$0x0];
	_ =	sdelay $0x2  }
0xb9: {  	s31 =	sshll.u32 s1, $0xD;
	s1 =	sshrl.u32 s1, $0x2  }
0xba: {  	s3 =	sand.u32 $0x4000, s31;
	s1 =	sadd.s32 s1, s30  }
0xbb: {  	s0 =	sor.u32 s3, s0;
	s1 =	sshll.u32 s1, $0x11  }
0xbc: {  	s0 =	sor.u32 s1, s0  }
0xbd: {  	s0 =	sadd.s32 $0x8F2B, s0  }
0xbe: {  	[sflag:s0] =	ssyncadd.remote.s32 $0x1  }
0xbf: {  	_ =	sfence.sel $0xFFFF  }
0xc0: {  	[dreg:$0x0] =	wrdreg $0xFFFFFFFF;
	(pc) =	sbr.abs _section_cstart, $3  }
0xc1: {  	[dreg:$0x1] =	wrdreg $0xFFFFFFFF  }
0xc2: {  	_ =	task.clear_ibuf [dreg:s7], $0x2FFFF;
	_ =	strace $0x9FFFFFFF  }
0xc3: {  	(tm) =	ssettm $0x7FFFFFFF  }
tec
execute0_lowered:
.L_overlay_start_1:
0x0: {  	(tag) =	ssettag $0x1  }
0x1: {  	s0 =	srdreg.scid;
	s1 =	rddreg [dreg:$0x0]  }
0x2: {  	s4 =	stileid.u32;
	s6 =	rddreg [dreg:$0x1]  }
0x3: {  	s3 =	rddreg [dreg:$0x2];
	s5 =	simm.s32 $0x0;
	s12 =	simm.s32 $0xB  }
0x4: {  	s13 =	simm.s32 $0x13880;
	s15 =	simm.s32 $0x28;
	s16 =	simm.s32 $0x186A0  }
0x5: {  	s18 =	simm.s32 $0x19AA0;
	s20 =	simm.s32 $0x1AEA0;
	s22 =	simm.s32 $0x1C2A0  }
0x6: {  	s24 =	simm.s32 $0x1D6A0;
	s28 =	simm.s32 $0x2;
	s29 =	simm.s32 $0x7  }
0x7: {  	s30 =	simm.s32 $0x3;
	s31 =	simm.s32 $0x8;
	s14 =	simm.s32 $0x5  }
0x8: {  	s17 =	simm.s32 $0xA;
	s23 =	simm.s32 $0x0;
	s0 =	sand.u32 $0x1, s0  }
0x9: {  	s7 =	smul.u32 $0x13880, s4;
	[smem:$0x7FF] =	sst s5;
	s5 =	sadd.s32 $0x16600, s6  }
0xa: {  	s26 =	sshll.u32 s4, $0x6;
	s2 =	sshll.u32 s0, $0x4;
	s25 =	smul.u32 $0x138800, s0  }
0xb: {  	_ =	strace $0x8000004A;
	s0 =	ssub.s32 $0x2, s0;
	s2 =	sor.u32 s4, s2  }
0xc: {  	s9 =	sshrl.u32 s0, $0x1;
	s11 =	sadd.s32 s7, s3;
	s2 =	smul.u32 $0x4E2, s2  }
0xd: {  	s8 =	sadd.s32 s7, s25;
	s0 =	ssub.s32 s0, s9;
	s11 =	sshrl.u32 s11, $0x3  }
0xe: {  	s25 =	simm.s32 $0x1;
	s8 =	sshrl.u32 s8, $0x3;
	s2 =	sadd.s32 s2, s6  }
0xf: {  	s10 =	sadd.s32 s8, s6;
	s6 =	sor.u32 $0x1C0B, s26;
	s26 =	simm.s32 $0x6  }
0x10: {  	s7 =	sadd.s32 $0x2A00, s2;
	s8 =	sadd.s32 $0xC800, s2;
	s9 =	sadd.s32 $0x18E00, s10  }
0x11: {  	s10 =	smax.u32 s0, $0x1;
	s2 =	simm.s32 $0x4;
	s0 =	simm.s32 $0x9  }
.LBB2_1:
0x12: {  	[spmem:s11], [sflag:s6] =	dma.local [hbm:s5], $0x2710  }
0x13: {  	_ =	swait.ge [sflag:s12], $0x2710  }
0x14: {  	[sflag:s12] =	ssyncset.done $0x0  }
0x15: {  	s4 =	simm.s32 $0x0;
	[sflag:s12] =	ssyncadd.s32 $0xFFFFD8F0  }
0x16: {  	[tilespmem:s13], [sflag:$0xB] =	stream.linear.gather [hbm4b:s7+s4], $0x2710, $0x38;
	[tilespmem:$0x1EAA0] =	vst v63  }
0x17: {  	_ =	swait.ge [sflag:s12], $0x2710  }
0x18: {  	[sflag:s12] =	ssyncset.done $0x0  }
0x19: {  	s19 =	simm.s32 $0x15F90;
	[sflag:s12] =	ssyncadd.s32 $0xFFFFD8F0  }
0x1a: {  	[tilespmem:s19], [sflag:$0xB] =	stream.linear.gather [hbm4b:s8+s4], $0x2710, $0x38;
	[tilespmem:$0x1EAA0] =	vst v63  }
0x1b: {  	_ =	swait.ge [sflag:s12], $0x2710  }
0x1c: {  	[sflag:s12] =	ssyncset.done $0x0  }
0x1d: {  	[sflag:s12] =	ssyncadd.s32 $0xFFFFD8F0  }
0x1e: {  	[bflag:$0x0] =	sbarrier.arrive $0xFFFF  }
0x1f: {  	[tilespmem:s16], [sflag:$0x1] =	stream.indirect.gather [hbm4b:s1+s15], $0x80, s13, s15, $0xb8;
	[tilespmem:$0x1EAA0] =	vst v63  }
0x20: {  	s21 =	simm.s32 $0x138A8  }
0x21: {  	[tilespmem:s18], [sflag:$0x2] =	stream.indirect.gather [hbm4b:s1+s15], $0x80, s21, s15, $0xb8;
	[tilespmem:$0x1EAA0] =	vst v63  }
0x22: {  	s19 =	simm.s32 $0x138D0  }
0x23: {  	[tilespmem:s20], [sflag:$0x3] =	stream.indirect.gather [hbm4b:s1+s15], $0x80, s19, s15, $0xb8;
	[tilespmem:$0x1EAA0] =	vst v63  }
0x24: {  	s21 =	simm.s32 $0x138F8  }
0x25: {  	[tilespmem:s22], [sflag:$0x4] =	stream.indirect.gather [hbm4b:s1+s15], $0x80, s21, s15, $0xb8;
	[tilespmem:$0x1EAA0] =	vst v63  }
0x26: {  	s19 =	simm.s32 $0x13920  }
0x27: {  	[tilespmem:s24], [sflag:$0x5] =	stream.indirect.gather [hbm4b:s1+s15], $0x80, s19, s15, $0xb8;
	[tilespmem:$0x1EAA0] =	vst v63  }
0x28: {  	_ =	swait.ge [sflag:s25], $0x1400  }
0x29: {  	[sflag:s25] =	ssyncset.done $0x0  }
0x2a: {  	s21 =	simm.s32 $0x15F90;
	[sflag:s25] =	ssyncadd.s32 $0xFFFFEC00  }
0x2b: {  	[spmem:s3] =	stream.indirect.scatter.add.f32 [tilespmem:s16], [sflag:$0x6], $0x80, s21, s15, $0xb8;
	[tilespmem:$0x1EAA0] =	vst v63  }
0x2c: {  	_ =	swait.ge [sflag:s26], $0x1400  }
0x2d: {  	[sflag:s26] =	ssyncset.done $0x0  }
0x2e: {  	s4 =	simm.s32 $0x13948;
	[sflag:s26] =	ssyncadd.s32 $0xFFFFEC00  }
0x2f: {  	[tilespmem:s16], [sflag:$0x1] =	stream.indirect.gather [hbm4b:s1+s15], $0x80, s4, s15, $0xb8;
	[tilespmem:$0x1EAA0] =	vst v63  }
0x30: {  	_ =	swait.ge [sflag:s28], $0x1400  }
0x31: {  	[sflag:s28] =	ssyncset.done $0x0  }
0x32: {  	s21 =	simm.s32 $0x15FB8;
	[sflag:s28] =	ssyncadd.s32 $0xFFFFEC00  }
0x33: {  	[spmem:s3] =	stream.indirect.scatter.add.f32 [tilespmem:s18], [sflag:$0x7], $0x80, s21, s15, $0xb8;
	[tilespmem:$0x1EAA0] =	vst v63  }
0x34: {  	_ =	swait.ge [sflag:s29], $0x1400  }
0x35: {  	[sflag:s29] =	ssyncset.done $0x0  }
0x36: {  	s4 =	simm.s32 $0x13970;
	[sflag:s29] =	ssyncadd.s32 $0xFFFFEC00  }
0x37: {  	[tilespmem:s18], [sflag:$0x2] =	stream.indirect.gather [hbm4b:s1+s15], $0x80, s4, s15, $0xb8;
	[tilespmem:$0x1EAA0] =	vst v63  }
0x38: {  	_ =	swait.ge [sflag:s30], $0x1400  }
0x39: {  	[sflag:s30] =	ssyncset.done $0x0  }
0x3a: {  	s21 =	simm.s32 $0x15FE0;
	[sflag:s30] =	ssyncadd.s32 $0xFFFFEC00  }
0x3b: {  	[spmem:s3] =	stream.indirect.scatter.add.f32 [tilespmem:s20], [sflag:$0x8], $0x80, s21, s15, $0xb8;
	[tilespmem:$0x1EAA0] =	vst v63  }
0x3c: {  	_ =	swait.ge [sflag:s31], $0x1400  }
0x3d: {  	[sflag:s31] =	ssyncset.done $0x0  }
0x3e: {  	s4 =	simm.s32 $0x13998;
	[sflag:s31] =	ssyncadd.s32 $0xFFFFEC00  }
0x3f: {  	[tilespmem:s20], [sflag:$0x3] =	stream.indirect.gather [hbm4b:s1+s15], $0x80, s4, s15, $0xb8;
	[tilespmem:$0x1EAA0] =	vst v63  }
0x40: {  	_ =	swait.ge [sflag:s2], $0x1400  }
0x41: {  	[sflag:s2] =	ssyncset.done $0x0  }
0x42: {  	s21 =	simm.s32 $0x16008;
	[sflag:s2] =	ssyncadd.s32 $0xFFFFEC00  }
0x43: {  	[spmem:s3] =	stream.indirect.scatter.add.f32 [tilespmem:s22], [sflag:$0x9], $0x80, s21, s15, $0xb8;
	[tilespmem:$0x1EAA0] =	vst v63  }
0x44: {  	_ =	swait.ge [sflag:s0], $0x1400  }
0x45: {  	[sflag:s0] =	ssyncset.done $0x0  }
0x46: {  	s4 =	simm.s32 $0x139C0;
	[sflag:s0] =	ssyncadd.s32 $0xFFFFEC00  }
0x47: {  	[tilespmem:s22], [sflag:$0x4] =	stream.indirect.gather [hbm4b:s1+s15], $0x80, s4, s15, $0xb8;
	[tilespmem:$0x1EAA0] =	vst v63  }
0x48: {  	_ =	swait.ge [sflag:s14], $0x1400  }
0x49: {  	[sflag:s14] =	ssyncset.done $0x0  }
0x4a: {  	s21 =	simm.s32 $0x16030;
	[sflag:s14] =	ssyncadd.s32 $0xFFFFEC00  }
0x4b: {  	[spmem:s3] =	stream.indirect.scatter.add.f32 [tilespmem:s24], [sflag:$0xA], $0x80, s21, s15, $0xb8;
	[tilespmem:$0x1EAA0] =	vst v63  }
0x4c: {  	_ =	swait.ge [sflag:s17], $0x1400  }
0x4d: {  	[sflag:s17] =	ssyncset.done $0x0  }
0x4e: {  	s19 =	simm.s32 $0x320;
	s21 =	simm.s32 $0x139E8;
	[sflag:s17] =	ssyncadd.s32 $0xFFFFEC00  }
.LBB2_2:
0x4f: {  	[tilespmem:s24], [sflag:$0x5] =	stream.indirect.gather [hbm4b:s1+s15], $0x80, s21, s15, $0xb8;
	[tilespmem:$0x1EAA0] =	vst v63  }
0x50: {  	s21 =	smov.u32 s19  }
0x51: {  	p0 =	sne.s32 s19, $0x9600;
	s19 =	sadd.s32 $0x320, s19;
	_ =	swait.ge [sflag:s25], $0x1400  }
0x52: {  	s21 =	sshra.s32 s21, $0x2;
	[sflag:s25] =	ssyncset.done $0x0  }
0x53: {  	s4 =	sadd.s32 $0x15F90, s21;
	[sflag:s25] =	ssyncadd.s32 $0xFFFFEC00  }
0x54: {  	[spmem:s3] =	stream.indirect.scatter.add.f32 [tilespmem:s16], [sflag:$0x6], $0x80, s4, s15, $0xb8;
	[tilespmem:$0x1EAA0] =	vst v63  }
0x55: {  	_ =	swait.ge [sflag:s26], $0x1400  }
0x56: {  	[sflag:s26] =	ssyncset.done $0x0  }
0x57: {  	s4 =	sadd.s32 $0x13948, s21;
	[sflag:s26] =	ssyncadd.s32 $0xFFFFEC00  }
0x58: {  	[tilespmem:s16], [sflag:$0x1] =	stream.indirect.gather [hbm4b:s1+s15], $0x80, s4, s15, $0xb8;
	[tilespmem:$0x1EAA0] =	vst v63  }
0x59: {  	_ =	swait.ge [sflag:s28], $0x1400  }
0x5a: {  	[sflag:s28] =	ssyncset.done $0x0  }
0x5b: {  	s4 =	sadd.s32 $0x15FB8, s21;
	[sflag:s28] =	ssyncadd.s32 $0xFFFFEC00  }
0x5c: {  	[spmem:s3] =	stream.indirect.scatter.add.f32 [tilespmem:s18], [sflag:$0x7], $0x80, s4, s15, $0xb8;
	[tilespmem:$0x1EAA0] =	vst v63  }
0x5d: {  	_ =	swait.ge [sflag:s29], $0x1400  }
0x5e: {  	[sflag:s29] =	ssyncset.done $0x0  }
0x5f: {  	s4 =	sadd.s32 $0x13970, s21;
	[sflag:s29] =	ssyncadd.s32 $0xFFFFEC00  }
0x60: {  	[tilespmem:s18], [sflag:$0x2] =	stream.indirect.gather [hbm4b:s1+s15], $0x80, s4, s15, $0xb8;
	[tilespmem:$0x1EAA0] =	vst v63  }
0x61: {  	_ =	swait.ge [sflag:s30], $0x1400  }
0x62: {  	[sflag:s30] =	ssyncset.done $0x0  }
0x63: {  	s4 =	sadd.s32 $0x15FE0, s21;
	[sflag:s30] =	ssyncadd.s32 $0xFFFFEC00  }
0x64: {  	[spmem:s3] =	stream.indirect.scatter.add.f32 [tilespmem:s20], [sflag:$0x8], $0x80, s4, s15, $0xb8;
	[tilespmem:$0x1EAA0] =	vst v63  }
0x65: {  	_ =	swait.ge [sflag:s31], $0x1400  }
0x66: {  	[sflag:s31] =	ssyncset.done $0x0  }
0x67: {  	s4 =	sadd.s32 $0x13998, s21;
	[sflag:s31] =	ssyncadd.s32 $0xFFFFEC00  }
0x68: {  	[tilespmem:s20], [sflag:$0x3] =	stream.indirect.gather [hbm4b:s1+s15], $0x80, s4, s15, $0xb8;
	[tilespmem:$0x1EAA0] =	vst v63  }
0x69: {  	_ =	swait.ge [sflag:s2], $0x1400  }
0x6a: {  	[sflag:s2] =	ssyncset.done $0x0  }
0x6b: {  	s4 =	sadd.s32 $0x16008, s21;
	[sflag:s2] =	ssyncadd.s32 $0xFFFFEC00  }
0x6c: {  	[spmem:s3] =	stream.indirect.scatter.add.f32 [tilespmem:s22], [sflag:$0x9], $0x80, s4, s15, $0xb8;
	[tilespmem:$0x1EAA0] =	vst v63  }
0x6d: {  	_ =	swait.ge [sflag:s0], $0x1400  }
0x6e: {  	[sflag:s0] =	ssyncset.done $0x0  }
0x6f: {  	s4 =	sadd.s32 $0x139C0, s21;
	[sflag:s0] =	ssyncadd.s32 $0xFFFFEC00  }
0x70: {  	[tilespmem:s22], [sflag:$0x4] =	stream.indirect.gather [hbm4b:s1+s15], $0x80, s4, s15, $0xb8;
	[tilespmem:$0x1EAA0] =	vst v63  }
0x71: {  	_ =	swait.ge [sflag:s14], $0x1400  }
0x72: {  	[sflag:s14] =	ssyncset.done $0x0  }
.Ltmp0:
0x73: {  	s4 =	sadd.s32 $0x16030, s21;
	[sflag:s14] =	ssyncadd.s32 $0xFFFFEC00;
	(pc) =	sbr.rel @p0 .LBB2_2-.Ltmp0, $4  }
0x74: {  	[spmem:s3] =	stream.indirect.scatter.add.f32 [tilespmem:s24], [sflag:$0xA], $0x80, s4, s15, $0xb8;
	[tilespmem:$0x1EAA0] =	vst v63  }
0x75: {  	_ =	swait.ge [sflag:s17], $0x1400  }
0x76: {  	[sflag:s17] =	ssyncset.done $0x0  }
0x77: {  	s21 =	sadd.s32 $0x139E8, s21;
	[sflag:s17] =	ssyncadd.s32 $0xFFFFEC00  }
0x78: {  	[tilespmem:s24], [sflag:$0x5] =	stream.indirect.gather [hbm4b:s1+s15], $0x80, s21, s15, $0xb8;
	[tilespmem:$0x1EAA0] =	vst v63  }
0x79: {  	_ =	swait.ge [sflag:s25], $0x1400  }
0x7a: {  	[sflag:s25] =	ssyncset.done $0x0  }
0x7b: {  	s4 =	simm.s32 $0x185D8;
	[sflag:s25] =	ssyncadd.s32 $0xFFFFEC00  }
0x7c: {  	[spmem:s3] =	stream.indirect.scatter.add.f32 [tilespmem:s16], [sflag:$0x6], $0x80, s4, s15, $0xb8;
	[tilespmem:$0x1EAA0] =	vst v63  }
0x7d: {  	_ =	swait.ge [sflag:s26], $0x1400  }
0x7e: {  	[sflag:s26] =	ssyncset.done $0x0  }
0x7f: {  	[sflag:s26] =	ssyncadd.s32 $0xFFFFEC00  }
0x80: {  	_ =	swait.ge [sflag:s28], $0x1400  }
0x81: {  	[sflag:s28] =	ssyncset.done $0x0  }
0x82: {  	s19 =	simm.s32 $0x18600;
	[sflag:s28] =	ssyncadd.s32 $0xFFFFEC00  }
0x83: {  	[spmem:s3] =	stream.indirect.scatter.add.f32 [tilespmem:s18], [sflag:$0x7], $0x80, s19, s15, $0xb8;
	[tilespmem:$0x1EAA0] =	vst v63  }
0x84: {  	_ =	swait.ge [sflag:s29], $0x1400  }
0x85: {  	[sflag:s29] =	ssyncset.done $0x0  }
0x86: {  	[sflag:s29] =	ssyncadd.s32 $0xFFFFEC00  }
0x87: {  	_ =	swait.ge [sflag:s30], $0x1400  }
0x88: {  	[sflag:s30] =	ssyncset.done $0x0  }
0x89: {  	s21 =	simm.s32 $0x18628;
	[sflag:s30] =	ssyncadd.s32 $0xFFFFEC00  }
0x8a: {  	[spmem:s3] =	stream.indirect.scatter.add.f32 [tilespmem:s20], [sflag:$0x8], $0x80, s21, s15, $0xb8;
	[tilespmem:$0x1EAA0] =	vst v63  }
0x8b: {  	_ =	swait.ge [sflag:s31], $0x1400  }
0x8c: {  	[sflag:s31] =	ssyncset.done $0x0  }
0x8d: {  	[sflag:s31] =	ssyncadd.s32 $0xFFFFEC00  }
0x8e: {  	_ =	swait.ge [sflag:s2], $0x1400  }
0x8f: {  	[sflag:s2] =	ssyncset.done $0x0  }
0x90: {  	s19 =	simm.s32 $0x18650;
	[sflag:s2] =	ssyncadd.s32 $0xFFFFEC00  }
0x91: {  	[spmem:s3] =	stream.indirect.scatter.add.f32 [tilespmem:s22], [sflag:$0x9], $0x80, s19, s15, $0xb8;
	[tilespmem:$0x1EAA0] =	vst v63  }
0x92: {  	_ =	swait.ge [sflag:s0], $0x1400  }
0x93: {  	[sflag:s0] =	ssyncset.done $0x0  }
0x94: {  	[sflag:s0] =	ssyncadd.s32 $0xFFFFEC00  }
0x95: {  	_ =	swait.ge [sflag:s14], $0x1400  }
0x96: {  	[sflag:s14] =	ssyncset.done $0x0  }
0x97: {  	s21 =	simm.s32 $0x18678;
	[sflag:s14] =	ssyncadd.s32 $0xFFFFEC00  }
0x98: {  	[spmem:s3] =	stream.indirect.scatter.add.f32 [tilespmem:s24], [sflag:$0xA], $0x80, s21, s15, $0xb8;
	[tilespmem:$0x1EAA0] =	vst v63  }
0x99: {  	_ =	swait.ge [sflag:s17], $0x1400  }
0x9a: {  	s23 =	sadd.s32 $0x1, s23;
	[sflag:s17] =	ssyncset.done $0x0  }
0x9b: {  	p0 =	sne.s32 s23, s10;
	[sflag:s17] =	ssyncadd.s32 $0xFFFFEC00  }
.Ltmp1:
0x9c: {  	[bflag:$0x0] =	sbarrier.arrive $0xFFFF;
	(pc) =	sbr.rel @p0 .LBB2_1-.Ltmp1, $4  }
0x9d: {  	[hbm:s9], [sflag:s6] =	dma.local [spmem:s11], $0x2710  }
0x9e: {  	_ =	swait.ge [sflag:s12], $0x2710  }
0x9f: {  	[sflag:s12] =	ssyncset.done $0x0  }
0xa0: {  	[sflag:s12] =	ssyncadd.s32 $0xFFFFD8F0  }
0xa1: {  	_ =	sfence.sel $0x180000  }
0xa2: {  	[bflag:$0x0] =	sbarrier.arrive $0xFFFF  }
0xa3: {  	_ =	strace $0x9000004A  }
0xa4: {  	s0 =	stileid.u32;
	[bflag:$0x2] =	sbarrier.arrive $0xFFFF  }
0xa5: {  	p0 =	sne.s32 s0, $0x0;
	s0 =	rddreg [dreg:$0x3]  }
0xa6: {  	s0 =	sadd.s32 @!p0 $0x100000, s0  }
0xa7: {  	[sflag:s0] =	ssyncadd.tile.s32 @!p0 $0x1;
	_ =	shalt  }
.Lfunc_end2:
_tile_overlayer_lowered:
.L_overlay_start_2:
0xa8: {  	(tag) =	ssettag $0x2  }
0xa9: {  	s0 =	rddreg [dreg:$0x0];
	s2 =	stileid.u32  }
0xaa: {  	s1 =	rddreg [dreg:$0x1];
	p0 =	sne.s32 s2, $0x0  }
0xab: {  	s3 =	rddreg [dreg:$0x2];
	[bflag:$0x3] =	sbarrier.arrive $0xFFFF;
	s2 =	simm.s32 @!p0 $0x1C0B  }
0xac: {  	[timem:s3], [sflag:s2] =	dma.local @!p0 [hbm:s0], s1  }
0xad: {  	s0 =	simm.s32 @!p0 $0xB  }
0xae: {  	_ =	swait.ge @!p0 [sflag:s0], s1  }
0xaf: {  	s1 =	ssub.s32 @!p0 $0x0, s1;
	[sflag:s0] =	ssyncset.done @!p0 $0x0  }
0xb0: {  	[sflag:s0] =	ssyncadd.s32 @!p0 s1  }
0xb1: {  	[bflag:$0x3] =	sbarrier.arrive $0xFFFF  }
0xb2: {  	_ =	shalt  }

// kernel: kernel.14.cloned.1.call-start
scs
__scs_entry_jumppad:
0x0: {  	(pc) =	sbr.rel $0x88, $3  }
0x1: {  	(tag) =	ssettag $0x0;
	lr =	simm.s32 $0x1  }
0x2: {  	[smem:$0x3F9B] =	sst lr;
	_ =	strace $0xD0000000  }
0x3: {  	_ = 	snop  }
0x4: {  	_ = 	snop  }
0x5: {  	_ = 	snop  }
0x6: {  	_ = 	snop  }
0x7: {  	_ = 	snop  }
__scs_overlays_trampoline_lowered:
0x8: {  	[smem:$0x3FAA] =	sst s0  }
0x9: {  	[smem:$0x3FAB] =	sst s1  }
0xa: {  	[smem:$0x3FAC] =	sst s2  }
0xb: {  	[smem:$0x3FAD] =	sst s3  }
0xc: {  	[smem:$0x3FAE] =	sst s4  }
0xd: {  	[smem:$0x3FAF] =	sst s5  }
0xe: {  	[smem:$0x3FB0] =	sst s6  }
0xf: {  	[smem:$0x3FB1] =	sst s7  }
0x10: {  	[smem:$0x3FB2] =	sst s8  }
0x11: {  	[smem:$0x3FB3] =	sst s9;
	s0 =	simm.s32 @!p0 $0x0  }
0x12: {  	s1 =	sld [smem:$0x3F99];
	s0 =	simm.s32 @p0 $0x1  }
0x13: {  	[smem:$0x3FB4] =	sst s0;
	s0 =	simm.s32 @!p1 $0x0  }
0x14: {  	s2 =	sld [smem:$0x3F98];
	s0 =	simm.s32 @p1 $0x1  }
0x15: {  	[smem:$0x3FB5] =	sst s0;
	s0 =	simm.s32 @!p2 $0x0  }
0x16: {  	s3 =	sld [smem:$0x3FDB];
	s0 =	simm.s32 @p2 $0x1  }
0x17: {  	s4 =	simm.s32 $0x1BF5;
	[smem:$0x3FB7] =	sst s0  }
0x18: {  	s0 =	sld [smem:$0x3F9A];
	_ =	swait.ge [sflag:s4], $0x0  }
0x19: {  	s7 =	sld [smem:$0x3F9B]  }
0x1a: {  	s8 =	sadd.s32 $0xFFFFE003, lr  }
0x1b: {  	s9 =	sadd.s32 $0xFFFFFEF7, lr;
	s5 =	simm.s32 $0xFFFFFFFF;
	p2 =	slt.u32 s8, $0xFFFFF086  }
0x1c: {  	p1 =	slt.u32 s9, $0xF7A;
	s5 =	simm.s32 @!p2 $0x0  }
0x1d: {  	s5 =	simm.s32 @p1 $0x1;
	p0 =	seq.s32 s7, s2  }
0x1e: {  	s7 =	smul.u32 @!p0 $0xF7A, s2;
	p2 =	seq.s32 @!p0 s5, $0x0  }
0x1f: {  	s9 =	smul.u32 $0xF7A, s1;
	s8 =	simm.s32 @!p0 $0x1BF5;
	p2 =	por !p2, p0  }
0x20: {  	[sflag:s8] =	ssyncset.s32 @!p0 $0xFFFFF086;
	s6 =	sadd.s32 @!p0 s3, s7;
	s7 =	simm.s32 @!p0 $0x108  }
0x21: {  	s3 =	sadd.s32 s3, s9;
	s6 =	sadd.s32 @!p0 $0x88, s6;
	s7 =	simm.s32 @p2 $0x1082  }
0x22: {  	[simem:s7], [sflag:s8] =	dma.local @!p0 [hbm:s6], $0xF7A  }
0x23: {  	s9 =	sor.u32 $0xD0000000, s2;
	s6 =	simm.s32 $0x108;
	_ =	swait.ge @!p0 [sflag:s8], $0x0  }
0x24: {  	s3 =	sadd.s32 $0x88, s3;
	s6 =	simm.s32 @!p1 $0x1082;
	[sflag:s4] =	ssyncset.s32 $0xFFFFF086  }
0x25: {  	[simem:s6], [sflag:s4] =	dma.local [hbm:s3], $0xF7A  }
0x26: {  	[smem:$0x3F9B] =	sst s1;
	(tag) =	ssettag s2;
	_ =	strace s9  }
0x27: {  	s1 =	sld [smem:$0x3FAB]  }
0x28: {  	s2 =	sld [smem:$0x3FAC]  }
0x29: {  	s4 =	sld [smem:$0x3FAE]  }
0x2a: {  	p0 =	seq.s32 s5, $0x0;
	s5 =	sld [smem:$0x3FAF]  }
0x2b: {  	s6 =	sld [smem:$0x3FB0]  }
0x2c: {  	s7 =	sld [smem:$0x3FB1]  }
0x2d: {  	s3 =	simm.s32 $0x108;
	s8 =	sld [smem:$0x3FB2]  }
0x2e: {  	s3 =	simm.s32 @!p0 $0x1082;
	s9 =	sld [smem:$0x3FB3]  }
0x2f: {  	lr =	sadd.s32 s0, s3;
	s0 =	sld [smem:$0x3FAA]  }
0x30: {  	s3 =	sld [smem:$0x3FAD]  }
0x31: {  	[smem:$0x3FB6] =	sst s10  }
0x32: {  	s10 =	sld [smem:$0x3FB4];
	_ =	sdelay $0x3  }
0x33: {  	p0 =	seq.s32 s10, $0x1;
	s10 =	sld [smem:$0x3FB6];
	_ =	sdelay $0x3  }
0x34: {  	[smem:$0x3FB6] =	sst s10  }
0x35: {  	s10 =	sld [smem:$0x3FB5];
	_ =	sdelay $0x3  }
0x36: {  	p1 =	seq.s32 s10, $0x1;
	s10 =	sld [smem:$0x3FB6];
	_ =	sdelay $0x3  }
0x37: {  	[smem:$0x3FB6] =	sst s10  }
0x38: {  	s10 =	sld [smem:$0x3FB7]  }
0x39: {  	_ = 	snop;
	(pc) =	sbr.ind lr, $3  }
0x3a: {  	_ = 	snop  }
0x3b: {  	_ = 	snop  }
0x3c: {  	p2 =	seq.s32 s10, $0x1;
	s10 =	sld [smem:$0x3FB6]  }
0x3d: {  	_ =	shalt  }
0x3e: {  	_ =	shalt  }
0x3f: {  	_ =	shalt  }
0x40: {  	_ =	shalt  }
0x41: {  	_ =	shalt  }
0x42: {  	_ =	shalt  }
0x43: {  	_ =	shalt  }
0x44: {  	_ =	shalt  }
0x45: {  	_ =	shalt  }
0x46: {  	_ =	shalt  }
0x47: {  	_ =	shalt  }
0x48: {  	_ =	shalt  }
0x49: {  	_ =	shalt  }
0x4a: {  	_ =	shalt  }
0x4b: {  	_ =	shalt  }
0x4c: {  	_ =	shalt  }
0x4d: {  	_ =	shalt  }
0x4e: {  	_ =	shalt  }
0x4f: {  	_ =	shalt  }
0x50: {  	_ =	shalt  }
0x51: {  	_ =	shalt  }
0x52: {  	_ =	shalt  }
0x53: {  	_ =	shalt  }
0x54: {  	_ =	shalt  }
0x55: {  	_ =	shalt  }
0x56: {  	_ =	shalt  }
0x57: {  	_ =	shalt  }
0x58: {  	_ =	shalt  }
0x59: {  	_ =	shalt  }
0x5a: {  	_ =	shalt  }
0x5b: {  	_ =	shalt  }
0x5c: {  	_ =	shalt  }
0x5d: {  	_ =	shalt  }
0x5e: {  	_ =	shalt  }
0x5f: {  	_ =	shalt  }
0x60: {  	_ =	shalt  }
0x61: {  	_ =	shalt  }
0x62: {  	_ =	shalt  }
0x63: {  	_ =	shalt  }
0x64: {  	_ =	shalt  }
0x65: {  	_ =	shalt  }
0x66: {  	_ =	shalt  }
0x67: {  	_ =	shalt  }
0x68: {  	_ =	shalt  }
0x69: {  	_ =	shalt  }
0x6a: {  	_ =	shalt  }
0x6b: {  	_ =	shalt  }
0x6c: {  	_ =	shalt  }
0x6d: {  	_ =	shalt  }
0x6e: {  	_ =	shalt  }
0x6f: {  	_ =	shalt  }
0x70: {  	_ =	shalt  }
0x71: {  	_ =	shalt  }
0x72: {  	_ =	shalt  }
0x73: {  	_ =	shalt  }
0x74: {  	_ =	shalt  }
0x75: {  	_ =	shalt  }
0x76: {  	_ =	shalt  }
0x77: {  	_ =	shalt  }
0x78: {  	_ =	shalt  }
0x79: {  	_ =	shalt  }
0x7a: {  	_ =	shalt  }
0x7b: {  	_ =	shalt  }
0x7c: {  	_ =	shalt  }
0x7d: {  	_ =	shalt  }
0x7e: {  	_ =	shalt  }
0x7f: {  	_ =	shalt  }
0x80: {  	_ =	shalt  }
0x81: {  	_ =	shalt  }
0x82: {  	_ =	shalt  }
0x83: {  	_ =	shalt  }
0x84: {  	_ =	shalt  }
0x85: {  	_ =	shalt  }
0x86: {  	_ =	shalt  }
0x87: {  	_ =	shalt  }
.Lfunc_end0:
.L_simem_size_0:
called_computation.2_lowered:
.L_overlay_start_0:
0x88: {  	s2 =	sld [smem:$0x3FD9]  }
0x89: {  	s3 =	sld [smem:$0x3FFE];
	_ =	sdelay $0x1  }
0x8a: {  	s1 =	srdreg.scid  }
0x8b: {  	s0 =	sand.u32 $0x1, s1  }
0x8c: {  	s17 =	sshll.u32 s0, $0xA;
	s2 =	sadd.s32 s3, s2  }
0x8d: {  	s2 =	sadd.s32 s2, s17  }
0x8e: {  	[smem:$0x3FC2] =	sst s2  }
0x8f: {  	_ = 	snop  }
0x90: {  	s2 =	sld [smem:$0x3FD0];
	(tm) =	ssettm $0x1  }
0x91: {  	s18 =	sld [smem:$0x3FFB];
	_ =	sdelay $0x3  }
0x92: {  	_ =	strace s18  }
0x93: {  	s3 =	sld [smem:$0x3FFC];
	_ =	sdelay $0x3  }
0x94: {  	_ =	strace s3  }
0x95: {  	s3 =	sld [smem:$0x3FFD];
	_ =	sdelay $0x3  }
0x96: {  	_ =	strace s3  }
0x97: {  	_ =	strace $0x8FFFFFFF  }
0x98: {  	s19 =	sld [smem:$0x3FDB];
	_ =	sdelay $0x1  }
0x99: {  	s4 =	simm.s32 $_scs_section_size  }
0x9a: {  	s5 =	simm.s32 $_size__tile_overlayer_lowered;
	s6 =	simm.s32 $_tile_overlayer_lowered  }
0x9b: {  	s22 =	simm.s32 $0x1BFF;
	s21 =	sshll.u32 s6, $0x1;
	s3 =	sadd.s32 s4, s19  }
0x9c: {  	s7 =	simm.s32 $0x0;
	s20 =	sshll.u32 s5, $0x1;
	s5 =	sadd.s32 s21, s3  }
0x9d: {  	[timem:s7], [sflag:s22] =	dma.local [hbm:s5], s20  }
0x9e: {  	_ =	swait.ge [sflag:s22], s20  }
0x9f: {  	s4 =	ssub.s32 $0x0, s20;
	[sflag:s22] =	ssyncset.done $0x0  }
0xa0: {  	[sflag:s22] =	ssyncadd.s32 s4;
	_ =	sdelay $0x1  }
0xa1: {  	s23 =	simm.s32 $0x1B8B  }
0xa2: {  	_ =	swait.ge [sflag:s23], $0x1  }
0xa3: {  	[sflag:s23] =	ssyncset.done $0x0  }
0xa4: {  	s25 =	simm.s32 $0x1B8E;
	s24 =	sld [smem:$0x3FFE];
	[sflag:s23] =	ssyncadd.s32 $0xFFFFFFFF  }
0xa5: {  	s26 =	simm.s32 $execute0_lowered;
	[smem:$0x3FD2] =	sst s25  }
0xa6: {  	s5 =	sshll.u32 s26, $0x1;
	_ =	strace $0x8000004C;
	[dreg:$0x1] =	wrdreg $0xFFFFFFFF  }
0xa7: {  	s28 =	simm.s32 $_size_execute0_lowered;
	s3 =	sadd.s32 s3, s5;
	[dreg:$0x0] =	wrdreg $0x0  }
0xa8: {  	s5 =	sshll.u32 s28, $0x1;
	[dreg:$0x2] =	wrdreg s3  }
0xa9: {  	[dreg:$0x3] =	wrdreg s5  }
0xaa: {  	[dreg:$0x4] =	wrdreg $0xC0  }
0xab: {  	_ =	task [dreg:s7], $0x5FFFF  }
0xac: {  	[dreg:$0x1] =	wrdreg $0xFFFFFFFF  }
0xad: {  	[dreg:$0x0] =	wrdreg $0x60  }
0xae: {  	[dreg:$0x2] =	wrdreg s2  }
0xaf: {  	[dreg:$0x3] =	wrdreg s24  }
0xb0: {  	[dreg:$0x4] =	wrdreg $0x0  }
0xb1: {  	[dreg:$0x5] =	wrdreg $0x9  }
0xb2: {  	_ =	task.clear_ibuf [dreg:s7], $0x6FFFF;
	_ =	strace $0x9000004C  }
0xb3: {  	s29 =	simm.s32 $0x9;
	_ =	strace $0x8000004E  }
0xb4: {  	_ =	swait.ge [sflag:s29], $0x1  }
0xb5: {  	[sflag:s29] =	ssyncadd.s32 $0xFFFFFFFF  }
0xb6: {  	_ =	strace $0x9000004E  }
0xb7: {  	_ =	sfence  }
0xb8: {  	s30 =	sld [smem:$0x0];
	_ =	sdelay $0x2  }
0xb9: {  	s31 =	sshll.u32 s1, $0xD;
	s1 =	sshrl.u32 s1, $0x2  }
0xba: {  	s3 =	sand.u32 $0x4000, s31;
	s1 =	sadd.s32 s1, s30  }
0xbb: {  	s0 =	sor.u32 s3, s0;
	s1 =	sshll.u32 s1, $0x11  }
0xbc: {  	s0 =	sor.u32 s1, s0  }
0xbd: {  	s0 =	sadd.s32 $0x8F2B, s0  }
0xbe: {  	[sflag:s0] =	ssyncadd.remote.s32 $0x1  }
0xbf: {  	_ =	sfence.sel $0xFFFF  }
0xc0: {  	[dreg:$0x0] =	wrdreg $0xFFFFFFFF;
	(pc) =	sbr.abs _section_cstart, $3  }
0xc1: {  	[dreg:$0x1] =	wrdreg $0xFFFFFFFF  }
0xc2: {  	_ =	task.clear_ibuf [dreg:s7], $0x2FFFF;
	_ =	strace $0x9FFFFFFF  }
0xc3: {  	(tm) =	ssettm $0x7FFFFFFF  }
tec
execute0_lowered:
.L_overlay_start_1:
0x0: {  	(tag) =	ssettag $0x1  }
0x1: {  	s0 =	srdreg.scid;
	s1 =	rddreg [dreg:$0x0]  }
0x2: {  	s4 =	stileid.u32;
	s6 =	rddreg [dreg:$0x1]  }
0x3: {  	s3 =	rddreg [dreg:$0x2];
	s5 =	simm.s32 $0x0;
	s12 =	simm.s32 $0xB  }
0x4: {  	s13 =	simm.s32 $0x13880;
	s15 =	simm.s32 $0x28;
	s16 =	simm.s32 $0x186A0  }
0x5: {  	s18 =	simm.s32 $0x19AA0;
	s20 =	simm.s32 $0x1AEA0;
	s22 =	simm.s32 $0x1C2A0  }
0x6: {  	s24 =	simm.s32 $0x1D6A0;
	s28 =	simm.s32 $0x2;
	s29 =	simm.s32 $0x7  }
0x7: {  	s30 =	simm.s32 $0x3;
	s31 =	simm.s32 $0x8;
	s14 =	simm.s32 $0x5  }
0x8: {  	s17 =	simm.s32 $0xA;
	s23 =	simm.s32 $0x0;
	s0 =	sand.u32 $0x1, s0  }
0x9: {  	s7 =	smul.u32 $0x13880, s4;
	[smem:$0x7FF] =	sst s5;
	s5 =	sadd.s32 $0x16600, s6  }
0xa: {  	s26 =	sshll.u32 s4, $0x6;
	s2 =	sshll.u32 s0, $0x4;
	s25 =	smul.u32 $0x138800, s0  }
0xb: {  	_ =	strace $0x8000004D;
	s0 =	ssub.s32 $0x2, s0;
	s2 =	sor.u32 s4, s2  }
0xc: {  	s9 =	sshrl.u32 s0, $0x1;
	s11 =	sadd.s32 s7, s3;
	s2 =	smul.u32 $0x4E2, s2  }
0xd: {  	s8 =	sadd.s32 s7, s25;
	s0 =	ssub.s32 s0, s9;
	s11 =	sshrl.u32 s11, $0x3  }
0xe: {  	s25 =	simm.s32 $0x1;
	s8 =	sshrl.u32 s8, $0x3;
	s2 =	sadd.s32 s2, s6  }
0xf: {  	s10 =	sadd.s32 s8, s6;
	s6 =	sor.u32 $0x1C0B, s26;
	s26 =	simm.s32 $0x6  }
0x10: {  	s7 =	sadd.s32 $0x2A00, s2;
	s8 =	sadd.s32 $0xC800, s2;
	s9 =	sadd.s32 $0x18E00, s10  }
0x11: {  	s10 =	smax.u32 s0, $0x1;
	s2 =	simm.s32 $0x4;
	s0 =	simm.s32 $0x9  }
.LBB2_1:
0x12: {  	[spmem:s11], [sflag:s6] =	dma.local [hbm:s5], $0x2710  }
0x13: {  	_ =	swait.ge [sflag:s12], $0x2710  }
0x14: {  	[sflag:s12] =	ssyncset.done $0x0  }
0x15: {  	s4 =	simm.s32 $0x0;
	[sflag:s12] =	ssyncadd.s32 $0xFFFFD8F0  }
0x16: {  	[tilespmem:s13], [sflag:$0xB] =	stream.linear.gather [hbm4b:s7+s4], $0x2710, $0x38;
	[tilespmem:$0x1EAA0] =	vst v63  }
0x17: {  	_ =	swait.ge [sflag:s12], $0x2710  }
0x18: {  	[sflag:s12] =	ssyncset.done $0x0  }
0x19: {  	s19 =	simm.s32 $0x15F90;
	[sflag:s12] =	ssyncadd.s32 $0xFFFFD8F0  }
0x1a: {  	[tilespmem:s19], [sflag:$0xB] =	stream.linear.gather [hbm4b:s8+s4], $0x2710, $0x38;
	[tilespmem:$0x1EAA0] =	vst v63  }
0x1b: {  	_ =	swait.ge [sflag:s12], $0x2710  }
0x1c: {  	[sflag:s12] =	ssyncset.done $0x0  }
0x1d: {  	[sflag:s12] =	ssyncadd.s32 $0xFFFFD8F0  }
0x1e: {  	[bflag:$0x0] =	sbarrier.arrive $0xFFFF  }
0x1f: {  	[tilespmem:s16], [sflag:$0x1] =	stream.indirect.gather [hbm4b:s1+s15], $0x80, s13, s15, $0xb8;
	[tilespmem:$0x1EAA0] =	vst v63  }
0x20: {  	s21 =	simm.s32 $0x138A8  }
0x21: {  	[tilespmem:s18], [sflag:$0x2] =	stream.indirect.gather [hbm4b:s1+s15], $0x80, s21, s15, $0xb8;
	[tilespmem:$0x1EAA0] =	vst v63  }
0x22: {  	s19 =	simm.s32 $0x138D0  }
0x23: {  	[tilespmem:s20], [sflag:$0x3] =	stream.indirect.gather [hbm4b:s1+s15], $0x80, s19, s15, $0xb8;
	[tilespmem:$0x1EAA0] =	vst v63  }
0x24: {  	s21 =	simm.s32 $0x138F8  }
0x25: {  	[tilespmem:s22], [sflag:$0x4] =	stream.indirect.gather [hbm4b:s1+s15], $0x80, s21, s15, $0xb8;
	[tilespmem:$0x1EAA0] =	vst v63  }
0x26: {  	s19 =	simm.s32 $0x13920  }
0x27: {  	[tilespmem:s24], [sflag:$0x5] =	stream.indirect.gather [hbm4b:s1+s15], $0x80, s19, s15, $0xb8;
	[tilespmem:$0x1EAA0] =	vst v63  }
0x28: {  	_ =	swait.ge [sflag:s25], $0x1400  }
0x29: {  	[sflag:s25] =	ssyncset.done $0x0  }
0x2a: {  	s21 =	simm.s32 $0x15F90;
	[sflag:s25] =	ssyncadd.s32 $0xFFFFEC00  }
0x2b: {  	[spmem:s3] =	stream.indirect.scatter.add.f32 [tilespmem:s16], [sflag:$0x6], $0x80, s21, s15, $0xb8;
	[tilespmem:$0x1EAA0] =	vst v63  }
0x2c: {  	_ =	swait.ge [sflag:s26], $0x1400  }
0x2d: {  	[sflag:s26] =	ssyncset.done $0x0  }
0x2e: {  	s4 =	simm.s32 $0x13948;
	[sflag:s26] =	ssyncadd.s32 $0xFFFFEC00  }
0x2f: {  	[tilespmem:s16], [sflag:$0x1] =	stream.indirect.gather [hbm4b:s1+s15], $0x80, s4, s15, $0xb8;
	[tilespmem:$0x1EAA0] =	vst v63  }
0x30: {  	_ =	swait.ge [sflag:s28], $0x1400  }
0x31: {  	[sflag:s28] =	ssyncset.done $0x0  }
0x32: {  	s21 =	simm.s32 $0x15FB8;
	[sflag:s28] =	ssyncadd.s32 $0xFFFFEC00  }
0x33: {  	[spmem:s3] =	stream.indirect.scatter.add.f32 [tilespmem:s18], [sflag:$0x7], $0x80, s21, s15, $0xb8;
	[tilespmem:$0x1EAA0] =	vst v63  }
0x34: {  	_ =	swait.ge [sflag:s29], $0x1400  }
0x35: {  	[sflag:s29] =	ssyncset.done $0x0  }
0x36: {  	s4 =	simm.s32 $0x13970;
	[sflag:s29] =	ssyncadd.s32 $0xFFFFEC00  }
0x37: {  	[tilespmem:s18], [sflag:$0x2] =	stream.indirect.gather [hbm4b:s1+s15], $0x80, s4, s15, $0xb8;
	[tilespmem:$0x1EAA0] =	vst v63  }
0x38: {  	_ =	swait.ge [sflag:s30], $0x1400  }
0x39: {  	[sflag:s30] =	ssyncset.done $0x0  }
0x3a: {  	s21 =	simm.s32 $0x15FE0;
	[sflag:s30] =	ssyncadd.s32 $0xFFFFEC00  }
0x3b: {  	[spmem:s3] =	stream.indirect.scatter.add.f32 [tilespmem:s20], [sflag:$0x8], $0x80, s21, s15, $0xb8;
	[tilespmem:$0x1EAA0] =	vst v63  }
0x3c: {  	_ =	swait.ge [sflag:s31], $0x1400  }
0x3d: {  	[sflag:s31] =	ssyncset.done $0x0  }
0x3e: {  	s4 =	simm.s32 $0x13998;
	[sflag:s31] =	ssyncadd.s32 $0xFFFFEC00  }
0x3f: {  	[tilespmem:s20], [sflag:$0x3] =	stream.indirect.gather [hbm4b:s1+s15], $0x80, s4, s15, $0xb8;
	[tilespmem:$0x1EAA0] =	vst v63  }
0x40: {  	_ =	swait.ge [sflag:s2], $0x1400  }
0x41: {  	[sflag:s2] =	ssyncset.done $0x0  }
0x42: {  	s21 =	simm.s32 $0x16008;
	[sflag:s2] =	ssyncadd.s32 $0xFFFFEC00  }
0x43: {  	[spmem:s3] =	stream.indirect.scatter.add.f32 [tilespmem:s22], [sflag:$0x9], $0x80, s21, s15, $0xb8;
	[tilespmem:$0x1EAA0] =	vst v63  }
0x44: {  	_ =	swait.ge [sflag:s0], $0x1400  }
0x45: {  	[sflag:s0] =	ssyncset.done $0x0  }
0x46: {  	s4 =	simm.s32 $0x139C0;
	[sflag:s0] =	ssyncadd.s32 $0xFFFFEC00  }
0x47: {  	[tilespmem:s22], [sflag:$0x4] =	stream.indirect.gather [hbm4b:s1+s15], $0x80, s4, s15, $0xb8;
	[tilespmem:$0x1EAA0] =	vst v63  }
0x48: {  	_ =	swait.ge [sflag:s14], $0x1400  }
0x49: {  	[sflag:s14] =	ssyncset.done $0x0  }
0x4a: {  	s21 =	simm.s32 $0x16030;
	[sflag:s14] =	ssyncadd.s32 $0xFFFFEC00  }
0x4b: {  	[spmem:s3] =	stream.indirect.scatter.add.f32 [tilespmem:s24], [sflag:$0xA], $0x80, s21, s15, $0xb8;
	[tilespmem:$0x1EAA0] =	vst v63  }
0x4c: {  	_ =	swait.ge [sflag:s17], $0x1400  }
0x4d: {  	[sflag:s17] =	ssyncset.done $0x0  }
0x4e: {  	s19 =	simm.s32 $0x320;
	s21 =	simm.s32 $0x139E8;
	[sflag:s17] =	ssyncadd.s32 $0xFFFFEC00  }
.LBB2_2:
0x4f: {  	[tilespmem:s24], [sflag:$0x5] =	stream.indirect.gather [hbm4b:s1+s15], $0x80, s21, s15, $0xb8;
	[tilespmem:$0x1EAA0] =	vst v63  }
0x50: {  	s21 =	smov.u32 s19  }
0x51: {  	p0 =	sne.s32 s19, $0x9600;
	s19 =	sadd.s32 $0x320, s19;
	_ =	swait.ge [sflag:s25], $0x1400  }
0x52: {  	s21 =	sshra.s32 s21, $0x2;
	[sflag:s25] =	ssyncset.done $0x0  }
0x53: {  	s4 =	sadd.s32 $0x15F90, s21;
	[sflag:s25] =	ssyncadd.s32 $0xFFFFEC00  }
0x54: {  	[spmem:s3] =	stream.indirect.scatter.add.f32 [tilespmem:s16], [sflag:$0x6], $0x80, s4, s15, $0xb8;
	[tilespmem:$0x1EAA0] =	vst v63  }
0x55: {  	_ =	swait.ge [sflag:s26], $0x1400  }
0x56: {  	[sflag:s26] =	ssyncset.done $0x0  }
0x57: {  	s4 =	sadd.s32 $0x13948, s21;
	[sflag:s26] =	ssyncadd.s32 $0xFFFFEC00  }
0x58: {  	[tilespmem:s16], [sflag:$0x1] =	stream.indirect.gather [hbm4b:s1+s15], $0x80, s4, s15, $0xb8;
	[tilespmem:$0x1EAA0] =	vst v63  }
0x59: {  	_ =	swait.ge [sflag:s28], $0x1400  }
0x5a: {  	[sflag:s28] =	ssyncset.done $0x0  }
0x5b: {  	s4 =	sadd.s32 $0x15FB8, s21;
	[sflag:s28] =	ssyncadd.s32 $0xFFFFEC00  }
0x5c: {  	[spmem:s3] =	stream.indirect.scatter.add.f32 [tilespmem:s18], [sflag:$0x7], $0x80, s4, s15, $0xb8;
	[tilespmem:$0x1EAA0] =	vst v63  }
0x5d: {  	_ =	swait.ge [sflag:s29], $0x1400  }
0x5e: {  	[sflag:s29] =	ssyncset.done $0x0  }
0x5f: {  	s4 =	sadd.s32 $0x13970, s21;
	[sflag:s29] =	ssyncadd.s32 $0xFFFFEC00  }
0x60: {  	[tilespmem:s18], [sflag:$0x2] =	stream.indirect.gather [hbm4b:s1+s15], $0x80, s4, s15, $0xb8;
	[tilespmem:$0x1EAA0] =	vst v63  }
0x61: {  	_ =	swait.ge [sflag:s30], $0x1400  }
0x62: {  	[sflag:s30] =	ssyncset.done $0x0  }
0x63: {  	s4 =	sadd.s32 $0x15FE0, s21;
	[sflag:s30] =	ssyncadd.s32 $0xFFFFEC00  }
0x64: {  	[spmem:s3] =	stream.indirect.scatter.add.f32 [tilespmem:s20], [sflag:$0x8], $0x80, s4, s15, $0xb8;
	[tilespmem:$0x1EAA0] =	vst v63  }
0x65: {  	_ =	swait.ge [sflag:s31], $0x1400  }
0x66: {  	[sflag:s31] =	ssyncset.done $0x0  }
0x67: {  	s4 =	sadd.s32 $0x13998, s21;
	[sflag:s31] =	ssyncadd.s32 $0xFFFFEC00  }
0x68: {  	[tilespmem:s20], [sflag:$0x3] =	stream.indirect.gather [hbm4b:s1+s15], $0x80, s4, s15, $0xb8;
	[tilespmem:$0x1EAA0] =	vst v63  }
0x69: {  	_ =	swait.ge [sflag:s2], $0x1400  }
0x6a: {  	[sflag:s2] =	ssyncset.done $0x0  }
0x6b: {  	s4 =	sadd.s32 $0x16008, s21;
	[sflag:s2] =	ssyncadd.s32 $0xFFFFEC00  }
0x6c: {  	[spmem:s3] =	stream.indirect.scatter.add.f32 [tilespmem:s22], [sflag:$0x9], $0x80, s4, s15, $0xb8;
	[tilespmem:$0x1EAA0] =	vst v63  }
0x6d: {  	_ =	swait.ge [sflag:s0], $0x1400  }
0x6e: {  	[sflag:s0] =	ssyncset.done $0x0  }
0x6f: {  	s4 =	sadd.s32 $0x139C0, s21;
	[sflag:s0] =	ssyncadd.s32 $0xFFFFEC00  }
0x70: {  	[tilespmem:s22], [sflag:$0x4] =	stream.indirect.gather [hbm4b:s1+s15], $0x80, s4, s15, $0xb8;
	[tilespmem:$0x1EAA0] =	vst v63  }
0x71: {  	_ =	swait.ge [sflag:s14], $0x1400  }
0x72: {  	[sflag:s14] =	ssyncset.done $0x0  }
.Ltmp0:
0x73: {  	s4 =	sadd.s32 $0x16030, s21;
	[sflag:s14] =	ssyncadd.s32 $0xFFFFEC00;
	(pc) =	sbr.rel @p0 .LBB2_2-.Ltmp0, $4  }
0x74: {  	[spmem:s3] =	stream.indirect.scatter.add.f32 [tilespmem:s24], [sflag:$0xA], $0x80, s4, s15, $0xb8;
	[tilespmem:$0x1EAA0] =	vst v63  }
0x75: {  	_ =	swait.ge [sflag:s17], $0x1400  }
0x76: {  	[sflag:s17] =	ssyncset.done $0x0  }
0x77: {  	s21 =	sadd.s32 $0x139E8, s21;
	[sflag:s17] =	ssyncadd.s32 $0xFFFFEC00  }
0x78: {  	[tilespmem:s24], [sflag:$0x5] =	stream.indirect.gather [hbm4b:s1+s15], $0x80, s21, s15, $0xb8;
	[tilespmem:$0x1EAA0] =	vst v63  }
0x79: {  	_ =	swait.ge [sflag:s25], $0x1400  }
0x7a: {  	[sflag:s25] =	ssyncset.done $0x0  }
0x7b: {  	s4 =	simm.s32 $0x185D8;
	[sflag:s25] =	ssyncadd.s32 $0xFFFFEC00  }
0x7c: {  	[spmem:s3] =	stream.indirect.scatter.add.f32 [tilespmem:s16], [sflag:$0x6], $0x80, s4, s15, $0xb8;
	[tilespmem:$0x1EAA0] =	vst v63  }
0x7d: {  	_ =	swait.ge [sflag:s26], $0x1400  }
0x7e: {  	[sflag:s26] =	ssyncset.done $0x0  }
0x7f: {  	[sflag:s26] =	ssyncadd.s32 $0xFFFFEC00  }
0x80: {  	_ =	swait.ge [sflag:s28], $0x1400  }
0x81: {  	[sflag:s28] =	ssyncset.done $0x0  }
0x82: {  	s19 =	simm.s32 $0x18600;
	[sflag:s28] =	ssyncadd.s32 $0xFFFFEC00  }
0x83: {  	[spmem:s3] =	stream.indirect.scatter.add.f32 [tilespmem:s18], [sflag:$0x7], $0x80, s19, s15, $0xb8;
	[tilespmem:$0x1EAA0] =	vst v63  }
0x84: {  	_ =	swait.ge [sflag:s29], $0x1400  }
0x85: {  	[sflag:s29] =	ssyncset.done $0x0  }
0x86: {  	[sflag:s29] =	ssyncadd.s32 $0xFFFFEC00  }
0x87: {  	_ =	swait.ge [sflag:s30], $0x1400  }
0x88: {  	[sflag:s30] =	ssyncset.done $0x0  }
0x89: {  	s21 =	simm.s32 $0x18628;
	[sflag:s30] =	ssyncadd.s32 $0xFFFFEC00  }
0x8a: {  	[spmem:s3] =	stream.indirect.scatter.add.f32 [tilespmem:s20], [sflag:$0x8], $0x80, s21, s15, $0xb8;
	[tilespmem:$0x1EAA0] =	vst v63  }
0x8b: {  	_ =	swait.ge [sflag:s31], $0x1400  }
0x8c: {  	[sflag:s31] =	ssyncset.done $0x0  }
0x8d: {  	[sflag:s31] =	ssyncadd.s32 $0xFFFFEC00  }
0x8e: {  	_ =	swait.ge [sflag:s2], $0x1400  }
0x8f: {  	[sflag:s2] =	ssyncset.done $0x0  }
0x90: {  	s19 =	simm.s32 $0x18650;
	[sflag:s2] =	ssyncadd.s32 $0xFFFFEC00  }
0x91: {  	[spmem:s3] =	stream.indirect.scatter.add.f32 [tilespmem:s22], [sflag:$0x9], $0x80, s19, s15, $0xb8;
	[tilespmem:$0x1EAA0] =	vst v63  }
0x92: {  	_ =	swait.ge [sflag:s0], $0x1400  }
0x93: {  	[sflag:s0] =	ssyncset.done $0x0  }
0x94: {  	[sflag:s0] =	ssyncadd.s32 $0xFFFFEC00  }
0x95: {  	_ =	swait.ge [sflag:s14], $0x1400  }
0x96: {  	[sflag:s14] =	ssyncset.done $0x0  }
0x97: {  	s21 =	simm.s32 $0x18678;
	[sflag:s14] =	ssyncadd.s32 $0xFFFFEC00  }
0x98: {  	[spmem:s3] =	stream.indirect.scatter.add.f32 [tilespmem:s24], [sflag:$0xA], $0x80, s21, s15, $0xb8;
	[tilespmem:$0x1EAA0] =	vst v63  }
0x99: {  	_ =	swait.ge [sflag:s17], $0x1400  }
0x9a: {  	s23 =	sadd.s32 $0x1, s23;
	[sflag:s17] =	ssyncset.done $0x0  }
0x9b: {  	p0 =	sne.s32 s23, s10;
	[sflag:s17] =	ssyncadd.s32 $0xFFFFEC00  }
.Ltmp1:
0x9c: {  	[bflag:$0x0] =	sbarrier.arrive $0xFFFF;
	(pc) =	sbr.rel @p0 .LBB2_1-.Ltmp1, $4  }
0x9d: {  	[hbm:s9], [sflag:s6] =	dma.local [spmem:s11], $0x2710  }
0x9e: {  	_ =	swait.ge [sflag:s12], $0x2710  }
0x9f: {  	[sflag:s12] =	ssyncset.done $0x0  }
0xa0: {  	[sflag:s12] =	ssyncadd.s32 $0xFFFFD8F0  }
0xa1: {  	_ =	sfence.sel $0x180000  }
0xa2: {  	[bflag:$0x0] =	sbarrier.arrive $0xFFFF  }
0xa3: {  	_ =	strace $0x9000004D  }
0xa4: {  	s0 =	stileid.u32;
	[bflag:$0x2] =	sbarrier.arrive $0xFFFF  }
0xa5: {  	p0 =	sne.s32 s0, $0x0;
	s0 =	rddreg [dreg:$0x3]  }
0xa6: {  	s0 =	sadd.s32 @!p0 $0x100000, s0  }
0xa7: {  	[sflag:s0] =	ssyncadd.tile.s32 @!p0 $0x1;
	_ =	shalt  }
.Lfunc_end2:
_tile_overlayer_lowered:
.L_overlay_start_2:
0xa8: {  	(tag) =	ssettag $0x2  }
0xa9: {  	s0 =	rddreg [dreg:$0x0];
	s2 =	stileid.u32  }
0xaa: {  	s1 =	rddreg [dreg:$0x1];
	p0 =	sne.s32 s2, $0x0  }
0xab: {  	s3 =	rddreg [dreg:$0x2];
	[bflag:$0x3] =	sbarrier.arrive $0xFFFF;
	s2 =	simm.s32 @!p0 $0x1C0B  }
0xac: {  	[timem:s3], [sflag:s2] =	dma.local @!p0 [hbm:s0], s1  }
0xad: {  	s0 =	simm.s32 @!p0 $0xB  }
0xae: {  	_ =	swait.ge @!p0 [sflag:s0], s1  }
0xaf: {  	s1 =	ssub.s32 @!p0 $0x0, s1;
	[sflag:s0] =	ssyncset.done @!p0 $0x0  }
0xb0: {  	[sflag:s0] =	ssyncadd.s32 @!p0 s1  }
0xb1: {  	[bflag:$0x3] =	sbarrier.arrive $0xFFFF  }
0xb2: {  	_ =	shalt  }

// kernel: kernel.8.cloned.1.call-start
scs
__scs_entry_jumppad:
0x0: {  	(pc) =	sbr.rel $0x88, $3  }
0x1: {  	(tag) =	ssettag $0x0;
	lr =	simm.s32 $0x1  }
0x2: {  	[smem:$0x3F9B] =	sst lr;
	_ =	strace $0xD0000000  }
0x3: {  	_ = 	snop  }
0x4: {  	_ = 	snop  }
0x5: {  	_ = 	snop  }
0x6: {  	_ = 	snop  }
0x7: {  	_ = 	snop  }
__scs_overlays_trampoline_lowered:
0x8: {  	[smem:$0x3FAA] =	sst s0  }
0x9: {  	[smem:$0x3FAB] =	sst s1  }
0xa: {  	[smem:$0x3FAC] =	sst s2  }
0xb: {  	[smem:$0x3FAD] =	sst s3  }
0xc: {  	[smem:$0x3FAE] =	sst s4  }
0xd: {  	[smem:$0x3FAF] =	sst s5  }
0xe: {  	[smem:$0x3FB0] =	sst s6  }
0xf: {  	[smem:$0x3FB1] =	sst s7  }
0x10: {  	[smem:$0x3FB2] =	sst s8  }
0x11: {  	[smem:$0x3FB3] =	sst s9;
	s0 =	simm.s32 @!p0 $0x0  }
0x12: {  	s1 =	sld [smem:$0x3F99];
	s0 =	simm.s32 @p0 $0x1  }
0x13: {  	[smem:$0x3FB4] =	sst s0;
	s0 =	simm.s32 @!p1 $0x0  }
0x14: {  	s2 =	sld [smem:$0x3F98];
	s0 =	simm.s32 @p1 $0x1  }
0x15: {  	[smem:$0x3FB5] =	sst s0;
	s0 =	simm.s32 @!p2 $0x0  }
0x16: {  	s3 =	sld [smem:$0x3FDB];
	s0 =	simm.s32 @p2 $0x1  }
0x17: {  	s4 =	simm.s32 $0x1BF5;
	[smem:$0x3FB7] =	sst s0  }
0x18: {  	s0 =	sld [smem:$0x3F9A];
	_ =	swait.ge [sflag:s4], $0x0  }
0x19: {  	s7 =	sld [smem:$0x3F9B]  }
0x1a: {  	s8 =	sadd.s32 $0xFFFFE003, lr  }
0x1b: {  	s9 =	sadd.s32 $0xFFFFFEF7, lr;
	s5 =	simm.s32 $0xFFFFFFFF;
	p2 =	slt.u32 s8, $0xFFFFF086  }
0x1c: {  	p1 =	slt.u32 s9, $0xF7A;
	s5 =	simm.s32 @!p2 $0x0  }
0x1d: {  	s5 =	simm.s32 @p1 $0x1;
	p0 =	seq.s32 s7, s2  }
0x1e: {  	s7 =	smul.u32 @!p0 $0xF7A, s2;
	p2 =	seq.s32 @!p0 s5, $0x0  }
0x1f: {  	s9 =	smul.u32 $0xF7A, s1;
	s8 =	simm.s32 @!p0 $0x1BF5;
	p2 =	por !p2, p0  }
0x20: {  	[sflag:s8] =	ssyncset.s32 @!p0 $0xFFFFF086;
	s6 =	sadd.s32 @!p0 s3, s7;
	s7 =	simm.s32 @!p0 $0x108  }
0x21: {  	s3 =	sadd.s32 s3, s9;
	s6 =	sadd.s32 @!p0 $0x88, s6;
	s7 =	simm.s32 @p2 $0x1082  }
0x22: {  	[simem:s7], [sflag:s8] =	dma.local @!p0 [hbm:s6], $0xF7A  }
0x23: {  	s9 =	sor.u32 $0xD0000000, s2;
	s6 =	simm.s32 $0x108;
	_ =	swait.ge @!p0 [sflag:s8], $0x0  }
0x24: {  	s3 =	sadd.s32 $0x88, s3;
	s6 =	simm.s32 @!p1 $0x1082;
	[sflag:s4] =	ssyncset.s32 $0xFFFFF086  }
0x25: {  	[simem:s6], [sflag:s4] =	dma.local [hbm:s3], $0xF7A  }
0x26: {  	[smem:$0x3F9B] =	sst s1;
	(tag) =	ssettag s2;
	_ =	strace s9  }
0x27: {  	s1 =	sld [smem:$0x3FAB]  }
0x28: {  	s2 =	sld [smem:$0x3FAC]  }
0x29: {  	s4 =	sld [smem:$0x3FAE]  }
0x2a: {  	p0 =	seq.s32 s5, $0x0;
	s5 =	sld [smem:$0x3FAF]  }
0x2b: {  	s6 =	sld [smem:$0x3FB0]  }
0x2c: {  	s7 =	sld [smem:$0x3FB1]  }
0x2d: {  	s3 =	simm.s32 $0x108;
	s8 =	sld [smem:$0x3FB2]  }
0x2e: {  	s3 =	simm.s32 @!p0 $0x1082;
	s9 =	sld [smem:$0x3FB3]  }
0x2f: {  	lr =	sadd.s32 s0, s3;
	s0 =	sld [smem:$0x3FAA]  }
0x30: {  	s3 =	sld [smem:$0x3FAD]  }
0x31: {  	[smem:$0x3FB6] =	sst s10  }
0x32: {  	s10 =	sld [smem:$0x3FB4];
	_ =	sdelay $0x3  }
0x33: {  	p0 =	seq.s32 s10, $0x1;
	s10 =	sld [smem:$0x3FB6];
	_ =	sdelay $0x3  }
0x34: {  	[smem:$0x3FB6] =	sst s10  }
0x35: {  	s10 =	sld [smem:$0x3FB5];
	_ =	sdelay $0x3  }
0x36: {  	p1 =	seq.s32 s10, $0x1;
	s10 =	sld [smem:$0x3FB6];
	_ =	sdelay $0x3  }
0x37: {  	[smem:$0x3FB6] =	sst s10  }
0x38: {  	s10 =	sld [smem:$0x3FB7]  }
0x39: {  	_ = 	snop;
	(pc) =	sbr.ind lr, $3  }
0x3a: {  	_ = 	snop  }
0x3b: {  	_ = 	snop  }
0x3c: {  	p2 =	seq.s32 s10, $0x1;
	s10 =	sld [smem:$0x3FB6]  }
0x3d: {  	_ =	shalt  }
0x3e: {  	_ =	shalt  }
0x3f: {  	_ =	shalt  }
0x40: {  	_ =	shalt  }
0x41: {  	_ =	shalt  }
0x42: {  	_ =	shalt  }
0x43: {  	_ =	shalt  }
0x44: {  	_ =	shalt  }
0x45: {  	_ =	shalt  }
0x46: {  	_ =	shalt  }
0x47: {  	_ =	shalt  }
0x48: {  	_ =	shalt  }
0x49: {  	_ =	shalt  }
0x4a: {  	_ =	shalt  }
0x4b: {  	_ =	shalt  }
0x4c: {  	_ =	shalt  }
0x4d: {  	_ =	shalt  }
0x4e: {  	_ =	shalt  }
0x4f: {  	_ =	shalt  }
0x50: {  	_ =	shalt  }
0x51: {  	_ =	shalt  }
0x52: {  	_ =	shalt  }
0x53: {  	_ =	shalt  }
0x54: {  	_ =	shalt  }
0x55: {  	_ =	shalt  }
0x56: {  	_ =	shalt  }
0x57: {  	_ =	shalt  }
0x58: {  	_ =	shalt  }
0x59: {  	_ =	shalt  }
0x5a: {  	_ =	shalt  }
0x5b: {  	_ =	shalt  }
0x5c: {  	_ =	shalt  }
0x5d: {  	_ =	shalt  }
0x5e: {  	_ =	shalt  }
0x5f: {  	_ =	shalt  }
0x60: {  	_ =	shalt  }
0x61: {  	_ =	shalt  }
0x62: {  	_ =	shalt  }
0x63: {  	_ =	shalt  }
0x64: {  	_ =	shalt  }
0x65: {  	_ =	shalt  }
0x66: {  	_ =	shalt  }
0x67: {  	_ =	shalt  }
0x68: {  	_ =	shalt  }
0x69: {  	_ =	shalt  }
0x6a: {  	_ =	shalt  }
0x6b: {  	_ =	shalt  }
0x6c: {  	_ =	shalt  }
0x6d: {  	_ =	shalt  }
0x6e: {  	_ =	shalt  }
0x6f: {  	_ =	shalt  }
0x70: {  	_ =	shalt  }
0x71: {  	_ =	shalt  }
0x72: {  	_ =	shalt  }
0x73: {  	_ =	shalt  }
0x74: {  	_ =	shalt  }
0x75: {  	_ =	shalt  }
0x76: {  	_ =	shalt  }
0x77: {  	_ =	shalt  }
0x78: {  	_ =	shalt  }
0x79: {  	_ =	shalt  }
0x7a: {  	_ =	shalt  }
0x7b: {  	_ =	shalt  }
0x7c: {  	_ =	shalt  }
0x7d: {  	_ =	shalt  }
0x7e: {  	_ =	shalt  }
0x7f: {  	_ =	shalt  }
0x80: {  	_ =	shalt  }
0x81: {  	_ =	shalt  }
0x82: {  	_ =	shalt  }
0x83: {  	_ =	shalt  }
0x84: {  	_ =	shalt  }
0x85: {  	_ =	shalt  }
0x86: {  	_ =	shalt  }
0x87: {  	_ =	shalt  }
.Lfunc_end0:
.L_simem_size_0:
called_computation_lowered:
.L_overlay_start_0:
0x88: {  	s2 =	sld [smem:$0x3FD9]  }
0x89: {  	s3 =	sld [smem:$0x3FFE];
	_ =	sdelay $0x1  }
0x8a: {  	s1 =	srdreg.scid  }
0x8b: {  	s0 =	sand.u32 $0x1, s1  }
0x8c: {  	s17 =	sshll.u32 s0, $0xA;
	s2 =	sadd.s32 s3, s2  }
0x8d: {  	s2 =	sadd.s32 s2, s17  }
0x8e: {  	[smem:$0x3FC2] =	sst s2  }
0x8f: {  	_ = 	snop  }
0x90: {  	s2 =	sld [smem:$0x3FD0];
	(tm) =	ssettm $0x1  }
0x91: {  	s18 =	sld [smem:$0x3FFB];
	_ =	sdelay $0x3  }
0x92: {  	_ =	strace s18  }
0x93: {  	s3 =	sld [smem:$0x3FFC];
	_ =	sdelay $0x3  }
0x94: {  	_ =	strace s3  }
0x95: {  	s3 =	sld [smem:$0x3FFD];
	_ =	sdelay $0x3  }
0x96: {  	_ =	strace s3  }
0x97: {  	_ =	strace $0x8FFFFFFF  }
0x98: {  	s19 =	sld [smem:$0x3FDB];
	_ =	sdelay $0x1  }
0x99: {  	s4 =	simm.s32 $_scs_section_size  }
0x9a: {  	s5 =	simm.s32 $_size__tile_overlayer_lowered;
	s6 =	simm.s32 $_tile_overlayer_lowered  }
0x9b: {  	s22 =	simm.s32 $0x1BFF;
	s21 =	sshll.u32 s6, $0x1;
	s3 =	sadd.s32 s4, s19  }
0x9c: {  	s7 =	simm.s32 $0x0;
	s20 =	sshll.u32 s5, $0x1;
	s5 =	sadd.s32 s21, s3  }
0x9d: {  	[timem:s7], [sflag:s22] =	dma.local [hbm:s5], s20  }
0x9e: {  	_ =	swait.ge [sflag:s22], s20  }
0x9f: {  	s4 =	ssub.s32 $0x0, s20;
	[sflag:s22] =	ssyncset.done $0x0  }
0xa0: {  	[sflag:s22] =	ssyncadd.s32 s4;
	_ =	sdelay $0x1  }
0xa1: {  	s23 =	simm.s32 $0x1B8B  }
0xa2: {  	_ =	swait.ge [sflag:s23], $0x1  }
0xa3: {  	[sflag:s23] =	ssyncset.done $0x0  }
0xa4: {  	s25 =	simm.s32 $0x1B8E;
	s24 =	sld [smem:$0x3FFE];
	[sflag:s23] =	ssyncadd.s32 $0xFFFFFFFF  }
0xa5: {  	s26 =	simm.s32 $execute0_lowered;
	[smem:$0x3FD2] =	sst s25  }
0xa6: {  	s5 =	sshll.u32 s26, $0x1;
	_ =	strace $0x80000046;
	[dreg:$0x1] =	wrdreg $0xFFFFFFFF  }
0xa7: {  	s28 =	simm.s32 $_size_execute0_lowered;
	s3 =	sadd.s32 s3, s5;
	[dreg:$0x0] =	wrdreg $0x0  }
0xa8: {  	s5 =	sshll.u32 s28, $0x1;
	[dreg:$0x2] =	wrdreg s3  }
0xa9: {  	[dreg:$0x3] =	wrdreg s5  }
0xaa: {  	[dreg:$0x4] =	wrdreg $0xC0  }
0xab: {  	_ =	task [dreg:s7], $0x5FFFF  }
0xac: {  	[dreg:$0x1] =	wrdreg $0xFFFFFFFF  }
0xad: {  	[dreg:$0x0] =	wrdreg $0x60  }
0xae: {  	[dreg:$0x2] =	wrdreg s2  }
0xaf: {  	[dreg:$0x3] =	wrdreg s24  }
0xb0: {  	[dreg:$0x4] =	wrdreg $0x0  }
0xb1: {  	[dreg:$0x5] =	wrdreg $0x9  }
0xb2: {  	_ =	task.clear_ibuf [dreg:s7], $0x6FFFF;
	_ =	strace $0x90000046  }
0xb3: {  	s29 =	simm.s32 $0x9;
	_ =	strace $0x80000048  }
0xb4: {  	_ =	swait.ge [sflag:s29], $0x1  }
0xb5: {  	[sflag:s29] =	ssyncadd.s32 $0xFFFFFFFF  }
0xb6: {  	_ =	strace $0x90000048  }
0xb7: {  	_ =	sfence  }
0xb8: {  	s30 =	sld [smem:$0x0];
	_ =	sdelay $0x2  }
0xb9: {  	s31 =	sshll.u32 s1, $0xD;
	s1 =	sshrl.u32 s1, $0x2  }
0xba: {  	s3 =	sand.u32 $0x4000, s31;
	s1 =	sadd.s32 s1, s30  }
0xbb: {  	s0 =	sor.u32 s3, s0;
	s1 =	sshll.u32 s1, $0x11  }
0xbc: {  	s0 =	sor.u32 s1, s0  }
0xbd: {  	s0 =	sadd.s32 $0x8F2B, s0  }
0xbe: {  	[sflag:s0] =	ssyncadd.remote.s32 $0x1  }
0xbf: {  	_ =	sfence.sel $0xFFFF  }
0xc0: {  	[dreg:$0x0] =	wrdreg $0xFFFFFFFF;
	(pc) =	sbr.abs _section_cstart, $3  }
0xc1: {  	[dreg:$0x1] =	wrdreg $0xFFFFFFFF  }
0xc2: {  	_ =	task.clear_ibuf [dreg:s7], $0x2FFFF;
	_ =	strace $0x9FFFFFFF  }
0xc3: {  	(tm) =	ssettm $0x7FFFFFFF  }
tec
execute0_lowered:
.L_overlay_start_1:
0x0: {  	(tag) =	ssettag $0x1  }
0x1: {  	s7 =	rddreg [dreg:$0x0]  }
0x2: {  	s6 =	rddreg [dreg:$0x1]  }
0x3: {  	s2 =	rddreg [dreg:$0x2]  }
0x4: {  	s0 =	rddreg [dreg:$0x3];
	s3 =	simm.s32 $0x0;
	s4 =	srdreg.scid  }
0x5: {  	s1 =	stileid.u32;
	s14 =	simm.s32 $0x7D;
	s15 =	simm.s32 $0x1  }
0x6: {  	s16 =	simm.s32 $0x0;
	[smem:$0x7FF] =	sst s3;
	s8 =	sand.u32 $0x1, s4  }
0x7: {  	s9 =	smul.u32 $0x2710, s1;
	s4 =	sadd.s32 $0x16600, s6;
	s5 =	sadd.s32 $0x16800, s6  }
0x8: {  	s31 =	sshll.u32 s1, $0x6;
	s10 =	smul.u32 $0x27100, s8;
	s11 =	sshll.u32 s8, $0x4  }
0x9: {  	_ =	strace $0x80000047;
	s8 =	ssub.s32 $0x2, s8;
	s11 =	sor.u32 s1, s11  }
0xa: {  	s12 =	sshrl.u32 s8, $0x1;
	s13 =	sadd.s32 s9, s2;
	s10 =	sadd.s32 s9, s10  }
0xb: {  	s11 =	smul.u32 $0x500, s11;
	s12 =	ssub.s32 s8, s12;
	s10 =	sshrl.u32 s10, $0x3  }
0xc: {  	s9 =	smax.u32 s12, $0x1;
	s12 =	simm.s32 $0x4F10;
	s10 =	sadd.s32 s10, s6  }
0xd: {  	s6 =	sor.u32 $0x1C02, s31;
	s7 =	sadd.s32 s7, s11;
	s11 =	simm.s32 $0x2  }
0xe: {  	s8 =	sadd.s32 $0x16E00, s10;
	s10 =	sshrl.u32 s13, $0x3;
	s13 =	simm.s32 $0x2710  }
.LBB2_1:
0xf: {  	[spmem:s10], [sflag:s6] =	dma.local [hbm:s5], $0x4E2  }
0x10: {  	_ =	swait.ge [sflag:s11], $0x4E2  }
0x11: {  	[sflag:s11] =	ssyncset.done $0x0  }
0x12: {  	[sflag:s11] =	ssyncadd.s32 $0xFFFFFB1E  }
0x13: {  	[tilespmem:s12], [sflag:$0x2] =	stream.linear.gather [hbm4b:s4+s3], $0x7D0, $0x38;
	[tilespmem:$0x56E0] =	vst v63  }
0x14: {  	_ =	swait.ge [sflag:s11], $0x7D0  }
0x15: {  	[sflag:s11] =	ssyncset.done $0x0  }
0x16: {  	[sflag:s11] =	ssyncadd.s32 $0xFFFFF830  }
0x17: {  	[tilespmem:s13], [sflag:$0x2] =	stream.linear.gather [hbm4b:s7+s3], $0x2800, $0x38;
	[tilespmem:$0x56E0] =	vst v63  }
0x18: {  	_ =	swait.ge [sflag:s11], $0x2800  }
0x19: {  	[sflag:s11] =	ssyncset.done $0x0  }
0x1a: {  	[sflag:s11] =	ssyncadd.s32 $0xFFFFD800  }
0x1b: {  	s17 =	simm.s32 $0x0;
	[bflag:$0x0] =	sbarrier.arrive $0xFFFF  }
.LBB2_2:
0x1c: {  	p0 =	sne.s32 s17, $0x9E00  }
.Ltmp0:
0x1d: {  	_ = 	snop;
	(pc) =	sbr.rel @p0 .LBB2_2-.Ltmp0, $4  }
0x1e: {  	_ = 	snop  }
0x1f: {  	s18 =	sshra.s32 s17, $0x2  }
0x20: {  	s17 =	sadd.s32 $0x200, s17;
	s18 =	sadd.s32 $0x2710, s18  }
0x21: {  	[spmem:s2] =	stream.indirect.scatter.add.f32 [tilespmem:s12], [sflag:$0x1], $0x10, s18, s14, $0xb8;
	[tilespmem:$0x56E0] =	vst v63  }
0x22: {  	_ =	swait.ge [sflag:s15], $0x7D0  }
0x23: {  	s17 =	simm.s32 $0x4F;
	[sflag:s15] =	ssyncset.done $0x0  }
.LBB2_4:
0x24: {  	p0 =	sne.s32 s17, $0x1;
	s17 =	sadd.s32 $0xFFFFFFFF, s17;
	[sflag:s15] =	ssyncadd.s32 $0xFFFFF830  }
.Ltmp1:
0x25: {  	(pc) =	sbr.rel @p0 .LBB2_4-.Ltmp1, $3  }
0x26: {  	_ =	sdelay $0x1  }
0x27: {  	_ =	swait.ge [sflag:s15], $0x7D0  }
0x28: {  	[sflag:s15] =	ssyncset.done $0x0  }
0x29: {  	s16 =	sadd.s32 $0x1, s16  }
0x2a: {  	[sflag:s15] =	ssyncadd.s32 $0xFFFFF830;
	p0 =	sne.s32 s16, s9  }
.Ltmp2:
0x2b: {  	[bflag:$0x0] =	sbarrier.arrive $0xFFFF;
	(pc) =	sbr.rel @p0 .LBB2_1-.Ltmp2, $4  }
0x2c: {  	[hbm:s8], [sflag:s6] =	dma.local [spmem:s10], $0x4E2  }
0x2d: {  	_ =	swait.ge [sflag:s11], $0x4E2  }
0x2e: {  	[sflag:s11] =	ssyncset.done $0x0  }
0x2f: {  	[sflag:s11] =	ssyncadd.s32 $0xFFFFFB1E  }
0x30: {  	_ =	sfence.sel $0x180000  }
0x31: {  	[bflag:$0x0] =	sbarrier.arrive $0xFFFF  }
0x32: {  	p0 =	sne.s32 s1, $0x0;
	_ =	strace $0x90000047  }
0x33: {  	s0 =	sadd.s32 @!p0 $0x100000, s0;
	[bflag:$0x2] =	sbarrier.arrive $0xFFFF  }
0x34: {  	[sflag:s0] =	ssyncadd.tile.s32 @!p0 $0x1;
	_ =	shalt  }
.Lfunc_end2:
_tile_overlayer_lowered:
.L_overlay_start_2:
0x35: {  	(tag) =	ssettag $0x2  }
0x36: {  	s0 =	rddreg [dreg:$0x0];
	s2 =	stileid.u32  }
0x37: {  	s1 =	rddreg [dreg:$0x1];
	p0 =	sne.s32 s2, $0x0  }
0x38: {  	s3 =	rddreg [dreg:$0x2];
	[bflag:$0x3] =	sbarrier.arrive $0xFFFF;
	s2 =	simm.s32 @!p0 $0x1C02  }
0x39: {  	[timem:s3], [sflag:s2] =	dma.local @!p0 [hbm:s0], s1  }
0x3a: {  	s0 =	simm.s32 @!p0 $0x2  }
0x3b: {  	_ =	swait.ge @!p0 [sflag:s0], s1  }
0x3c: {  	s1 =	ssub.s32 @!p0 $0x0, s1;
	[sflag:s0] =	ssyncset.done @!p0 $0x0  }
0x3d: {  	[sflag:s0] =	ssyncadd.s32 @!p0 s1  }
0x3e: {  	[bflag:$0x3] =	sbarrier.arrive $0xFFFF  }
0x3f: {  	_ =	shalt  }

</sc_bundles>
